<compile_context>
chip_gen: v7x
topology: tpu7x:2x2x1
jax: 0.10.2.dev20260603
libtpu: 0.0.44.dev20260713+nightly
codegen_flags: <defaults>
</compile_context>

<pallas_src>
import functools

import jax
import jax.numpy as jnp
from jax import lax
from jax.experimental import pallas as pl
from jax.experimental.pallas import tpu as pltpu
from jax.experimental.pallas import tpu_sc as plsc

NC = 2
NS = 16
NW = NC * NS
CHUNK = 128


def _prescale_body(h_ref, norm_ref, o_ref):
    o_ref[...] = h_ref[...] * norm_ref[...]


def _finish_body(h_ref, b_ref, norm_ref, a0_ref, a1_ref, d0_ref, d1_ref,
                 hout_ref, bout_ref):
    deg = jnp.maximum(d0_ref[...] + d1_ref[...], 1.0)
    c = (a0_ref[...] + a1_ref[...]) / deg
    bb = b_ref[...]
    l2 = jnp.sqrt(jnp.sum(bb * bb, axis=1, keepdims=True) +
                  jnp.sum(c * c, axis=1, keepdims=True))
    inv = 1.0 / jnp.maximum(l2, 1e-12)
    d = bb.shape[1]
    bout_ref[:, :d] = bb * inv
    bout_ref[:, d:] = c * inv
    hout_ref[...] = h_ref[...] + c * norm_ref[...]


def _make_sc_aggregate(n_pad, d, chunks_per_worker):
    rows_per_tile = n_pad // NS
    half_chunks = chunks_per_worker // 2
    half_edges = half_chunks * CHUNK
    mesh = plsc.VectorSubcoreMesh(core_axis_name="c", subcore_axis_name="s",
                                  num_cores=NC, num_subcores=NS)

    @functools.partial(
        pl.kernel,
        out_type=[
            jax.ShapeDtypeStruct((NC, n_pad, d), jnp.float32),
            jax.ShapeDtypeStruct((NC, n_pad, d), jnp.float32),
        ],
        mesh=mesh,
        scratch_types=[
            pltpu.VMEM((half_edges,), jnp.int32),
            pltpu.VMEM((half_edges,), jnp.int32),
            pltpu.VMEM((CHUNK,), jnp.int32),
            pltpu.VMEM((CHUNK,), jnp.int32),
            pltpu.VMEM((CHUNK, d), jnp.float32),
            pltpu.VMEM((CHUNK, d), jnp.float32),
            pltpu.VMEM_SHARED((n_pad, d), jnp.float32),
            pltpu.SemaphoreType.DMA,
            pltpu.SemaphoreType.DMA,
            pltpu.SemaphoreType.DMA,
            pltpu.SemaphoreType.DMA,
        ],
    )
    def sc_aggregate(hs_hbm, src_hbm, dst_hbm, zero_hbm, ones_hbm,
                     acc_out, deg_out,
                     src_v, dst_v, dstc_a, dstc_b, rows_a, rows_b, acc_sh,
                     sem_a, sem_b, sem_sa, sem_sb):
        cid = lax.axis_index("c")
        sid = lax.axis_index("s")
        wid = cid * NS + sid
        eoff = wid * (chunks_per_worker * CHUNK)

        base = sid * rows_per_tile
        pltpu.sync_copy(zero_hbm, acc_sh.at[pl.ds(base, rows_per_tile)])
        plsc.subcore_barrier()

        def gather(c, rows, sem):
            idx = src_v.at[pl.ds(c * CHUNK, CHUNK)]
            return pltpu.async_copy(hs_hbm.at[idx], rows, sem)

        def gwait(rows, sem):
            pltpu.make_async_copy(
                hs_hbm.at[src_v.at[pl.ds(0, CHUNK)]], rows, sem).wait()

        def prep(c, dstc):
            for j in range(CHUNK // 16):
                dstc[pl.ds(j * 16, 16)] = dst_v[pl.ds(c * CHUNK + j * 16,
                                                      16)]

        def scat(rows, dstc, sem):
            return pltpu.async_copy(rows, acc_sh.at[dstc], sem, add=True)

        def swait(rows, dstc, sem):
            pltpu.make_async_copy(rows, acc_sh.at[dstc], sem).wait()

        for hh in range(2):
            off = pl.multiple_of(eoff + hh * half_edges, CHUNK)
            pltpu.sync_copy(src_hbm.at[pl.ds(off, half_edges)], src_v)
            pltpu.sync_copy(dst_hbm.at[pl.ds(off, half_edges)], dst_v)
            gather(0, rows_a, sem_a)
            prep(0, dstc_a)
            gwait(rows_a, sem_a)
            gather(1, rows_b, sem_b)
            scat(rows_a, dstc_a, sem_sa)

            def pair_body(k, carry):
                prep(2 * k + 1, dstc_b)
                gwait(rows_b, sem_b)
                swait(rows_a, dstc_a, sem_sa)
                gather(2 * k + 2, rows_a, sem_a)
                scat(rows_b, dstc_b, sem_sb)
                prep(2 * k + 2, dstc_a)
                gwait(rows_a, sem_a)
                swait(rows_b, dstc_b, sem_sb)
                gather(2 * k + 3, rows_b, sem_b)
                scat(rows_a, dstc_a, sem_sa)
                return carry

            lax.fori_loop(0, half_chunks // 2 - 1, pair_body, 0)
            prep(half_chunks - 1, dstc_b)
            gwait(rows_b, sem_b)
            swait(rows_a, dstc_a, sem_sa)
            scat(rows_b, dstc_b, sem_sb)
            swait(rows_b, dstc_b, sem_sb)

        plsc.subcore_barrier()
        pltpu.sync_copy(acc_sh.at[pl.ds(base, rows_per_tile)],
                        acc_out.at[cid, pl.ds(base, rows_per_tile)])
        plsc.subcore_barrier()

        pltpu.sync_copy(zero_hbm, acc_sh.at[pl.ds(base, rows_per_tile)])
        pltpu.sync_copy(ones_hbm, rows_a)
        plsc.subcore_barrier()

        for hh in range(2):
            off = pl.multiple_of(eoff + hh * half_edges, CHUNK)
            pltpu.sync_copy(dst_hbm.at[pl.ds(off, half_edges)], dst_v)

            prep(0, dstc_a)
            scat(rows_a, dstc_a, sem_sa)

            def deg_body(k, carry):
                prep(2 * k + 1, dstc_b)
                swait(rows_a, dstc_a, sem_sa)
                scat(rows_a, dstc_b, sem_sb)
                prep(2 * k + 2, dstc_a)
                swait(rows_a, dstc_b, sem_sb)
                scat(rows_a, dstc_a, sem_sa)
                return carry

            lax.fori_loop(0, half_chunks // 2 - 1, deg_body, 0)
            prep(half_chunks - 1, dstc_b)
            swait(rows_a, dstc_a, sem_sa)
            scat(rows_a, dstc_b, sem_sb)
            swait(rows_a, dstc_b, sem_sb)

        plsc.subcore_barrier()
        pltpu.sync_copy(acc_sh.at[pl.ds(base, rows_per_tile)],
                        deg_out.at[cid, pl.ds(base, rows_per_tile)])

    return sc_aggregate


def kernel(h, b, norm, edge_index):
    n, d = h.shape
    e = edge_index.shape[1]

    epw = -(-e // (NW * 8 * CHUNK)) * 8 * CHUNK
    e_pad = epw * NW
    n_pad = -(-(n + 1) // CHUNK) * CHUNK

    src = edge_index[0].astype(jnp.int32)
    dst = edge_index[1].astype(jnp.int32)
    pad = e_pad - e
    src = jnp.concatenate([src, jnp.zeros((pad,), jnp.int32)])
    dst = jnp.concatenate([dst, jnp.full((pad,), n, jnp.int32)])

    zero_blk = jnp.zeros((n_pad // NS, d), jnp.float32)
    ones_blk = jnp.ones((CHUNK, d), jnp.float32)

    rows_blk = 1000
    grid = n // rows_blk
    hs = pl.pallas_call(
        _prescale_body,
        grid=(grid,),
        in_specs=[
            pl.BlockSpec((rows_blk, d), lambda i: (i, 0)),
            pl.BlockSpec((rows_blk, 1), lambda i: (i, 0)),
        ],
        out_specs=pl.BlockSpec((rows_blk, d), lambda i: (i, 0)),
        out_shape=jax.ShapeDtypeStruct((n, d), jnp.float32),
    )(h, norm)

    sc_aggregate = _make_sc_aggregate(n_pad, d, epw // CHUNK)
    acc, deg = sc_aggregate(hs, src, dst, zero_blk, ones_blk)

    h_new, bundle = pl.pallas_call(
        _finish_body,
        grid=(grid,),
        in_specs=[
            pl.BlockSpec((rows_blk, d), lambda i: (i, 0)),
            pl.BlockSpec((rows_blk, d), lambda i: (i, 0)),
            pl.BlockSpec((rows_blk, 1), lambda i: (i, 0)),
            pl.BlockSpec((rows_blk, d), lambda i: (i, 0)),
            pl.BlockSpec((rows_blk, d), lambda i: (i, 0)),
            pl.BlockSpec((rows_blk, 1), lambda i: (i, 0)),
            pl.BlockSpec((rows_blk, 1), lambda i: (i, 0)),
        ],
        out_specs=[
            pl.BlockSpec((rows_blk, d), lambda i: (i, 0)),
            pl.BlockSpec((rows_blk, 2 * d), lambda i: (i, 0)),
        ],
        out_shape=[
            jax.ShapeDtypeStruct((n, d), jnp.float32),
            jax.ShapeDtypeStruct((n, 2 * d), jnp.float32),
        ],
    )(h, b, norm, acc[0, :n], acc[1, :n], deg[0, :n, :1], deg[1, :n, :1])

    return (h_new, bundle)

# --- scband reference (transcript-rebuilt; emitter-appended) ---
"""Pipeline reference for scband-expander-simple-graph-sage-layer-44470091382964 (READ-ONLY COPY).

The authoritative reference and input builder live on the scoring server;
editing this copy changes nothing except your own understanding.
"""

import jax, jax.numpy as jnp
import numpy as np

N_NODES = 10000
N_EDGES = 320000
D = 128

def setup_inputs(seed: int = 0) -> dict:
    key = jax.random.key(seed)
    k1, k2, k3, k4 = jax.random.split(key, 4)
    h = jax.random.normal(k1, (N_NODES, D), dtype=jnp.float32)
    b = jax.random.normal(k2, (N_NODES, D), dtype=jnp.float32)
    norm = jax.random.uniform(k3, (N_NODES, 1), dtype=jnp.float32)
    edge_index = jax.random.randint(k4, (2, N_EDGES), 0, N_NODES, dtype=jnp.int64)
    return {"h": h, "b": b, "norm": norm, "edge_index": edge_index}

def reference(h, b, norm, edge_index):
    # ExpanderSimpleGraphSageLayer forward with MeanAggregator, dropout p=0 (identity in eval),
    # residual=True (in_feats == out_feats).
    src = edge_index[0]
    dst = edge_index[1]
    h_in = h
    # h = dropout(h) -> identity (p=0.0)
    h = h * norm
    # message passing: copy_src('h') -> mailbox 'm'; MeanAggregator: c = mean of neighbor messages
    msgs = jnp.take(h, src, axis=0)                                   # gather source features [E, D]
    summed = jax.ops.segment_sum(msgs, dst, num_segments=N_NODES)      # scatter-add by dst [N, D]
    deg = jax.ops.segment_sum(jnp.ones((msgs.shape[0],), dtype=h.dtype), dst, num_segments=N_NODES)
    c = summed / jnp.maximum(deg, 1.0)[:, None]                         # mean aggregation
    # NodeApplyModule: bundle = F.normalize(cat(b, c), p=2, dim=1); b <- bundle, h <- c
    bundle = jnp.concatenate([b, c], axis=1)
    l2 = jnp.sqrt(jnp.sum(bundle * bundle, axis=1, keepdims=True))
    bundle = bundle / jnp.maximum(l2, 1e-12)
    h_new = c * norm
    h_new = h_in + h_new  # residual
    return (h_new, bundle)

if __name__ == "__main__":
    import jax
    _d = setup_inputs()
    print(jax.jit(kernel)(*tuple(_d.values())))

</pallas_src>

<mosaic_0001>
#map = affine_map<(d0, d1) -> (0, 0)>
#map1 = affine_map<(d0, d1) -> (0)>
#map2 = affine_map<(d0, d1) -> (0, 0, 0)>
module attributes {stable_mosaic.version = 14 : i64} {
  func.func @sc_aggregate(%arg0: i32, %arg1: i32, %arg2: memref<10000x128xf32, #tpu.memory_space<hbm>>, %arg3: memref<327680xi32, #tpu.memory_space<hbm>>, %arg4: memref<327680xi32, #tpu.memory_space<hbm>>, %arg5: memref<632x128xf32, #tpu.memory_space<hbm>>, %arg6: memref<128x128xf32, #tpu.memory_space<hbm>>, %arg7: memref<2x10112x128xf32, #tpu.memory_space<hbm>>, %arg8: memref<2x10112x128xf32, #tpu.memory_space<hbm>>, %arg9: memref<5120xi32, #tpu.memory_space<vmem>>, %arg10: memref<5120xi32, #tpu.memory_space<vmem>>, %arg11: memref<128xi32, #tpu.memory_space<vmem>>, %arg12: memref<128xi32, #tpu.memory_space<vmem>>, %arg13: memref<128x128xf32, #tpu.memory_space<vmem>>, %arg14: memref<128x128xf32, #tpu.memory_space<vmem>>, %arg15: memref<10112x128xf32, #tpu.memory_space<vmem_shared>>, %arg16: memref<!tpu.dma_semaphore, #tpu.memory_space<semaphore_mem>>, %arg17: memref<!tpu.dma_semaphore, #tpu.memory_space<semaphore_mem>>, %arg18: memref<!tpu.dma_semaphore, #tpu.memory_space<semaphore_mem>>, %arg19: memref<!tpu.dma_semaphore, #tpu.memory_space<semaphore_mem>>) attributes {dimension_semantics = [#tpu.dimension_semantics<core_parallel>, #tpu.dimension_semantics<subcore_parallel>], iteration_bounds = array<i64: 2, 16>, scalar_prefetch = 0 : i64, scratch_operands = 11 : i64, tpu.core_type = #tpu.core_type<sc_vector_subcore>, window_params = [{transform_indices = #map}, {transform_indices = #map1}, {transform_indices = #map1}, {transform_indices = #map}, {transform_indices = #map}, {transform_indices = #map2}, {transform_indices = #map2}]} {
    %mul3A = arith.constant 16 : i32
    %mul3A_0 = arith.muli %arg0, %mul3A : i32
    %add3A = arith.addi %mul3A_0, %arg1 : i32
    %mul3A_1 = arith.constant 10240 : i32
    %mul3A_2 = arith.muli %add3A, %mul3A_1 : i32
    %mul3A_3 = arith.constant 632 : i32
    %mul3A_4 = arith.muli %arg1, %mul3A_3 : i32
    "tpu.region"() ({
      %run_scoped3A = tpu.sem_alloc : memref<!tpu.dma_semaphore, #tpu.memory_space<semaphore_mem>>
      %dma_start3A_575 = arith.constant 0 : i32
      %dma_start3A_576 = tpu.memref_slice %arg15[%mul3A_4, %dma_start3A_575] : memref<10112x128xf32, #tpu.memory_space<vmem_shared>> -> memref<632x128xf32, #tpu.memory_space<vmem_shared>>
      tpu.enqueue_dma source(%arg5 : memref<632x128xf32, #tpu.memory_space<hbm>>) target(%dma_start3A_576 : memref<632x128xf32, #tpu.memory_space<vmem_shared>>) target_semaphore(%run_scoped3A : memref<!tpu.dma_semaphore, #tpu.memory_space<semaphore_mem>>)
      %dma_wait3A_577 = arith.constant 0 : i32
      %dma_wait3A_578 = tpu.memref_slice %arg15[%mul3A_4, %dma_wait3A_577] : memref<10112x128xf32, #tpu.memory_space<vmem_shared>> -> memref<632x128xf32, #tpu.memory_space<vmem_shared>>
      tpu.wait_dma2 semaphore(%run_scoped3A : memref<!tpu.dma_semaphore, #tpu.memory_space<semaphore_mem>>) src(%arg5 : memref<632x128xf32, #tpu.memory_space<hbm>>) dst(%dma_wait3A_578 : memref<632x128xf32, #tpu.memory_space<vmem_shared>>)
      tpu.yield
    }) : () -> ()
    %barrier3A = arith.constant 0 : index
    tpu.barrier barrier_id(%barrier3A)
    %add3A_5 = arith.constant 0 : i32
    %add3A_6 = arith.addi %mul3A_2, %add3A_5 : i32
    %multiple_of3A = tpu.assume_multiple %add3A_6, 128 : i32
    "tpu.region"() ({
      %run_scoped3A = tpu.sem_alloc : memref<!tpu.dma_semaphore, #tpu.memory_space<semaphore_mem>>
      %dma_start3A_575 = tpu.memref_slice %arg3[%multiple_of3A] : memref<327680xi32, #tpu.memory_space<hbm>> -> memref<5120xi32, #tpu.memory_space<hbm>>
      %dma_start3A_576 = tpu.memref_slice %arg3[%multiple_of3A] : memref<327680xi32, #tpu.memory_space<hbm>> -> memref<5120xi32, #tpu.memory_space<hbm>>
      tpu.enqueue_dma source(%dma_start3A_576 : memref<5120xi32, #tpu.memory_space<hbm>>) target(%arg9 : memref<5120xi32, #tpu.memory_space<vmem>>) target_semaphore(%run_scoped3A : memref<!tpu.dma_semaphore, #tpu.memory_space<semaphore_mem>>)
      %dma_wait3A_577 = tpu.memref_slice %arg3[%multiple_of3A] : memref<327680xi32, #tpu.memory_space<hbm>> -> memref<5120xi32, #tpu.memory_space<hbm>>
      %dma_wait3A_578 = tpu.memref_slice %arg3[%multiple_of3A] : memref<327680xi32, #tpu.memory_space<hbm>> -> memref<5120xi32, #tpu.memory_space<hbm>>
      tpu.wait_dma2 semaphore(%run_scoped3A : memref<!tpu.dma_semaphore, #tpu.memory_space<semaphore_mem>>) src(%dma_wait3A_578 : memref<5120xi32, #tpu.memory_space<hbm>>) dst(%arg9 : memref<5120xi32, #tpu.memory_space<vmem>>)
      tpu.yield
    }) : () -> ()
    "tpu.region"() ({
      %run_scoped3A = tpu.sem_alloc : memref<!tpu.dma_semaphore, #tpu.memory_space<semaphore_mem>>
      %dma_start3A_575 = tpu.memref_slice %arg4[%multiple_of3A] : memref<327680xi32, #tpu.memory_space<hbm>> -> memref<5120xi32, #tpu.memory_space<hbm>>
      %dma_start3A_576 = tpu.memref_slice %arg4[%multiple_of3A] : memref<327680xi32, #tpu.memory_space<hbm>> -> memref<5120xi32, #tpu.memory_space<hbm>>
      tpu.enqueue_dma source(%dma_start3A_576 : memref<5120xi32, #tpu.memory_space<hbm>>) target(%arg10 : memref<5120xi32, #tpu.memory_space<vmem>>) target_semaphore(%run_scoped3A : memref<!tpu.dma_semaphore, #tpu.memory_space<semaphore_mem>>)
      %dma_wait3A_577 = tpu.memref_slice %arg4[%multiple_of3A] : memref<327680xi32, #tpu.memory_space<hbm>> -> memref<5120xi32, #tpu.memory_space<hbm>>
      %dma_wait3A_578 = tpu.memref_slice %arg4[%multiple_of3A] : memref<327680xi32, #tpu.memory_space<hbm>> -> memref<5120xi32, #tpu.memory_space<hbm>>
      tpu.wait_dma2 semaphore(%run_scoped3A : memref<!tpu.dma_semaphore, #tpu.memory_space<semaphore_mem>>) src(%dma_wait3A_578 : memref<5120xi32, #tpu.memory_space<hbm>>) dst(%arg10 : memref<5120xi32, #tpu.memory_space<vmem>>)
      tpu.yield
    }) : () -> ()
    %dma_start3A = arith.constant 0 : i32
    %dma_start3A_7 = tpu.memref_slice %arg9[%dma_start3A] : memref<5120xi32, #tpu.memory_space<vmem>> -> memref<128xi32, #tpu.memory_space<vmem>>
    %dma_start3A_8 = arith.constant 0 : i32
    %dma_start3A_9 = arith.constant 0 : i32
    %dma_start3A_10 = tpu.memref_slice %arg2[%dma_start3A_8, %dma_start3A_9] : memref<10000x128xf32, #tpu.memory_space<hbm>> -> memref<10000x128xf32, #tpu.memory_space<hbm>>
    tpu.enqueue_indirect_dma source(%dma_start3A_10 : memref<10000x128xf32, #tpu.memory_space<hbm>>) target(%arg13 : memref<128x128xf32, #tpu.memory_space<vmem>>) offsets(%dma_start3A_7 : memref<128xi32, #tpu.memory_space<vmem>>) semaphore(%arg16 : memref<!tpu.dma_semaphore, #tpu.memory_space<semaphore_mem>>)
    %get3A = arith.constant 0 : index
    %get3A_11 = tpu.vector_load %arg10[%get3A] {strides = array<i32>} : memref<5120xi32, #tpu.memory_space<vmem>>, vector<16xi32>,
    %get3A_12 = vector.shape_cast %get3A_11 : vector<16xi32> to vector<16xi32>
    %swap3A = arith.constant 0 : index
    %swap3A_13 = tpu.vector_load %arg11[%swap3A] {strides = array<i32>} : memref<128xi32, #tpu.memory_space<vmem>>, vector<16xi32>,
    %swap3A_14 = vector.shape_cast %swap3A_13 : vector<16xi32> to vector<16xi32>
    %swap3A_15 = vector.shape_cast %get3A_12 : vector<16xi32> to vector<16xi32>
    tpu.vector_store %arg11[%swap3A], %swap3A_15 {strides = array<i32>} : memref<128xi32, #tpu.memory_space<vmem>>, vector<16xi32>,
    %get3A_16 = arith.constant 16 : index
    %get3A_17 = tpu.vector_load %arg10[%get3A_16] {strides = array<i32>} : memref<5120xi32, #tpu.memory_space<vmem>>, vector<16xi32>,
    %get3A_18 = vector.shape_cast %get3A_17 : vector<16xi32> to vector<16xi32>
    %swap3A_19 = arith.constant 16 : index
    %swap3A_20 = tpu.vector_load %arg11[%swap3A_19] {strides = array<i32>} : memref<128xi32, #tpu.memory_space<vmem>>, vector<16xi32>,
    %swap3A_21 = vector.shape_cast %swap3A_20 : vector<16xi32> to vector<16xi32>
    %swap3A_22 = vector.shape_cast %get3A_18 : vector<16xi32> to vector<16xi32>
    tpu.vector_store %arg11[%swap3A_19], %swap3A_22 {strides = array<i32>} : memref<128xi32, #tpu.memory_space<vmem>>, vector<16xi32>,
    %get3A_23 = arith.constant 32 : index
    %get3A_24 = tpu.vector_load %arg10[%get3A_23] {strides = array<i32>} : memref<5120xi32, #tpu.memory_space<vmem>>, vector<16xi32>,
    %get3A_25 = vector.shape_cast %get3A_24 : vector<16xi32> to vector<16xi32>
    %swap3A_26 = arith.constant 32 : index
    %swap3A_27 = tpu.vector_load %arg11[%swap3A_26] {strides = array<i32>} : memref<128xi32, #tpu.memory_space<vmem>>, vector<16xi32>,
    %swap3A_28 = vector.shape_cast %swap3A_27 : vector<16xi32> to vector<16xi32>
    %swap3A_29 = vector.shape_cast %get3A_25 : vector<16xi32> to vector<16xi32>
    tpu.vector_store %arg11[%swap3A_26], %swap3A_29 {strides = array<i32>} : memref<128xi32, #tpu.memory_space<vmem>>, vector<16xi32>,
    %get3A_30 = arith.constant 48 : index
    %get3A_31 = tpu.vector_load %arg10[%get3A_30] {strides = array<i32>} : memref<5120xi32, #tpu.memory_space<vmem>>, vector<16xi32>,
    %get3A_32 = vector.shape_cast %get3A_31 : vector<16xi32> to vector<16xi32>
    %swap3A_33 = arith.constant 48 : index
    %swap3A_34 = tpu.vector_load %arg11[%swap3A_33] {strides = array<i32>} : memref<128xi32, #tpu.memory_space<vmem>>, vector<16xi32>,
    %swap3A_35 = vector.shape_cast %swap3A_34 : vector<16xi32> to vector<16xi32>
    %swap3A_36 = vector.shape_cast %get3A_32 : vector<16xi32> to vector<16xi32>
    tpu.vector_store %arg11[%swap3A_33], %swap3A_36 {strides = array<i32>} : memref<128xi32, #tpu.memory_space<vmem>>, vector<16xi32>,
    %get3A_37 = arith.constant 64 : index
    %get3A_38 = tpu.vector_load %arg10[%get3A_37] {strides = array<i32>} : memref<5120xi32, #tpu.memory_space<vmem>>, vector<16xi32>,
    %get3A_39 = vector.shape_cast %get3A_38 : vector<16xi32> to vector<16xi32>
    %swap3A_40 = arith.constant 64 : index
    %swap3A_41 = tpu.vector_load %arg11[%swap3A_40] {strides = array<i32>} : memref<128xi32, #tpu.memory_space<vmem>>, vector<16xi32>,
    %swap3A_42 = vector.shape_cast %swap3A_41 : vector<16xi32> to vector<16xi32>
    %swap3A_43 = vector.shape_cast %get3A_39 : vector<16xi32> to vector<16xi32>
    tpu.vector_store %arg11[%swap3A_40], %swap3A_43 {strides = array<i32>} : memref<128xi32, #tpu.memory_space<vmem>>, vector<16xi32>,
    %get3A_44 = arith.constant 80 : index
    %get3A_45 = tpu.vector_load %arg10[%get3A_44] {strides = array<i32>} : memref<5120xi32, #tpu.memory_space<vmem>>, vector<16xi32>,
    %get3A_46 = vector.shape_cast %get3A_45 : vector<16xi32> to vector<16xi32>
    %swap3A_47 = arith.constant 80 : index
    %swap3A_48 = tpu.vector_load %arg11[%swap3A_47] {strides = array<i32>} : memref<128xi32, #tpu.memory_space<vmem>>, vector<16xi32>,
    %swap3A_49 = vector.shape_cast %swap3A_48 : vector<16xi32> to vector<16xi32>
    %swap3A_50 = vector.shape_cast %get3A_46 : vector<16xi32> to vector<16xi32>
    tpu.vector_store %arg11[%swap3A_47], %swap3A_50 {strides = array<i32>} : memref<128xi32, #tpu.memory_space<vmem>>, vector<16xi32>,
    %get3A_51 = arith.constant 96 : index
    %get3A_52 = tpu.vector_load %arg10[%get3A_51] {strides = array<i32>} : memref<5120xi32, #tpu.memory_space<vmem>>, vector<16xi32>,
    %get3A_53 = vector.shape_cast %get3A_52 : vector<16xi32> to vector<16xi32>
    %swap3A_54 = arith.constant 96 : index
    %swap3A_55 = tpu.vector_load %arg11[%swap3A_54] {strides = array<i32>} : memref<128xi32, #tpu.memory_space<vmem>>, vector<16xi32>,
    %swap3A_56 = vector.shape_cast %swap3A_55 : vector<16xi32> to vector<16xi32>
    %swap3A_57 = vector.shape_cast %get3A_53 : vector<16xi32> to vector<16xi32>
    tpu.vector_store %arg11[%swap3A_54], %swap3A_57 {strides = array<i32>} : memref<128xi32, #tpu.memory_space<vmem>>, vector<16xi32>,
    %get3A_58 = arith.constant 112 : index
    %get3A_59 = tpu.vector_load %arg10[%get3A_58] {strides = array<i32>} : memref<5120xi32, #tpu.memory_space<vmem>>, vector<16xi32>,
    %get3A_60 = vector.shape_cast %get3A_59 : vector<16xi32> to vector<16xi32>
    %swap3A_61 = arith.constant 112 : index
    %swap3A_62 = tpu.vector_load %arg11[%swap3A_61] {strides = array<i32>} : memref<128xi32, #tpu.memory_space<vmem>>, vector<16xi32>,
    %swap3A_63 = vector.shape_cast %swap3A_62 : vector<16xi32> to vector<16xi32>
    %swap3A_64 = vector.shape_cast %get3A_60 : vector<16xi32> to vector<16xi32>
    tpu.vector_store %arg11[%swap3A_61], %swap3A_64 {strides = array<i32>} : memref<128xi32, #tpu.memory_space<vmem>>, vector<16xi32>,
    %dma_wait3A = arith.constant 0 : i32
    %dma_wait3A_65 = tpu.memref_slice %arg9[%dma_wait3A] : memref<5120xi32, #tpu.memory_space<vmem>> -> memref<128xi32, #tpu.memory_space<vmem>>
    %dma_wait3A_66 = arith.constant 0 : i32
    %dma_wait3A_67 = arith.constant 0 : i32
    %dma_wait3A_68 = tpu.memref_slice %arg2[%dma_wait3A_66, %dma_wait3A_67] : memref<10000x128xf32, #tpu.memory_space<hbm>> -> memref<10000x128xf32, #tpu.memory_space<hbm>>
    tpu.wait_indirect_dma semaphore(%arg16 : memref<!tpu.dma_semaphore, #tpu.memory_space<semaphore_mem>>) src(%dma_wait3A_68 : memref<10000x128xf32, #tpu.memory_space<hbm>>) dst(%arg13 : memref<128x128xf32, #tpu.memory_space<vmem>>)
    %dma_start3A_69 = arith.constant 128 : i32
    %dma_start3A_70 = tpu.memref_slice %arg9[%dma_start3A_69] : memref<5120xi32, #tpu.memory_space<vmem>> -> memref<128xi32, #tpu.memory_space<vmem>>
    %dma_start3A_71 = arith.constant 0 : i32
    %dma_start3A_72 = arith.constant 0 : i32
    %dma_start3A_73 = tpu.memref_slice %arg2[%dma_start3A_71, %dma_start3A_72] : memref<10000x128xf32, #tpu.memory_space<hbm>> -> memref<10000x128xf32, #tpu.memory_space<hbm>>
    tpu.enqueue_indirect_dma source(%dma_start3A_73 : memref<10000x128xf32, #tpu.memory_space<hbm>>) target(%arg14 : memref<128x128xf32, #tpu.memory_space<vmem>>) offsets(%dma_start3A_70 : memref<128xi32, #tpu.memory_space<vmem>>) semaphore(%arg17 : memref<!tpu.dma_semaphore, #tpu.memory_space<semaphore_mem>>)
    %dma_start3A_74 = arith.constant 0 : i32
    %dma_start3A_75 = arith.constant 0 : i32
    %dma_start3A_76 = tpu.memref_slice %arg15[%dma_start3A_74, %dma_start3A_75] : memref<10112x128xf32, #tpu.memory_space<vmem_shared>> -> memref<10112x128xf32, #tpu.memory_space<vmem_shared>>
    tpu.enqueue_indirect_dma source(%arg13 : memref<128x128xf32, #tpu.memory_space<vmem>>) target(%dma_start3A_76 : memref<10112x128xf32, #tpu.memory_space<vmem_shared>>) offsets(%arg11 : memref<128xi32, #tpu.memory_space<vmem>>) semaphore(%arg18 : memref<!tpu.dma_semaphore, #tpu.memory_space<semaphore_mem>>) {add = true}
    %scan3A = arith.constant 0 : i32
    %scan3A_77 = arith.constant 0 : i32
    %scan3A_78 = arith.constant 19 : i32
    %scan3A_79 = arith.addi %scan3A_77, %scan3A_78 : i32
    %scan3A_80 = arith.constant 1 : i32
    scf.for %scan3A_575 = %scan3A_77 to %scan3A_79 step %scan3A_80  : i32 {
      %mul3A_576 = arith.constant 2 : i32
      %mul3A_577 = arith.muli %mul3A_576, %scan3A_575 : i32
      %add3A_578 = arith.constant 1 : i32
      %add3A_579 = arith.addi %mul3A_577, %add3A_578 : i32
      %mul3A_580 = arith.constant 128 : i32
      %mul3A_581 = arith.muli %add3A_579, %mul3A_580 : i32
      %add3A_582 = arith.constant 0 : i32
      %add3A_583 = arith.addi %mul3A_581, %add3A_582 : i32
      %get3A_584 = arith.index_cast %add3A_583 : i32 to index
      %get3A_585 = tpu.vector_load %arg10[%get3A_584] {strides = array<i32>} : memref<5120xi32, #tpu.memory_space<vmem>>, vector<16xi32>,
      %get3A_586 = vector.shape_cast %get3A_585 : vector<16xi32> to vector<16xi32>
      %swap3A_587 = arith.constant 0 : index
      %swap3A_588 = tpu.vector_load %arg12[%swap3A_587] {strides = array<i32>} : memref<128xi32, #tpu.memory_space<vmem>>, vector<16xi32>,
      %swap3A_589 = vector.shape_cast %swap3A_588 : vector<16xi32> to vector<16xi32>
      %swap3A_590 = vector.shape_cast %get3A_586 : vector<16xi32> to vector<16xi32>
      tpu.vector_store %arg12[%swap3A_587], %swap3A_590 {strides = array<i32>} : memref<128xi32, #tpu.memory_space<vmem>>, vector<16xi32>,
      %mul3A_591 = arith.constant 128 : i32
      %mul3A_592 = arith.muli %add3A_579, %mul3A_591 : i32
      %add3A_593 = arith.constant 16 : i32
      %add3A_594 = arith.addi %mul3A_592, %add3A_593 : i32
      %get3A_595 = arith.index_cast %add3A_594 : i32 to index
      %get3A_596 = tpu.vector_load %arg10[%get3A_595] {strides = array<i32>} : memref<5120xi32, #tpu.memory_space<vmem>>, vector<16xi32>,
      %get3A_597 = vector.shape_cast %get3A_596 : vector<16xi32> to vector<16xi32>
      %swap3A_598 = arith.constant 16 : index
      %swap3A_599 = tpu.vector_load %arg12[%swap3A_598] {strides = array<i32>} : memref<128xi32, #tpu.memory_space<vmem>>, vector<16xi32>,
      %swap3A_600 = vector.shape_cast %swap3A_599 : vector<16xi32> to vector<16xi32>
      %swap3A_601 = vector.shape_cast %get3A_597 : vector<16xi32> to vector<16xi32>
      tpu.vector_store %arg12[%swap3A_598], %swap3A_601 {strides = array<i32>} : memref<128xi32, #tpu.memory_space<vmem>>, vector<16xi32>,
      %mul3A_602 = arith.constant 128 : i32
      %mul3A_603 = arith.muli %add3A_579, %mul3A_602 : i32
      %add3A_604 = arith.constant 32 : i32
      %add3A_605 = arith.addi %mul3A_603, %add3A_604 : i32
      %get3A_606 = arith.index_cast %add3A_605 : i32 to index
      %get3A_607 = tpu.vector_load %arg10[%get3A_606] {strides = array<i32>} : memref<5120xi32, #tpu.memory_space<vmem>>, vector<16xi32>,
      %get3A_608 = vector.shape_cast %get3A_607 : vector<16xi32> to vector<16xi32>
      %swap3A_609 = arith.constant 32 : index
      %swap3A_610 = tpu.vector_load %arg12[%swap3A_609] {strides = array<i32>} : memref<128xi32, #tpu.memory_space<vmem>>, vector<16xi32>,
      %swap3A_611 = vector.shape_cast %swap3A_610 : vector<16xi32> to vector<16xi32>
      %swap3A_612 = vector.shape_cast %get3A_608 : vector<16xi32> to vector<16xi32>
      tpu.vector_store %arg12[%swap3A_609], %swap3A_612 {strides = array<i32>} : memref<128xi32, #tpu.memory_space<vmem>>, vector<16xi32>,
      %mul3A_613 = arith.constant 128 : i32
      %mul3A_614 = arith.muli %add3A_579, %mul3A_613 : i32
      %add3A_615 = arith.constant 48 : i32
      %add3A_616 = arith.addi %mul3A_614, %add3A_615 : i32
      %get3A_617 = arith.index_cast %add3A_616 : i32 to index
      %get3A_618 = tpu.vector_load %arg10[%get3A_617] {strides = array<i32>} : memref<5120xi32, #tpu.memory_space<vmem>>, vector<16xi32>,
      %get3A_619 = vector.shape_cast %get3A_618 : vector<16xi32> to vector<16xi32>
      %swap3A_620 = arith.constant 48 : index
      %swap3A_621 = tpu.vector_load %arg12[%swap3A_620] {strides = array<i32>} : memref<128xi32, #tpu.memory_space<vmem>>, vector<16xi32>,
      %swap3A_622 = vector.shape_cast %swap3A_621 : vector<16xi32> to vector<16xi32>
      %swap3A_623 = vector.shape_cast %get3A_619 : vector<16xi32> to vector<16xi32>
      tpu.vector_store %arg12[%swap3A_620], %swap3A_623 {strides = array<i32>} : memref<128xi32, #tpu.memory_space<vmem>>, vector<16xi32>,
      %mul3A_624 = arith.constant 128 : i32
      %mul3A_625 = arith.muli %add3A_579, %mul3A_624 : i32
      %add3A_626 = arith.constant 64 : i32
      %add3A_627 = arith.addi %mul3A_625, %add3A_626 : i32
      %get3A_628 = arith.index_cast %add3A_627 : i32 to index
      %get3A_629 = tpu.vector_load %arg10[%get3A_628] {strides = array<i32>} : memref<5120xi32, #tpu.memory_space<vmem>>, vector<16xi32>,
      %get3A_630 = vector.shape_cast %get3A_629 : vector<16xi32> to vector<16xi32>
      %swap3A_631 = arith.constant 64 : index
      %swap3A_632 = tpu.vector_load %arg12[%swap3A_631] {strides = array<i32>} : memref<128xi32, #tpu.memory_space<vmem>>, vector<16xi32>,
      %swap3A_633 = vector.shape_cast %swap3A_632 : vector<16xi32> to vector<16xi32>
      %swap3A_634 = vector.shape_cast %get3A_630 : vector<16xi32> to vector<16xi32>
      tpu.vector_store %arg12[%swap3A_631], %swap3A_634 {strides = array<i32>} : memref<128xi32, #tpu.memory_space<vmem>>, vector<16xi32>,
      %mul3A_635 = arith.constant 128 : i32
      %mul3A_636 = arith.muli %add3A_579, %mul3A_635 : i32
      %add3A_637 = arith.constant 80 : i32
      %add3A_638 = arith.addi %mul3A_636, %add3A_637 : i32
      %get3A_639 = arith.index_cast %add3A_638 : i32 to index
      %get3A_640 = tpu.vector_load %arg10[%get3A_639] {strides = array<i32>} : memref<5120xi32, #tpu.memory_space<vmem>>, vector<16xi32>,
      %get3A_641 = vector.shape_cast %get3A_640 : vector<16xi32> to vector<16xi32>
      %swap3A_642 = arith.constant 80 : index
      %swap3A_643 = tpu.vector_load %arg12[%swap3A_642] {strides = array<i32>} : memref<128xi32, #tpu.memory_space<vmem>>, vector<16xi32>,
      %swap3A_644 = vector.shape_cast %swap3A_643 : vector<16xi32> to vector<16xi32>
      %swap3A_645 = vector.shape_cast %get3A_641 : vector<16xi32> to vector<16xi32>
      tpu.vector_store %arg12[%swap3A_642], %swap3A_645 {strides = array<i32>} : memref<128xi32, #tpu.memory_space<vmem>>, vector<16xi32>,
      %mul3A_646 = arith.constant 128 : i32
      %mul3A_647 = arith.muli %add3A_579, %mul3A_646 : i32
      %add3A_648 = arith.constant 96 : i32
      %add3A_649 = arith.addi %mul3A_647, %add3A_648 : i32
      %get3A_650 = arith.index_cast %add3A_649 : i32 to index
      %get3A_651 = tpu.vector_load %arg10[%get3A_650] {strides = array<i32>} : memref<5120xi32, #tpu.memory_space<vmem>>, vector<16xi32>,
      %get3A_652 = vector.shape_cast %get3A_651 : vector<16xi32> to vector<16xi32>
      %swap3A_653 = arith.constant 96 : index
      %swap3A_654 = tpu.vector_load %arg12[%swap3A_653] {strides = array<i32>} : memref<128xi32, #tpu.memory_space<vmem>>, vector<16xi32>,
      %swap3A_655 = vector.shape_cast %swap3A_654 : vector<16xi32> to vector<16xi32>
      %swap3A_656 = vector.shape_cast %get3A_652 : vector<16xi32> to vector<16xi32>
      tpu.vector_store %arg12[%swap3A_653], %swap3A_656 {strides = array<i32>} : memref<128xi32, #tpu.memory_space<vmem>>, vector<16xi32>,
      %mul3A_657 = arith.constant 128 : i32
      %mul3A_658 = arith.muli %add3A_579, %mul3A_657 : i32
      %add3A_659 = arith.constant 112 : i32
      %add3A_660 = arith.addi %mul3A_658, %add3A_659 : i32
      %get3A_661 = arith.index_cast %add3A_660 : i32 to index
      %get3A_662 = tpu.vector_load %arg10[%get3A_661] {strides = array<i32>} : memref<5120xi32, #tpu.memory_space<vmem>>, vector<16xi32>,
      %get3A_663 = vector.shape_cast %get3A_662 : vector<16xi32> to vector<16xi32>
      %swap3A_664 = arith.constant 112 : index
      %swap3A_665 = tpu.vector_load %arg12[%swap3A_664] {strides = array<i32>} : memref<128xi32, #tpu.memory_space<vmem>>, vector<16xi32>,
      %swap3A_666 = vector.shape_cast %swap3A_665 : vector<16xi32> to vector<16xi32>
      %swap3A_667 = vector.shape_cast %get3A_663 : vector<16xi32> to vector<16xi32>
      tpu.vector_store %arg12[%swap3A_664], %swap3A_667 {strides = array<i32>} : memref<128xi32, #tpu.memory_space<vmem>>, vector<16xi32>,
      %dma_wait3A_668 = arith.constant 0 : i32
      %dma_wait3A_669 = tpu.memref_slice %arg9[%dma_wait3A_668] : memref<5120xi32, #tpu.memory_space<vmem>> -> memref<128xi32, #tpu.memory_space<vmem>>
      %dma_wait3A_670 = arith.constant 0 : i32
      %dma_wait3A_671 = arith.constant 0 : i32
      %dma_wait3A_672 = tpu.memref_slice %arg2[%dma_wait3A_670, %dma_wait3A_671] : memref<10000x128xf32, #tpu.memory_space<hbm>> -> memref<10000x128xf32, #tpu.memory_space<hbm>>
      tpu.wait_indirect_dma semaphore(%arg17 : memref<!tpu.dma_semaphore, #tpu.memory_space<semaphore_mem>>) src(%dma_wait3A_672 : memref<10000x128xf32, #tpu.memory_space<hbm>>) dst(%arg14 : memref<128x128xf32, #tpu.memory_space<vmem>>)
      %dma_wait3A_673 = arith.constant 0 : i32
      %dma_wait3A_674 = arith.constant 0 : i32
      %dma_wait3A_675 = tpu.memref_slice %arg15[%dma_wait3A_673, %dma_wait3A_674] : memref<10112x128xf32, #tpu.memory_space<vmem_shared>> -> memref<10112x128xf32, #tpu.memory_space<vmem_shared>>
      tpu.wait_indirect_dma semaphore(%arg18 : memref<!tpu.dma_semaphore, #tpu.memory_space<semaphore_mem>>) src(%arg13 : memref<128x128xf32, #tpu.memory_space<vmem>>) dst(%dma_wait3A_675 : memref<10112x128xf32, #tpu.memory_space<vmem_shared>>)
      %mul3A_676 = arith.constant 2 : i32
      %mul3A_677 = arith.muli %mul3A_676, %scan3A_575 : i32
      %add3A_678 = arith.constant 2 : i32
      %add3A_679 = arith.addi %mul3A_677, %add3A_678 : i32
      %mul3A_680 = arith.constant 128 : i32
      %mul3A_681 = arith.muli %add3A_679, %mul3A_680 : i32
      %dma_start3A_682 = tpu.memref_slice %arg9[%mul3A_681] : memref<5120xi32, #tpu.memory_space<vmem>> -> memref<128xi32, #tpu.memory_space<vmem>>
      %dma_start3A_683 = arith.constant 0 : i32
      %dma_start3A_684 = arith.constant 0 : i32
      %dma_start3A_685 = tpu.memref_slice %arg2[%dma_start3A_683, %dma_start3A_684] : memref<10000x128xf32, #tpu.memory_space<hbm>> -> memref<10000x128xf32, #tpu.memory_space<hbm>>
      tpu.enqueue_indirect_dma source(%dma_start3A_685 : memref<10000x128xf32, #tpu.memory_space<hbm>>) target(%arg13 : memref<128x128xf32, #tpu.memory_space<vmem>>) offsets(%dma_start3A_682 : memref<128xi32, #tpu.memory_space<vmem>>) semaphore(%arg16 : memref<!tpu.dma_semaphore, #tpu.memory_space<semaphore_mem>>)
      %dma_start3A_686 = arith.constant 0 : i32
      %dma_start3A_687 = arith.constant 0 : i32
      %dma_start3A_688 = tpu.memref_slice %arg15[%dma_start3A_686, %dma_start3A_687] : memref<10112x128xf32, #tpu.memory_space<vmem_shared>> -> memref<10112x128xf32, #tpu.memory_space<vmem_shared>>
      tpu.enqueue_indirect_dma source(%arg14 : memref<128x128xf32, #tpu.memory_space<vmem>>) target(%dma_start3A_688 : memref<10112x128xf32, #tpu.memory_space<vmem_shared>>) offsets(%arg12 : memref<128xi32, #tpu.memory_space<vmem>>) semaphore(%arg19 : memref<!tpu.dma_semaphore, #tpu.memory_space<semaphore_mem>>) {add = true}
      %mul3A_689 = arith.constant 2 : i32
      %mul3A_690 = arith.muli %mul3A_689, %scan3A_575 : i32
      %add3A_691 = arith.constant 2 : i32
      %add3A_692 = arith.addi %mul3A_690, %add3A_691 : i32
      %mul3A_693 = arith.constant 128 : i32
      %mul3A_694 = arith.muli %add3A_692, %mul3A_693 : i32
      %add3A_695 = arith.constant 0 : i32
      %add3A_696 = arith.addi %mul3A_694, %add3A_695 : i32
      %get3A_697 = arith.index_cast %add3A_696 : i32 to index
      %get3A_698 = tpu.vector_load %arg10[%get3A_697] {strides = array<i32>} : memref<5120xi32, #tpu.memory_space<vmem>>, vector<16xi32>,
      %get3A_699 = vector.shape_cast %get3A_698 : vector<16xi32> to vector<16xi32>
      %swap3A_700 = arith.constant 0 : index
      %swap3A_701 = tpu.vector_load %arg11[%swap3A_700] {strides = array<i32>} : memref<128xi32, #tpu.memory_space<vmem>>, vector<16xi32>,
      %swap3A_702 = vector.shape_cast %swap3A_701 : vector<16xi32> to vector<16xi32>
      %swap3A_703 = vector.shape_cast %get3A_699 : vector<16xi32> to vector<16xi32>
      tpu.vector_store %arg11[%swap3A_700], %swap3A_703 {strides = array<i32>} : memref<128xi32, #tpu.memory_space<vmem>>, vector<16xi32>,
      %mul3A_704 = arith.constant 128 : i32
      %mul3A_705 = arith.muli %add3A_692, %mul3A_704 : i32
      %add3A_706 = arith.constant 16 : i32
      %add3A_707 = arith.addi %mul3A_705, %add3A_706 : i32
      %get3A_708 = arith.index_cast %add3A_707 : i32 to index
      %get3A_709 = tpu.vector_load %arg10[%get3A_708] {strides = array<i32>} : memref<5120xi32, #tpu.memory_space<vmem>>, vector<16xi32>,
      %get3A_710 = vector.shape_cast %get3A_709 : vector<16xi32> to vector<16xi32>
      %swap3A_711 = arith.constant 16 : index
      %swap3A_712 = tpu.vector_load %arg11[%swap3A_711] {strides = array<i32>} : memref<128xi32, #tpu.memory_space<vmem>>, vector<16xi32>,
      %swap3A_713 = vector.shape_cast %swap3A_712 : vector<16xi32> to vector<16xi32>
      %swap3A_714 = vector.shape_cast %get3A_710 : vector<16xi32> to vector<16xi32>
      tpu.vector_store %arg11[%swap3A_711], %swap3A_714 {strides = array<i32>} : memref<128xi32, #tpu.memory_space<vmem>>, vector<16xi32>,
      %mul3A_715 = arith.constant 128 : i32
      %mul3A_716 = arith.muli %add3A_692, %mul3A_715 : i32
      %add3A_717 = arith.constant 32 : i32
      %add3A_718 = arith.addi %mul3A_716, %add3A_717 : i32
      %get3A_719 = arith.index_cast %add3A_718 : i32 to index
      %get3A_720 = tpu.vector_load %arg10[%get3A_719] {strides = array<i32>} : memref<5120xi32, #tpu.memory_space<vmem>>, vector<16xi32>,
      %get3A_721 = vector.shape_cast %get3A_720 : vector<16xi32> to vector<16xi32>
      %swap3A_722 = arith.constant 32 : index
      %swap3A_723 = tpu.vector_load %arg11[%swap3A_722] {strides = array<i32>} : memref<128xi32, #tpu.memory_space<vmem>>, vector<16xi32>,
      %swap3A_724 = vector.shape_cast %swap3A_723 : vector<16xi32> to vector<16xi32>
      %swap3A_725 = vector.shape_cast %get3A_721 : vector<16xi32> to vector<16xi32>
      tpu.vector_store %arg11[%swap3A_722], %swap3A_725 {strides = array<i32>} : memref<128xi32, #tpu.memory_space<vmem>>, vector<16xi32>,
      %mul3A_726 = arith.constant 128 : i32
      %mul3A_727 = arith.muli %add3A_692, %mul3A_726 : i32
      %add3A_728 = arith.constant 48 : i32
      %add3A_729 = arith.addi %mul3A_727, %add3A_728 : i32
      %get3A_730 = arith.index_cast %add3A_729 : i32 to index
      %get3A_731 = tpu.vector_load %arg10[%get3A_730] {strides = array<i32>} : memref<5120xi32, #tpu.memory_space<vmem>>, vector<16xi32>,
      %get3A_732 = vector.shape_cast %get3A_731 : vector<16xi32> to vector<16xi32>
      %swap3A_733 = arith.constant 48 : index
      %swap3A_734 = tpu.vector_load %arg11[%swap3A_733] {strides = array<i32>} : memref<128xi32, #tpu.memory_space<vmem>>, vector<16xi32>,
      %swap3A_735 = vector.shape_cast %swap3A_734 : vector<16xi32> to vector<16xi32>
      %swap3A_736 = vector.shape_cast %get3A_732 : vector<16xi32> to vector<16xi32>
      tpu.vector_store %arg11[%swap3A_733], %swap3A_736 {strides = array<i32>} : memref<128xi32, #tpu.memory_space<vmem>>, vector<16xi32>,
      %mul3A_737 = arith.constant 128 : i32
      %mul3A_738 = arith.muli %add3A_692, %mul3A_737 : i32
      %add3A_739 = arith.constant 64 : i32
      %add3A_740 = arith.addi %mul3A_738, %add3A_739 : i32
      %get3A_741 = arith.index_cast %add3A_740 : i32 to index
      %get3A_742 = tpu.vector_load %arg10[%get3A_741] {strides = array<i32>} : memref<5120xi32, #tpu.memory_space<vmem>>, vector<16xi32>,
      %get3A_743 = vector.shape_cast %get3A_742 : vector<16xi32> to vector<16xi32>
      %swap3A_744 = arith.constant 64 : index
      %swap3A_745 = tpu.vector_load %arg11[%swap3A_744] {strides = array<i32>} : memref<128xi32, #tpu.memory_space<vmem>>, vector<16xi32>,
      %swap3A_746 = vector.shape_cast %swap3A_745 : vector<16xi32> to vector<16xi32>
      %swap3A_747 = vector.shape_cast %get3A_743 : vector<16xi32> to vector<16xi32>
      tpu.vector_store %arg11[%swap3A_744], %swap3A_747 {strides = array<i32>} : memref<128xi32, #tpu.memory_space<vmem>>, vector<16xi32>,
      %mul3A_748 = arith.constant 128 : i32
      %mul3A_749 = arith.muli %add3A_692, %mul3A_748 : i32
      %add3A_750 = arith.constant 80 : i32
      %add3A_751 = arith.addi %mul3A_749, %add3A_750 : i32
      %get3A_752 = arith.index_cast %add3A_751 : i32 to index
      %get3A_753 = tpu.vector_load %arg10[%get3A_752] {strides = array<i32>} : memref<5120xi32, #tpu.memory_space<vmem>>, vector<16xi32>,
      %get3A_754 = vector.shape_cast %get3A_753 : vector<16xi32> to vector<16xi32>
      %swap3A_755 = arith.constant 80 : index
      %swap3A_756 = tpu.vector_load %arg11[%swap3A_755] {strides = array<i32>} : memref<128xi32, #tpu.memory_space<vmem>>, vector<16xi32>,
      %swap3A_757 = vector.shape_cast %swap3A_756 : vector<16xi32> to vector<16xi32>
      %swap3A_758 = vector.shape_cast %get3A_754 : vector<16xi32> to vector<16xi32>
      tpu.vector_store %arg11[%swap3A_755], %swap3A_758 {strides = array<i32>} : memref<128xi32, #tpu.memory_space<vmem>>, vector<16xi32>,
      %mul3A_759 = arith.constant 128 : i32
      %mul3A_760 = arith.muli %add3A_692, %mul3A_759 : i32
      %add3A_761 = arith.constant 96 : i32
      %add3A_762 = arith.addi %mul3A_760, %add3A_761 : i32
      %get3A_763 = arith.index_cast %add3A_762 : i32 to index
      %get3A_764 = tpu.vector_load %arg10[%get3A_763] {strides = array<i32>} : memref<5120xi32, #tpu.memory_space<vmem>>, vector<16xi32>,
      %get3A_765 = vector.shape_cast %get3A_764 : vector<16xi32> to vector<16xi32>
      %swap3A_766 = arith.constant 96 : index
      %swap3A_767 = tpu.vector_load %arg11[%swap3A_766] {strides = array<i32>} : memref<128xi32, #tpu.memory_space<vmem>>, vector<16xi32>,
      %swap3A_768 = vector.shape_cast %swap3A_767 : vector<16xi32> to vector<16xi32>
      %swap3A_769 = vector.shape_cast %get3A_765 : vector<16xi32> to vector<16xi32>
      tpu.vector_store %arg11[%swap3A_766], %swap3A_769 {strides = array<i32>} : memref<128xi32, #tpu.memory_space<vmem>>, vector<16xi32>,
      %mul3A_770 = arith.constant 128 : i32
      %mul3A_771 = arith.muli %add3A_692, %mul3A_770 : i32
      %add3A_772 = arith.constant 112 : i32
      %add3A_773 = arith.addi %mul3A_771, %add3A_772 : i32
      %get3A_774 = arith.index_cast %add3A_773 : i32 to index
      %get3A_775 = tpu.vector_load %arg10[%get3A_774] {strides = array<i32>} : memref<5120xi32, #tpu.memory_space<vmem>>, vector<16xi32>,
      %get3A_776 = vector.shape_cast %get3A_775 : vector<16xi32> to vector<16xi32>
      %swap3A_777 = arith.constant 112 : index
      %swap3A_778 = tpu.vector_load %arg11[%swap3A_777] {strides = array<i32>} : memref<128xi32, #tpu.memory_space<vmem>>, vector<16xi32>,
      %swap3A_779 = vector.shape_cast %swap3A_778 : vector<16xi32> to vector<16xi32>
      %swap3A_780 = vector.shape_cast %get3A_776 : vector<16xi32> to vector<16xi32>
      tpu.vector_store %arg11[%swap3A_777], %swap3A_780 {strides = array<i32>} : memref<128xi32, #tpu.memory_space<vmem>>, vector<16xi32>,
      %dma_wait3A_781 = arith.constant 0 : i32
      %dma_wait3A_782 = tpu.memref_slice %arg9[%dma_wait3A_781] : memref<5120xi32, #tpu.memory_space<vmem>> -> memref<128xi32, #tpu.memory_space<vmem>>
      %dma_wait3A_783 = arith.constant 0 : i32
      %dma_wait3A_784 = arith.constant 0 : i32
      %dma_wait3A_785 = tpu.memref_slice %arg2[%dma_wait3A_783, %dma_wait3A_784] : memref<10000x128xf32, #tpu.memory_space<hbm>> -> memref<10000x128xf32, #tpu.memory_space<hbm>>
      tpu.wait_indirect_dma semaphore(%arg16 : memref<!tpu.dma_semaphore, #tpu.memory_space<semaphore_mem>>) src(%dma_wait3A_785 : memref<10000x128xf32, #tpu.memory_space<hbm>>) dst(%arg13 : memref<128x128xf32, #tpu.memory_space<vmem>>)
      %dma_wait3A_786 = arith.constant 0 : i32
      %dma_wait3A_787 = arith.constant 0 : i32
      %dma_wait3A_788 = tpu.memref_slice %arg15[%dma_wait3A_786, %dma_wait3A_787] : memref<10112x128xf32, #tpu.memory_space<vmem_shared>> -> memref<10112x128xf32, #tpu.memory_space<vmem_shared>>
      tpu.wait_indirect_dma semaphore(%arg19 : memref<!tpu.dma_semaphore, #tpu.memory_space<semaphore_mem>>) src(%arg14 : memref<128x128xf32, #tpu.memory_space<vmem>>) dst(%dma_wait3A_788 : memref<10112x128xf32, #tpu.memory_space<vmem_shared>>)
      %mul3A_789 = arith.constant 2 : i32
      %mul3A_790 = arith.muli %mul3A_789, %scan3A_575 : i32
      %add3A_791 = arith.constant 3 : i32
      %add3A_792 = arith.addi %mul3A_790, %add3A_791 : i32
      %mul3A_793 = arith.constant 128 : i32
      %mul3A_794 = arith.muli %add3A_792, %mul3A_793 : i32
      %dma_start3A_795 = tpu.memref_slice %arg9[%mul3A_794] : memref<5120xi32, #tpu.memory_space<vmem>> -> memref<128xi32, #tpu.memory_space<vmem>>
      %dma_start3A_796 = arith.constant 0 : i32
      %dma_start3A_797 = arith.constant 0 : i32
      %dma_start3A_798 = tpu.memref_slice %arg2[%dma_start3A_796, %dma_start3A_797] : memref<10000x128xf32, #tpu.memory_space<hbm>> -> memref<10000x128xf32, #tpu.memory_space<hbm>>
      tpu.enqueue_indirect_dma source(%dma_start3A_798 : memref<10000x128xf32, #tpu.memory_space<hbm>>) target(%arg14 : memref<128x128xf32, #tpu.memory_space<vmem>>) offsets(%dma_start3A_795 : memref<128xi32, #tpu.memory_space<vmem>>) semaphore(%arg17 : memref<!tpu.dma_semaphore, #tpu.memory_space<semaphore_mem>>)
      %dma_start3A_799 = arith.constant 0 : i32
      %dma_start3A_800 = arith.constant 0 : i32
      %dma_start3A_801 = tpu.memref_slice %arg15[%dma_start3A_799, %dma_start3A_800] : memref<10112x128xf32, #tpu.memory_space<vmem_shared>> -> memref<10112x128xf32, #tpu.memory_space<vmem_shared>>
      tpu.enqueue_indirect_dma source(%arg13 : memref<128x128xf32, #tpu.memory_space<vmem>>) target(%dma_start3A_801 : memref<10112x128xf32, #tpu.memory_space<vmem_shared>>) offsets(%arg11 : memref<128xi32, #tpu.memory_space<vmem>>) semaphore(%arg18 : memref<!tpu.dma_semaphore, #tpu.memory_space<semaphore_mem>>) {add = true}
    }
    %scan3A_81 = arith.constant 19 : i32
    %get3A_82 = arith.constant 4992 : index
    %get3A_83 = tpu.vector_load %arg10[%get3A_82] {strides = array<i32>} : memref<5120xi32, #tpu.memory_space<vmem>>, vector<16xi32>,
    %get3A_84 = vector.shape_cast %get3A_83 : vector<16xi32> to vector<16xi32>
    %swap3A_85 = arith.constant 0 : index
    %swap3A_86 = tpu.vector_load %arg12[%swap3A_85] {strides = array<i32>} : memref<128xi32, #tpu.memory_space<vmem>>, vector<16xi32>,
    %swap3A_87 = vector.shape_cast %swap3A_86 : vector<16xi32> to vector<16xi32>
    %swap3A_88 = vector.shape_cast %get3A_84 : vector<16xi32> to vector<16xi32>
    tpu.vector_store %arg12[%swap3A_85], %swap3A_88 {strides = array<i32>} : memref<128xi32, #tpu.memory_space<vmem>>, vector<16xi32>,
    %get3A_89 = arith.constant 5008 : index
    %get3A_90 = tpu.vector_load %arg10[%get3A_89] {strides = array<i32>} : memref<5120xi32, #tpu.memory_space<vmem>>, vector<16xi32>,
    %get3A_91 = vector.shape_cast %get3A_90 : vector<16xi32> to vector<16xi32>
    %swap3A_92 = arith.constant 16 : index
    %swap3A_93 = tpu.vector_load %arg12[%swap3A_92] {strides = array<i32>} : memref<128xi32, #tpu.memory_space<vmem>>, vector<16xi32>,
    %swap3A_94 = vector.shape_cast %swap3A_93 : vector<16xi32> to vector<16xi32>
    %swap3A_95 = vector.shape_cast %get3A_91 : vector<16xi32> to vector<16xi32>
    tpu.vector_store %arg12[%swap3A_92], %swap3A_95 {strides = array<i32>} : memref<128xi32, #tpu.memory_space<vmem>>, vector<16xi32>,
    %get3A_96 = arith.constant 5024 : index
    %get3A_97 = tpu.vector_load %arg10[%get3A_96] {strides = array<i32>} : memref<5120xi32, #tpu.memory_space<vmem>>, vector<16xi32>,
    %get3A_98 = vector.shape_cast %get3A_97 : vector<16xi32> to vector<16xi32>
    %swap3A_99 = arith.constant 32 : index
    %swap3A_100 = tpu.vector_load %arg12[%swap3A_99] {strides = array<i32>} : memref<128xi32, #tpu.memory_space<vmem>>, vector<16xi32>,
    %swap3A_101 = vector.shape_cast %swap3A_100 : vector<16xi32> to vector<16xi32>
    %swap3A_102 = vector.shape_cast %get3A_98 : vector<16xi32> to vector<16xi32>
    tpu.vector_store %arg12[%swap3A_99], %swap3A_102 {strides = array<i32>} : memref<128xi32, #tpu.memory_space<vmem>>, vector<16xi32>,
    %get3A_103 = arith.constant 5040 : index
    %get3A_104 = tpu.vector_load %arg10[%get3A_103] {strides = array<i32>} : memref<5120xi32, #tpu.memory_space<vmem>>, vector<16xi32>,
    %get3A_105 = vector.shape_cast %get3A_104 : vector<16xi32> to vector<16xi32>
    %swap3A_106 = arith.constant 48 : index
    %swap3A_107 = tpu.vector_load %arg12[%swap3A_106] {strides = array<i32>} : memref<128xi32, #tpu.memory_space<vmem>>, vector<16xi32>,
    %swap3A_108 = vector.shape_cast %swap3A_107 : vector<16xi32> to vector<16xi32>
    %swap3A_109 = vector.shape_cast %get3A_105 : vector<16xi32> to vector<16xi32>
    tpu.vector_store %arg12[%swap3A_106], %swap3A_109 {strides = array<i32>} : memref<128xi32, #tpu.memory_space<vmem>>, vector<16xi32>,
    %get3A_110 = arith.constant 5056 : index
    %get3A_111 = tpu.vector_load %arg10[%get3A_110] {strides = array<i32>} : memref<5120xi32, #tpu.memory_space<vmem>>, vector<16xi32>,
    %get3A_112 = vector.shape_cast %get3A_111 : vector<16xi32> to vector<16xi32>
    %swap3A_113 = arith.constant 64 : index
    %swap3A_114 = tpu.vector_load %arg12[%swap3A_113] {strides = array<i32>} : memref<128xi32, #tpu.memory_space<vmem>>, vector<16xi32>,
    %swap3A_115 = vector.shape_cast %swap3A_114 : vector<16xi32> to vector<16xi32>
    %swap3A_116 = vector.shape_cast %get3A_112 : vector<16xi32> to vector<16xi32>
    tpu.vector_store %arg12[%swap3A_113], %swap3A_116 {strides = array<i32>} : memref<128xi32, #tpu.memory_space<vmem>>, vector<16xi32>,
    %get3A_117 = arith.constant 5072 : index
    %get3A_118 = tpu.vector_load %arg10[%get3A_117] {strides = array<i32>} : memref<5120xi32, #tpu.memory_space<vmem>>, vector<16xi32>,
    %get3A_119 = vector.shape_cast %get3A_118 : vector<16xi32> to vector<16xi32>
    %swap3A_120 = arith.constant 80 : index
    %swap3A_121 = tpu.vector_load %arg12[%swap3A_120] {strides = array<i32>} : memref<128xi32, #tpu.memory_space<vmem>>, vector<16xi32>,
    %swap3A_122 = vector.shape_cast %swap3A_121 : vector<16xi32> to vector<16xi32>
    %swap3A_123 = vector.shape_cast %get3A_119 : vector<16xi32> to vector<16xi32>
    tpu.vector_store %arg12[%swap3A_120], %swap3A_123 {strides = array<i32>} : memref<128xi32, #tpu.memory_space<vmem>>, vector<16xi32>,
    %get3A_124 = arith.constant 5088 : index
    %get3A_125 = tpu.vector_load %arg10[%get3A_124] {strides = array<i32>} : memref<5120xi32, #tpu.memory_space<vmem>>, vector<16xi32>,
    %get3A_126 = vector.shape_cast %get3A_125 : vector<16xi32> to vector<16xi32>
    %swap3A_127 = arith.constant 96 : index
    %swap3A_128 = tpu.vector_load %arg12[%swap3A_127] {strides = array<i32>} : memref<128xi32, #tpu.memory_space<vmem>>, vector<16xi32>,
    %swap3A_129 = vector.shape_cast %swap3A_128 : vector<16xi32> to vector<16xi32>
    %swap3A_130 = vector.shape_cast %get3A_126 : vector<16xi32> to vector<16xi32>
    tpu.vector_store %arg12[%swap3A_127], %swap3A_130 {strides = array<i32>} : memref<128xi32, #tpu.memory_space<vmem>>, vector<16xi32>,
    %get3A_131 = arith.constant 5104 : index
    %get3A_132 = tpu.vector_load %arg10[%get3A_131] {strides = array<i32>} : memref<5120xi32, #tpu.memory_space<vmem>>, vector<16xi32>,
    %get3A_133 = vector.shape_cast %get3A_132 : vector<16xi32> to vector<16xi32>
    %swap3A_134 = arith.constant 112 : index
    %swap3A_135 = tpu.vector_load %arg12[%swap3A_134] {strides = array<i32>} : memref<128xi32, #tpu.memory_space<vmem>>, vector<16xi32>,
    %swap3A_136 = vector.shape_cast %swap3A_135 : vector<16xi32> to vector<16xi32>
    %swap3A_137 = vector.shape_cast %get3A_133 : vector<16xi32> to vector<16xi32>
    tpu.vector_store %arg12[%swap3A_134], %swap3A_137 {strides = array<i32>} : memref<128xi32, #tpu.memory_space<vmem>>, vector<16xi32>,
    %dma_wait3A_138 = arith.constant 0 : i32
    %dma_wait3A_139 = tpu.memref_slice %arg9[%dma_wait3A_138] : memref<5120xi32, #tpu.memory_space<vmem>> -> memref<128xi32, #tpu.memory_space<vmem>>
    %dma_wait3A_140 = arith.constant 0 : i32
    %dma_wait3A_141 = arith.constant 0 : i32
    %dma_wait3A_142 = tpu.memref_slice %arg2[%dma_wait3A_140, %dma_wait3A_141] : memref<10000x128xf32, #tpu.memory_space<hbm>> -> memref<10000x128xf32, #tpu.memory_space<hbm>>
    tpu.wait_indirect_dma semaphore(%arg17 : memref<!tpu.dma_semaphore, #tpu.memory_space<semaphore_mem>>) src(%dma_wait3A_142 : memref<10000x128xf32, #tpu.memory_space<hbm>>) dst(%arg14 : memref<128x128xf32, #tpu.memory_space<vmem>>)
    %dma_wait3A_143 = arith.constant 0 : i32
    %dma_wait3A_144 = arith.constant 0 : i32
    %dma_wait3A_145 = tpu.memref_slice %arg15[%dma_wait3A_143, %dma_wait3A_144] : memref<10112x128xf32, #tpu.memory_space<vmem_shared>> -> memref<10112x128xf32, #tpu.memory_space<vmem_shared>>
    tpu.wait_indirect_dma semaphore(%arg18 : memref<!tpu.dma_semaphore, #tpu.memory_space<semaphore_mem>>) src(%arg13 : memref<128x128xf32, #tpu.memory_space<vmem>>) dst(%dma_wait3A_145 : memref<10112x128xf32, #tpu.memory_space<vmem_shared>>)
    %dma_start3A_146 = arith.constant 0 : i32
    %dma_start3A_147 = arith.constant 0 : i32
    %dma_start3A_148 = tpu.memref_slice %arg15[%dma_start3A_146, %dma_start3A_147] : memref<10112x128xf32, #tpu.memory_space<vmem_shared>> -> memref<10112x128xf32, #tpu.memory_space<vmem_shared>>
    tpu.enqueue_indirect_dma source(%arg14 : memref<128x128xf32, #tpu.memory_space<vmem>>) target(%dma_start3A_148 : memref<10112x128xf32, #tpu.memory_space<vmem_shared>>) offsets(%arg12 : memref<128xi32, #tpu.memory_space<vmem>>) semaphore(%arg19 : memref<!tpu.dma_semaphore, #tpu.memory_space<semaphore_mem>>) {add = true}
    %dma_wait3A_149 = arith.constant 0 : i32
    %dma_wait3A_150 = arith.constant 0 : i32
    %dma_wait3A_151 = tpu.memref_slice %arg15[%dma_wait3A_149, %dma_wait3A_150] : memref<10112x128xf32, #tpu.memory_space<vmem_shared>> -> memref<10112x128xf32, #tpu.memory_space<vmem_shared>>
    tpu.wait_indirect_dma semaphore(%arg19 : memref<!tpu.dma_semaphore, #tpu.memory_space<semaphore_mem>>) src(%arg14 : memref<128x128xf32, #tpu.memory_space<vmem>>) dst(%dma_wait3A_151 : memref<10112x128xf32, #tpu.memory_space<vmem_shared>>)
    %add3A_152 = arith.constant 5120 : i32
    %add3A_153 = arith.addi %mul3A_2, %add3A_152 : i32
    %multiple_of3A_154 = tpu.assume_multiple %add3A_153, 128 : i32
    "tpu.region"() ({
      %run_scoped3A = tpu.sem_alloc : memref<!tpu.dma_semaphore, #tpu.memory_space<semaphore_mem>>
      %dma_start3A_575 = tpu.memref_slice %arg3[%multiple_of3A_154] : memref<327680xi32, #tpu.memory_space<hbm>> -> memref<5120xi32, #tpu.memory_space<hbm>>
      %dma_start3A_576 = tpu.memref_slice %arg3[%multiple_of3A_154] : memref<327680xi32, #tpu.memory_space<hbm>> -> memref<5120xi32, #tpu.memory_space<hbm>>
      tpu.enqueue_dma source(%dma_start3A_576 : memref<5120xi32, #tpu.memory_space<hbm>>) target(%arg9 : memref<5120xi32, #tpu.memory_space<vmem>>) target_semaphore(%run_scoped3A : memref<!tpu.dma_semaphore, #tpu.memory_space<semaphore_mem>>)
      %dma_wait3A_577 = tpu.memref_slice %arg3[%multiple_of3A_154] : memref<327680xi32, #tpu.memory_space<hbm>> -> memref<5120xi32, #tpu.memory_space<hbm>>
      %dma_wait3A_578 = tpu.memref_slice %arg3[%multiple_of3A_154] : memref<327680xi32, #tpu.memory_space<hbm>> -> memref<5120xi32, #tpu.memory_space<hbm>>
      tpu.wait_dma2 semaphore(%run_scoped3A : memref<!tpu.dma_semaphore, #tpu.memory_space<semaphore_mem>>) src(%dma_wait3A_578 : memref<5120xi32, #tpu.memory_space<hbm>>) dst(%arg9 : memref<5120xi32, #tpu.memory_space<vmem>>)
      tpu.yield
    }) : () -> ()
    "tpu.region"() ({
      %run_scoped3A = tpu.sem_alloc : memref<!tpu.dma_semaphore, #tpu.memory_space<semaphore_mem>>
      %dma_start3A_575 = tpu.memref_slice %arg4[%multiple_of3A_154] : memref<327680xi32, #tpu.memory_space<hbm>> -> memref<5120xi32, #tpu.memory_space<hbm>>
      %dma_start3A_576 = tpu.memref_slice %arg4[%multiple_of3A_154] : memref<327680xi32, #tpu.memory_space<hbm>> -> memref<5120xi32, #tpu.memory_space<hbm>>
      tpu.enqueue_dma source(%dma_start3A_576 : memref<5120xi32, #tpu.memory_space<hbm>>) target(%arg10 : memref<5120xi32, #tpu.memory_space<vmem>>) target_semaphore(%run_scoped3A : memref<!tpu.dma_semaphore, #tpu.memory_space<semaphore_mem>>)
      %dma_wait3A_577 = tpu.memref_slice %arg4[%multiple_of3A_154] : memref<327680xi32, #tpu.memory_space<hbm>> -> memref<5120xi32, #tpu.memory_space<hbm>>
      %dma_wait3A_578 = tpu.memref_slice %arg4[%multiple_of3A_154] : memref<327680xi32, #tpu.memory_space<hbm>> -> memref<5120xi32, #tpu.memory_space<hbm>>
      tpu.wait_dma2 semaphore(%run_scoped3A : memref<!tpu.dma_semaphore, #tpu.memory_space<semaphore_mem>>) src(%dma_wait3A_578 : memref<5120xi32, #tpu.memory_space<hbm>>) dst(%arg10 : memref<5120xi32, #tpu.memory_space<vmem>>)
      tpu.yield
    }) : () -> ()
    %dma_start3A_155 = arith.constant 0 : i32
    %dma_start3A_156 = tpu.memref_slice %arg9[%dma_start3A_155] : memref<5120xi32, #tpu.memory_space<vmem>> -> memref<128xi32, #tpu.memory_space<vmem>>
    %dma_start3A_157 = arith.constant 0 : i32
    %dma_start3A_158 = arith.constant 0 : i32
    %dma_start3A_159 = tpu.memref_slice %arg2[%dma_start3A_157, %dma_start3A_158] : memref<10000x128xf32, #tpu.memory_space<hbm>> -> memref<10000x128xf32, #tpu.memory_space<hbm>>
    tpu.enqueue_indirect_dma source(%dma_start3A_159 : memref<10000x128xf32, #tpu.memory_space<hbm>>) target(%arg13 : memref<128x128xf32, #tpu.memory_space<vmem>>) offsets(%dma_start3A_156 : memref<128xi32, #tpu.memory_space<vmem>>) semaphore(%arg16 : memref<!tpu.dma_semaphore, #tpu.memory_space<semaphore_mem>>)
    %get3A_160 = arith.constant 0 : index
    %get3A_161 = tpu.vector_load %arg10[%get3A_160] {strides = array<i32>} : memref<5120xi32, #tpu.memory_space<vmem>>, vector<16xi32>,
    %get3A_162 = vector.shape_cast %get3A_161 : vector<16xi32> to vector<16xi32>
    %swap3A_163 = arith.constant 0 : index
    %swap3A_164 = tpu.vector_load %arg11[%swap3A_163] {strides = array<i32>} : memref<128xi32, #tpu.memory_space<vmem>>, vector<16xi32>,
    %swap3A_165 = vector.shape_cast %swap3A_164 : vector<16xi32> to vector<16xi32>
    %swap3A_166 = vector.shape_cast %get3A_162 : vector<16xi32> to vector<16xi32>
    tpu.vector_store %arg11[%swap3A_163], %swap3A_166 {strides = array<i32>} : memref<128xi32, #tpu.memory_space<vmem>>, vector<16xi32>,
    %get3A_167 = arith.constant 16 : index
    %get3A_168 = tpu.vector_load %arg10[%get3A_167] {strides = array<i32>} : memref<5120xi32, #tpu.memory_space<vmem>>, vector<16xi32>,
    %get3A_169 = vector.shape_cast %get3A_168 : vector<16xi32> to vector<16xi32>
    %swap3A_170 = arith.constant 16 : index
    %swap3A_171 = tpu.vector_load %arg11[%swap3A_170] {strides = array<i32>} : memref<128xi32, #tpu.memory_space<vmem>>, vector<16xi32>,
    %swap3A_172 = vector.shape_cast %swap3A_171 : vector<16xi32> to vector<16xi32>
    %swap3A_173 = vector.shape_cast %get3A_169 : vector<16xi32> to vector<16xi32>
    tpu.vector_store %arg11[%swap3A_170], %swap3A_173 {strides = array<i32>} : memref<128xi32, #tpu.memory_space<vmem>>, vector<16xi32>,
    %get3A_174 = arith.constant 32 : index
    %get3A_175 = tpu.vector_load %arg10[%get3A_174] {strides = array<i32>} : memref<5120xi32, #tpu.memory_space<vmem>>, vector<16xi32>,
    %get3A_176 = vector.shape_cast %get3A_175 : vector<16xi32> to vector<16xi32>
    %swap3A_177 = arith.constant 32 : index
    %swap3A_178 = tpu.vector_load %arg11[%swap3A_177] {strides = array<i32>} : memref<128xi32, #tpu.memory_space<vmem>>, vector<16xi32>,
    %swap3A_179 = vector.shape_cast %swap3A_178 : vector<16xi32> to vector<16xi32>
    %swap3A_180 = vector.shape_cast %get3A_176 : vector<16xi32> to vector<16xi32>
    tpu.vector_store %arg11[%swap3A_177], %swap3A_180 {strides = array<i32>} : memref<128xi32, #tpu.memory_space<vmem>>, vector<16xi32>,
    %get3A_181 = arith.constant 48 : index
    %get3A_182 = tpu.vector_load %arg10[%get3A_181] {strides = array<i32>} : memref<5120xi32, #tpu.memory_space<vmem>>, vector<16xi32>,
    %get3A_183 = vector.shape_cast %get3A_182 : vector<16xi32> to vector<16xi32>
    %swap3A_184 = arith.constant 48 : index
    %swap3A_185 = tpu.vector_load %arg11[%swap3A_184] {strides = array<i32>} : memref<128xi32, #tpu.memory_space<vmem>>, vector<16xi32>,
    %swap3A_186 = vector.shape_cast %swap3A_185 : vector<16xi32> to vector<16xi32>
    %swap3A_187 = vector.shape_cast %get3A_183 : vector<16xi32> to vector<16xi32>
    tpu.vector_store %arg11[%swap3A_184], %swap3A_187 {strides = array<i32>} : memref<128xi32, #tpu.memory_space<vmem>>, vector<16xi32>,
    %get3A_188 = arith.constant 64 : index
    %get3A_189 = tpu.vector_load %arg10[%get3A_188] {strides = array<i32>} : memref<5120xi32, #tpu.memory_space<vmem>>, vector<16xi32>,
    %get3A_190 = vector.shape_cast %get3A_189 : vector<16xi32> to vector<16xi32>
    %swap3A_191 = arith.constant 64 : index
    %swap3A_192 = tpu.vector_load %arg11[%swap3A_191] {strides = array<i32>} : memref<128xi32, #tpu.memory_space<vmem>>, vector<16xi32>,
    %swap3A_193 = vector.shape_cast %swap3A_192 : vector<16xi32> to vector<16xi32>
    %swap3A_194 = vector.shape_cast %get3A_190 : vector<16xi32> to vector<16xi32>
    tpu.vector_store %arg11[%swap3A_191], %swap3A_194 {strides = array<i32>} : memref<128xi32, #tpu.memory_space<vmem>>, vector<16xi32>,
    %get3A_195 = arith.constant 80 : index
    %get3A_196 = tpu.vector_load %arg10[%get3A_195] {strides = array<i32>} : memref<5120xi32, #tpu.memory_space<vmem>>, vector<16xi32>,
    %get3A_197 = vector.shape_cast %get3A_196 : vector<16xi32> to vector<16xi32>
    %swap3A_198 = arith.constant 80 : index
    %swap3A_199 = tpu.vector_load %arg11[%swap3A_198] {strides = array<i32>} : memref<128xi32, #tpu.memory_space<vmem>>, vector<16xi32>,
    %swap3A_200 = vector.shape_cast %swap3A_199 : vector<16xi32> to vector<16xi32>
    %swap3A_201 = vector.shape_cast %get3A_197 : vector<16xi32> to vector<16xi32>
    tpu.vector_store %arg11[%swap3A_198], %swap3A_201 {strides = array<i32>} : memref<128xi32, #tpu.memory_space<vmem>>, vector<16xi32>,
    %get3A_202 = arith.constant 96 : index
    %get3A_203 = tpu.vector_load %arg10[%get3A_202] {strides = array<i32>} : memref<5120xi32, #tpu.memory_space<vmem>>, vector<16xi32>,
    %get3A_204 = vector.shape_cast %get3A_203 : vector<16xi32> to vector<16xi32>
    %swap3A_205 = arith.constant 96 : index
    %swap3A_206 = tpu.vector_load %arg11[%swap3A_205] {strides = array<i32>} : memref<128xi32, #tpu.memory_space<vmem>>, vector<16xi32>,
    %swap3A_207 = vector.shape_cast %swap3A_206 : vector<16xi32> to vector<16xi32>
    %swap3A_208 = vector.shape_cast %get3A_204 : vector<16xi32> to vector<16xi32>
    tpu.vector_store %arg11[%swap3A_205], %swap3A_208 {strides = array<i32>} : memref<128xi32, #tpu.memory_space<vmem>>, vector<16xi32>,
    %get3A_209 = arith.constant 112 : index
    %get3A_210 = tpu.vector_load %arg10[%get3A_209] {strides = array<i32>} : memref<5120xi32, #tpu.memory_space<vmem>>, vector<16xi32>,
    %get3A_211 = vector.shape_cast %get3A_210 : vector<16xi32> to vector<16xi32>
    %swap3A_212 = arith.constant 112 : index
    %swap3A_213 = tpu.vector_load %arg11[%swap3A_212] {strides = array<i32>} : memref<128xi32, #tpu.memory_space<vmem>>, vector<16xi32>,
    %swap3A_214 = vector.shape_cast %swap3A_213 : vector<16xi32> to vector<16xi32>
    %swap3A_215 = vector.shape_cast %get3A_211 : vector<16xi32> to vector<16xi32>
    tpu.vector_store %arg11[%swap3A_212], %swap3A_215 {strides = array<i32>} : memref<128xi32, #tpu.memory_space<vmem>>, vector<16xi32>,
    %dma_wait3A_216 = arith.constant 0 : i32
    %dma_wait3A_217 = tpu.memref_slice %arg9[%dma_wait3A_216] : memref<5120xi32, #tpu.memory_space<vmem>> -> memref<128xi32, #tpu.memory_space<vmem>>
    %dma_wait3A_218 = arith.constant 0 : i32
    %dma_wait3A_219 = arith.constant 0 : i32
    %dma_wait3A_220 = tpu.memref_slice %arg2[%dma_wait3A_218, %dma_wait3A_219] : memref<10000x128xf32, #tpu.memory_space<hbm>> -> memref<10000x128xf32, #tpu.memory_space<hbm>>
    tpu.wait_indirect_dma semaphore(%arg16 : memref<!tpu.dma_semaphore, #tpu.memory_space<semaphore_mem>>) src(%dma_wait3A_220 : memref<10000x128xf32, #tpu.memory_space<hbm>>) dst(%arg13 : memref<128x128xf32, #tpu.memory_space<vmem>>)
    %dma_start3A_221 = arith.constant 128 : i32
    %dma_start3A_222 = tpu.memref_slice %arg9[%dma_start3A_221] : memref<5120xi32, #tpu.memory_space<vmem>> -> memref<128xi32, #tpu.memory_space<vmem>>
    %dma_start3A_223 = arith.constant 0 : i32
    %dma_start3A_224 = arith.constant 0 : i32
    %dma_start3A_225 = tpu.memref_slice %arg2[%dma_start3A_223, %dma_start3A_224] : memref<10000x128xf32, #tpu.memory_space<hbm>> -> memref<10000x128xf32, #tpu.memory_space<hbm>>
    tpu.enqueue_indirect_dma source(%dma_start3A_225 : memref<10000x128xf32, #tpu.memory_space<hbm>>) target(%arg14 : memref<128x128xf32, #tpu.memory_space<vmem>>) offsets(%dma_start3A_222 : memref<128xi32, #tpu.memory_space<vmem>>) semaphore(%arg17 : memref<!tpu.dma_semaphore, #tpu.memory_space<semaphore_mem>>)
    %dma_start3A_226 = arith.constant 0 : i32
    %dma_start3A_227 = arith.constant 0 : i32
    %dma_start3A_228 = tpu.memref_slice %arg15[%dma_start3A_226, %dma_start3A_227] : memref<10112x128xf32, #tpu.memory_space<vmem_shared>> -> memref<10112x128xf32, #tpu.memory_space<vmem_shared>>
    tpu.enqueue_indirect_dma source(%arg13 : memref<128x128xf32, #tpu.memory_space<vmem>>) target(%dma_start3A_228 : memref<10112x128xf32, #tpu.memory_space<vmem_shared>>) offsets(%arg11 : memref<128xi32, #tpu.memory_space<vmem>>) semaphore(%arg18 : memref<!tpu.dma_semaphore, #tpu.memory_space<semaphore_mem>>) {add = true}
    %scan3A_229 = arith.constant 0 : i32
    %scan3A_230 = arith.constant 0 : i32
    %scan3A_231 = arith.constant 19 : i32
    %scan3A_232 = arith.addi %scan3A_230, %scan3A_231 : i32
    %scan3A_233 = arith.constant 1 : i32
    scf.for %scan3A_575 = %scan3A_230 to %scan3A_232 step %scan3A_233  : i32 {
      %mul3A_576 = arith.constant 2 : i32
      %mul3A_577 = arith.muli %mul3A_576, %scan3A_575 : i32
      %add3A_578 = arith.constant 1 : i32
      %add3A_579 = arith.addi %mul3A_577, %add3A_578 : i32
      %mul3A_580 = arith.constant 128 : i32
      %mul3A_581 = arith.muli %add3A_579, %mul3A_580 : i32
      %add3A_582 = arith.constant 0 : i32
      %add3A_583 = arith.addi %mul3A_581, %add3A_582 : i32
      %get3A_584 = arith.index_cast %add3A_583 : i32 to index
      %get3A_585 = tpu.vector_load %arg10[%get3A_584] {strides = array<i32>} : memref<5120xi32, #tpu.memory_space<vmem>>, vector<16xi32>,
      %get3A_586 = vector.shape_cast %get3A_585 : vector<16xi32> to vector<16xi32>
      %swap3A_587 = arith.constant 0 : index
      %swap3A_588 = tpu.vector_load %arg12[%swap3A_587] {strides = array<i32>} : memref<128xi32, #tpu.memory_space<vmem>>, vector<16xi32>,
      %swap3A_589 = vector.shape_cast %swap3A_588 : vector<16xi32> to vector<16xi32>
      %swap3A_590 = vector.shape_cast %get3A_586 : vector<16xi32> to vector<16xi32>
      tpu.vector_store %arg12[%swap3A_587], %swap3A_590 {strides = array<i32>} : memref<128xi32, #tpu.memory_space<vmem>>, vector<16xi32>,
      %mul3A_591 = arith.constant 128 : i32
      %mul3A_592 = arith.muli %add3A_579, %mul3A_591 : i32
      %add3A_593 = arith.constant 16 : i32
      %add3A_594 = arith.addi %mul3A_592, %add3A_593 : i32
      %get3A_595 = arith.index_cast %add3A_594 : i32 to index
      %get3A_596 = tpu.vector_load %arg10[%get3A_595] {strides = array<i32>} : memref<5120xi32, #tpu.memory_space<vmem>>, vector<16xi32>,
      %get3A_597 = vector.shape_cast %get3A_596 : vector<16xi32> to vector<16xi32>
      %swap3A_598 = arith.constant 16 : index
      %swap3A_599 = tpu.vector_load %arg12[%swap3A_598] {strides = array<i32>} : memref<128xi32, #tpu.memory_space<vmem>>, vector<16xi32>,
      %swap3A_600 = vector.shape_cast %swap3A_599 : vector<16xi32> to vector<16xi32>
      %swap3A_601 = vector.shape_cast %get3A_597 : vector<16xi32> to vector<16xi32>
      tpu.vector_store %arg12[%swap3A_598], %swap3A_601 {strides = array<i32>} : memref<128xi32, #tpu.memory_space<vmem>>, vector<16xi32>,
      %mul3A_602 = arith.constant 128 : i32
      %mul3A_603 = arith.muli %add3A_579, %mul3A_602 : i32
      %add3A_604 = arith.constant 32 : i32
      %add3A_605 = arith.addi %mul3A_603, %add3A_604 : i32
      %get3A_606 = arith.index_cast %add3A_605 : i32 to index
      %get3A_607 = tpu.vector_load %arg10[%get3A_606] {strides = array<i32>} : memref<5120xi32, #tpu.memory_space<vmem>>, vector<16xi32>,
      %get3A_608 = vector.shape_cast %get3A_607 : vector<16xi32> to vector<16xi32>
      %swap3A_609 = arith.constant 32 : index
      %swap3A_610 = tpu.vector_load %arg12[%swap3A_609] {strides = array<i32>} : memref<128xi32, #tpu.memory_space<vmem>>, vector<16xi32>,
      %swap3A_611 = vector.shape_cast %swap3A_610 : vector<16xi32> to vector<16xi32>
      %swap3A_612 = vector.shape_cast %get3A_608 : vector<16xi32> to vector<16xi32>
      tpu.vector_store %arg12[%swap3A_609], %swap3A_612 {strides = array<i32>} : memref<128xi32, #tpu.memory_space<vmem>>, vector<16xi32>,
      %mul3A_613 = arith.constant 128 : i32
      %mul3A_614 = arith.muli %add3A_579, %mul3A_613 : i32
      %add3A_615 = arith.constant 48 : i32
      %add3A_616 = arith.addi %mul3A_614, %add3A_615 : i32
      %get3A_617 = arith.index_cast %add3A_616 : i32 to index
      %get3A_618 = tpu.vector_load %arg10[%get3A_617] {strides = array<i32>} : memref<5120xi32, #tpu.memory_space<vmem>>, vector<16xi32>,
      %get3A_619 = vector.shape_cast %get3A_618 : vector<16xi32> to vector<16xi32>
      %swap3A_620 = arith.constant 48 : index
      %swap3A_621 = tpu.vector_load %arg12[%swap3A_620] {strides = array<i32>} : memref<128xi32, #tpu.memory_space<vmem>>, vector<16xi32>,
      %swap3A_622 = vector.shape_cast %swap3A_621 : vector<16xi32> to vector<16xi32>
      %swap3A_623 = vector.shape_cast %get3A_619 : vector<16xi32> to vector<16xi32>
      tpu.vector_store %arg12[%swap3A_620], %swap3A_623 {strides = array<i32>} : memref<128xi32, #tpu.memory_space<vmem>>, vector<16xi32>,
      %mul3A_624 = arith.constant 128 : i32
      %mul3A_625 = arith.muli %add3A_579, %mul3A_624 : i32
      %add3A_626 = arith.constant 64 : i32
      %add3A_627 = arith.addi %mul3A_625, %add3A_626 : i32
      %get3A_628 = arith.index_cast %add3A_627 : i32 to index
      %get3A_629 = tpu.vector_load %arg10[%get3A_628] {strides = array<i32>} : memref<5120xi32, #tpu.memory_space<vmem>>, vector<16xi32>,
      %get3A_630 = vector.shape_cast %get3A_629 : vector<16xi32> to vector<16xi32>
      %swap3A_631 = arith.constant 64 : index
      %swap3A_632 = tpu.vector_load %arg12[%swap3A_631] {strides = array<i32>} : memref<128xi32, #tpu.memory_space<vmem>>, vector<16xi32>,
      %swap3A_633 = vector.shape_cast %swap3A_632 : vector<16xi32> to vector<16xi32>
      %swap3A_634 = vector.shape_cast %get3A_630 : vector<16xi32> to vector<16xi32>
      tpu.vector_store %arg12[%swap3A_631], %swap3A_634 {strides = array<i32>} : memref<128xi32, #tpu.memory_space<vmem>>, vector<16xi32>,
      %mul3A_635 = arith.constant 128 : i32
      %mul3A_636 = arith.muli %add3A_579, %mul3A_635 : i32
      %add3A_637 = arith.constant 80 : i32
      %add3A_638 = arith.addi %mul3A_636, %add3A_637 : i32
      %get3A_639 = arith.index_cast %add3A_638 : i32 to index
      %get3A_640 = tpu.vector_load %arg10[%get3A_639] {strides = array<i32>} : memref<5120xi32, #tpu.memory_space<vmem>>, vector<16xi32>,
      %get3A_641 = vector.shape_cast %get3A_640 : vector<16xi32> to vector<16xi32>
      %swap3A_642 = arith.constant 80 : index
      %swap3A_643 = tpu.vector_load %arg12[%swap3A_642] {strides = array<i32>} : memref<128xi32, #tpu.memory_space<vmem>>, vector<16xi32>,
      %swap3A_644 = vector.shape_cast %swap3A_643 : vector<16xi32> to vector<16xi32>
      %swap3A_645 = vector.shape_cast %get3A_641 : vector<16xi32> to vector<16xi32>
      tpu.vector_store %arg12[%swap3A_642], %swap3A_645 {strides = array<i32>} : memref<128xi32, #tpu.memory_space<vmem>>, vector<16xi32>,
      %mul3A_646 = arith.constant 128 : i32
      %mul3A_647 = arith.muli %add3A_579, %mul3A_646 : i32
      %add3A_648 = arith.constant 96 : i32
      %add3A_649 = arith.addi %mul3A_647, %add3A_648 : i32
      %get3A_650 = arith.index_cast %add3A_649 : i32 to index
      %get3A_651 = tpu.vector_load %arg10[%get3A_650] {strides = array<i32>} : memref<5120xi32, #tpu.memory_space<vmem>>, vector<16xi32>,
      %get3A_652 = vector.shape_cast %get3A_651 : vector<16xi32> to vector<16xi32>
      %swap3A_653 = arith.constant 96 : index
      %swap3A_654 = tpu.vector_load %arg12[%swap3A_653] {strides = array<i32>} : memref<128xi32, #tpu.memory_space<vmem>>, vector<16xi32>,
      %swap3A_655 = vector.shape_cast %swap3A_654 : vector<16xi32> to vector<16xi32>
      %swap3A_656 = vector.shape_cast %get3A_652 : vector<16xi32> to vector<16xi32>
      tpu.vector_store %arg12[%swap3A_653], %swap3A_656 {strides = array<i32>} : memref<128xi32, #tpu.memory_space<vmem>>, vector<16xi32>,
      %mul3A_657 = arith.constant 128 : i32
      %mul3A_658 = arith.muli %add3A_579, %mul3A_657 : i32
      %add3A_659 = arith.constant 112 : i32
      %add3A_660 = arith.addi %mul3A_658, %add3A_659 : i32
      %get3A_661 = arith.index_cast %add3A_660 : i32 to index
      %get3A_662 = tpu.vector_load %arg10[%get3A_661] {strides = array<i32>} : memref<5120xi32, #tpu.memory_space<vmem>>, vector<16xi32>,
      %get3A_663 = vector.shape_cast %get3A_662 : vector<16xi32> to vector<16xi32>
      %swap3A_664 = arith.constant 112 : index
      %swap3A_665 = tpu.vector_load %arg12[%swap3A_664] {strides = array<i32>} : memref<128xi32, #tpu.memory_space<vmem>>, vector<16xi32>,
      %swap3A_666 = vector.shape_cast %swap3A_665 : vector<16xi32> to vector<16xi32>
      %swap3A_667 = vector.shape_cast %get3A_663 : vector<16xi32> to vector<16xi32>
      tpu.vector_store %arg12[%swap3A_664], %swap3A_667 {strides = array<i32>} : memref<128xi32, #tpu.memory_space<vmem>>, vector<16xi32>,
      %dma_wait3A_668 = arith.constant 0 : i32
      %dma_wait3A_669 = tpu.memref_slice %arg9[%dma_wait3A_668] : memref<5120xi32, #tpu.memory_space<vmem>> -> memref<128xi32, #tpu.memory_space<vmem>>
      %dma_wait3A_670 = arith.constant 0 : i32
      %dma_wait3A_671 = arith.constant 0 : i32
      %dma_wait3A_672 = tpu.memref_slice %arg2[%dma_wait3A_670, %dma_wait3A_671] : memref<10000x128xf32, #tpu.memory_space<hbm>> -> memref<10000x128xf32, #tpu.memory_space<hbm>>
      tpu.wait_indirect_dma semaphore(%arg17 : memref<!tpu.dma_semaphore, #tpu.memory_space<semaphore_mem>>) src(%dma_wait3A_672 : memref<10000x128xf32, #tpu.memory_space<hbm>>) dst(%arg14 : memref<128x128xf32, #tpu.memory_space<vmem>>)
      %dma_wait3A_673 = arith.constant 0 : i32
      %dma_wait3A_674 = arith.constant 0 : i32
      %dma_wait3A_675 = tpu.memref_slice %arg15[%dma_wait3A_673, %dma_wait3A_674] : memref<10112x128xf32, #tpu.memory_space<vmem_shared>> -> memref<10112x128xf32, #tpu.memory_space<vmem_shared>>
      tpu.wait_indirect_dma semaphore(%arg18 : memref<!tpu.dma_semaphore, #tpu.memory_space<semaphore_mem>>) src(%arg13 : memref<128x128xf32, #tpu.memory_space<vmem>>) dst(%dma_wait3A_675 : memref<10112x128xf32, #tpu.memory_space<vmem_shared>>)
      %mul3A_676 = arith.constant 2 : i32
      %mul3A_677 = arith.muli %mul3A_676, %scan3A_575 : i32
      %add3A_678 = arith.constant 2 : i32
      %add3A_679 = arith.addi %mul3A_677, %add3A_678 : i32
      %mul3A_680 = arith.constant 128 : i32
      %mul3A_681 = arith.muli %add3A_679, %mul3A_680 : i32
      %dma_start3A_682 = tpu.memref_slice %arg9[%mul3A_681] : memref<5120xi32, #tpu.memory_space<vmem>> -> memref<128xi32, #tpu.memory_space<vmem>>
      %dma_start3A_683 = arith.constant 0 : i32
      %dma_start3A_684 = arith.constant 0 : i32
      %dma_start3A_685 = tpu.memref_slice %arg2[%dma_start3A_683, %dma_start3A_684] : memref<10000x128xf32, #tpu.memory_space<hbm>> -> memref<10000x128xf32, #tpu.memory_space<hbm>>
      tpu.enqueue_indirect_dma source(%dma_start3A_685 : memref<10000x128xf32, #tpu.memory_space<hbm>>) target(%arg13 : memref<128x128xf32, #tpu.memory_space<vmem>>) offsets(%dma_start3A_682 : memref<128xi32, #tpu.memory_space<vmem>>) semaphore(%arg16 : memref<!tpu.dma_semaphore, #tpu.memory_space<semaphore_mem>>)
      %dma_start3A_686 = arith.constant 0 : i32
      %dma_start3A_687 = arith.constant 0 : i32
      %dma_start3A_688 = tpu.memref_slice %arg15[%dma_start3A_686, %dma_start3A_687] : memref<10112x128xf32, #tpu.memory_space<vmem_shared>> -> memref<10112x128xf32, #tpu.memory_space<vmem_shared>>
      tpu.enqueue_indirect_dma source(%arg14 : memref<128x128xf32, #tpu.memory_space<vmem>>) target(%dma_start3A_688 : memref<10112x128xf32, #tpu.memory_space<vmem_shared>>) offsets(%arg12 : memref<128xi32, #tpu.memory_space<vmem>>) semaphore(%arg19 : memref<!tpu.dma_semaphore, #tpu.memory_space<semaphore_mem>>) {add = true}
      %mul3A_689 = arith.constant 2 : i32
      %mul3A_690 = arith.muli %mul3A_689, %scan3A_575 : i32
      %add3A_691 = arith.constant 2 : i32
      %add3A_692 = arith.addi %mul3A_690, %add3A_691 : i32
      %mul3A_693 = arith.constant 128 : i32
      %mul3A_694 = arith.muli %add3A_692, %mul3A_693 : i32
      %add3A_695 = arith.constant 0 : i32
      %add3A_696 = arith.addi %mul3A_694, %add3A_695 : i32
      %get3A_697 = arith.index_cast %add3A_696 : i32 to index
      %get3A_698 = tpu.vector_load %arg10[%get3A_697] {strides = array<i32>} : memref<5120xi32, #tpu.memory_space<vmem>>, vector<16xi32>,
      %get3A_699 = vector.shape_cast %get3A_698 : vector<16xi32> to vector<16xi32>
      %swap3A_700 = arith.constant 0 : index
      %swap3A_701 = tpu.vector_load %arg11[%swap3A_700] {strides = array<i32>} : memref<128xi32, #tpu.memory_space<vmem>>, vector<16xi32>,
      %swap3A_702 = vector.shape_cast %swap3A_701 : vector<16xi32> to vector<16xi32>
      %swap3A_703 = vector.shape_cast %get3A_699 : vector<16xi32> to vector<16xi32>
      tpu.vector_store %arg11[%swap3A_700], %swap3A_703 {strides = array<i32>} : memref<128xi32, #tpu.memory_space<vmem>>, vector<16xi32>,
      %mul3A_704 = arith.constant 128 : i32
      %mul3A_705 = arith.muli %add3A_692, %mul3A_704 : i32
      %add3A_706 = arith.constant 16 : i32
      %add3A_707 = arith.addi %mul3A_705, %add3A_706 : i32
      %get3A_708 = arith.index_cast %add3A_707 : i32 to index
      %get3A_709 = tpu.vector_load %arg10[%get3A_708] {strides = array<i32>} : memref<5120xi32, #tpu.memory_space<vmem>>, vector<16xi32>,
      %get3A_710 = vector.shape_cast %get3A_709 : vector<16xi32> to vector<16xi32>
      %swap3A_711 = arith.constant 16 : index
      %swap3A_712 = tpu.vector_load %arg11[%swap3A_711] {strides = array<i32>} : memref<128xi32, #tpu.memory_space<vmem>>, vector<16xi32>,
      %swap3A_713 = vector.shape_cast %swap3A_712 : vector<16xi32> to vector<16xi32>
      %swap3A_714 = vector.shape_cast %get3A_710 : vector<16xi32> to vector<16xi32>
      tpu.vector_store %arg11[%swap3A_711], %swap3A_714 {strides = array<i32>} : memref<128xi32, #tpu.memory_space<vmem>>, vector<16xi32>,
      %mul3A_715 = arith.constant 128 : i32
      %mul3A_716 = arith.muli %add3A_692, %mul3A_715 : i32
      %add3A_717 = arith.constant 32 : i32
      %add3A_718 = arith.addi %mul3A_716, %add3A_717 : i32
      %get3A_719 = arith.index_cast %add3A_718 : i32 to index
      %get3A_720 = tpu.vector_load %arg10[%get3A_719] {strides = array<i32>} : memref<5120xi32, #tpu.memory_space<vmem>>, vector<16xi32>,
      %get3A_721 = vector.shape_cast %get3A_720 : vector<16xi32> to vector<16xi32>
      %swap3A_722 = arith.constant 32 : index
      %swap3A_723 = tpu.vector_load %arg11[%swap3A_722] {strides = array<i32>} : memref<128xi32, #tpu.memory_space<vmem>>, vector<16xi32>,
      %swap3A_724 = vector.shape_cast %swap3A_723 : vector<16xi32> to vector<16xi32>
      %swap3A_725 = vector.shape_cast %get3A_721 : vector<16xi32> to vector<16xi32>
      tpu.vector_store %arg11[%swap3A_722], %swap3A_725 {strides = array<i32>} : memref<128xi32, #tpu.memory_space<vmem>>, vector<16xi32>,
      %mul3A_726 = arith.constant 128 : i32
      %mul3A_727 = arith.muli %add3A_692, %mul3A_726 : i32
      %add3A_728 = arith.constant 48 : i32
      %add3A_729 = arith.addi %mul3A_727, %add3A_728 : i32
      %get3A_730 = arith.index_cast %add3A_729 : i32 to index
      %get3A_731 = tpu.vector_load %arg10[%get3A_730] {strides = array<i32>} : memref<5120xi32, #tpu.memory_space<vmem>>, vector<16xi32>,
      %get3A_732 = vector.shape_cast %get3A_731 : vector<16xi32> to vector<16xi32>
      %swap3A_733 = arith.constant 48 : index
      %swap3A_734 = tpu.vector_load %arg11[%swap3A_733] {strides = array<i32>} : memref<128xi32, #tpu.memory_space<vmem>>, vector<16xi32>,
      %swap3A_735 = vector.shape_cast %swap3A_734 : vector<16xi32> to vector<16xi32>
      %swap3A_736 = vector.shape_cast %get3A_732 : vector<16xi32> to vector<16xi32>
      tpu.vector_store %arg11[%swap3A_733], %swap3A_736 {strides = array<i32>} : memref<128xi32, #tpu.memory_space<vmem>>, vector<16xi32>,
      %mul3A_737 = arith.constant 128 : i32
      %mul3A_738 = arith.muli %add3A_692, %mul3A_737 : i32
      %add3A_739 = arith.constant 64 : i32
      %add3A_740 = arith.addi %mul3A_738, %add3A_739 : i32
      %get3A_741 = arith.index_cast %add3A_740 : i32 to index
      %get3A_742 = tpu.vector_load %arg10[%get3A_741] {strides = array<i32>} : memref<5120xi32, #tpu.memory_space<vmem>>, vector<16xi32>,
      %get3A_743 = vector.shape_cast %get3A_742 : vector<16xi32> to vector<16xi32>
      %swap3A_744 = arith.constant 64 : index
      %swap3A_745 = tpu.vector_load %arg11[%swap3A_744] {strides = array<i32>} : memref<128xi32, #tpu.memory_space<vmem>>, vector<16xi32>,
      %swap3A_746 = vector.shape_cast %swap3A_745 : vector<16xi32> to vector<16xi32>
      %swap3A_747 = vector.shape_cast %get3A_743 : vector<16xi32> to vector<16xi32>
      tpu.vector_store %arg11[%swap3A_744], %swap3A_747 {strides = array<i32>} : memref<128xi32, #tpu.memory_space<vmem>>, vector<16xi32>,
      %mul3A_748 = arith.constant 128 : i32
      %mul3A_749 = arith.muli %add3A_692, %mul3A_748 : i32
      %add3A_750 = arith.constant 80 : i32
      %add3A_751 = arith.addi %mul3A_749, %add3A_750 : i32
      %get3A_752 = arith.index_cast %add3A_751 : i32 to index
      %get3A_753 = tpu.vector_load %arg10[%get3A_752] {strides = array<i32>} : memref<5120xi32, #tpu.memory_space<vmem>>, vector<16xi32>,
      %get3A_754 = vector.shape_cast %get3A_753 : vector<16xi32> to vector<16xi32>
      %swap3A_755 = arith.constant 80 : index
      %swap3A_756 = tpu.vector_load %arg11[%swap3A_755] {strides = array<i32>} : memref<128xi32, #tpu.memory_space<vmem>>, vector<16xi32>,
      %swap3A_757 = vector.shape_cast %swap3A_756 : vector<16xi32> to vector<16xi32>
      %swap3A_758 = vector.shape_cast %get3A_754 : vector<16xi32> to vector<16xi32>
      tpu.vector_store %arg11[%swap3A_755], %swap3A_758 {strides = array<i32>} : memref<128xi32, #tpu.memory_space<vmem>>, vector<16xi32>,
      %mul3A_759 = arith.constant 128 : i32
      %mul3A_760 = arith.muli %add3A_692, %mul3A_759 : i32
      %add3A_761 = arith.constant 96 : i32
      %add3A_762 = arith.addi %mul3A_760, %add3A_761 : i32
      %get3A_763 = arith.index_cast %add3A_762 : i32 to index
      %get3A_764 = tpu.vector_load %arg10[%get3A_763] {strides = array<i32>} : memref<5120xi32, #tpu.memory_space<vmem>>, vector<16xi32>,
      %get3A_765 = vector.shape_cast %get3A_764 : vector<16xi32> to vector<16xi32>
      %swap3A_766 = arith.constant 96 : index
      %swap3A_767 = tpu.vector_load %arg11[%swap3A_766] {strides = array<i32>} : memref<128xi32, #tpu.memory_space<vmem>>, vector<16xi32>,
      %swap3A_768 = vector.shape_cast %swap3A_767 : vector<16xi32> to vector<16xi32>
      %swap3A_769 = vector.shape_cast %get3A_765 : vector<16xi32> to vector<16xi32>
      tpu.vector_store %arg11[%swap3A_766], %swap3A_769 {strides = array<i32>} : memref<128xi32, #tpu.memory_space<vmem>>, vector<16xi32>,
      %mul3A_770 = arith.constant 128 : i32
      %mul3A_771 = arith.muli %add3A_692, %mul3A_770 : i32
      %add3A_772 = arith.constant 112 : i32
      %add3A_773 = arith.addi %mul3A_771, %add3A_772 : i32
      %get3A_774 = arith.index_cast %add3A_773 : i32 to index
      %get3A_775 = tpu.vector_load %arg10[%get3A_774] {strides = array<i32>} : memref<5120xi32, #tpu.memory_space<vmem>>, vector<16xi32>,
      %get3A_776 = vector.shape_cast %get3A_775 : vector<16xi32> to vector<16xi32>
      %swap3A_777 = arith.constant 112 : index
      %swap3A_778 = tpu.vector_load %arg11[%swap3A_777] {strides = array<i32>} : memref<128xi32, #tpu.memory_space<vmem>>, vector<16xi32>,
      %swap3A_779 = vector.shape_cast %swap3A_778 : vector<16xi32> to vector<16xi32>
      %swap3A_780 = vector.shape_cast %get3A_776 : vector<16xi32> to vector<16xi32>
      tpu.vector_store %arg11[%swap3A_777], %swap3A_780 {strides = array<i32>} : memref<128xi32, #tpu.memory_space<vmem>>, vector<16xi32>,
      %dma_wait3A_781 = arith.constant 0 : i32
      %dma_wait3A_782 = tpu.memref_slice %arg9[%dma_wait3A_781] : memref<5120xi32, #tpu.memory_space<vmem>> -> memref<128xi32, #tpu.memory_space<vmem>>
      %dma_wait3A_783 = arith.constant 0 : i32
      %dma_wait3A_784 = arith.constant 0 : i32
      %dma_wait3A_785 = tpu.memref_slice %arg2[%dma_wait3A_783, %dma_wait3A_784] : memref<10000x128xf32, #tpu.memory_space<hbm>> -> memref<10000x128xf32, #tpu.memory_space<hbm>>
      tpu.wait_indirect_dma semaphore(%arg16 : memref<!tpu.dma_semaphore, #tpu.memory_space<semaphore_mem>>) src(%dma_wait3A_785 : memref<10000x128xf32, #tpu.memory_space<hbm>>) dst(%arg13 : memref<128x128xf32, #tpu.memory_space<vmem>>)
      %dma_wait3A_786 = arith.constant 0 : i32
      %dma_wait3A_787 = arith.constant 0 : i32
      %dma_wait3A_788 = tpu.memref_slice %arg15[%dma_wait3A_786, %dma_wait3A_787] : memref<10112x128xf32, #tpu.memory_space<vmem_shared>> -> memref<10112x128xf32, #tpu.memory_space<vmem_shared>>
      tpu.wait_indirect_dma semaphore(%arg19 : memref<!tpu.dma_semaphore, #tpu.memory_space<semaphore_mem>>) src(%arg14 : memref<128x128xf32, #tpu.memory_space<vmem>>) dst(%dma_wait3A_788 : memref<10112x128xf32, #tpu.memory_space<vmem_shared>>)
      %mul3A_789 = arith.constant 2 : i32
      %mul3A_790 = arith.muli %mul3A_789, %scan3A_575 : i32
      %add3A_791 = arith.constant 3 : i32
      %add3A_792 = arith.addi %mul3A_790, %add3A_791 : i32
      %mul3A_793 = arith.constant 128 : i32
      %mul3A_794 = arith.muli %add3A_792, %mul3A_793 : i32
      %dma_start3A_795 = tpu.memref_slice %arg9[%mul3A_794] : memref<5120xi32, #tpu.memory_space<vmem>> -> memref<128xi32, #tpu.memory_space<vmem>>
      %dma_start3A_796 = arith.constant 0 : i32
      %dma_start3A_797 = arith.constant 0 : i32
      %dma_start3A_798 = tpu.memref_slice %arg2[%dma_start3A_796, %dma_start3A_797] : memref<10000x128xf32, #tpu.memory_space<hbm>> -> memref<10000x128xf32, #tpu.memory_space<hbm>>
      tpu.enqueue_indirect_dma source(%dma_start3A_798 : memref<10000x128xf32, #tpu.memory_space<hbm>>) target(%arg14 : memref<128x128xf32, #tpu.memory_space<vmem>>) offsets(%dma_start3A_795 : memref<128xi32, #tpu.memory_space<vmem>>) semaphore(%arg17 : memref<!tpu.dma_semaphore, #tpu.memory_space<semaphore_mem>>)
      %dma_start3A_799 = arith.constant 0 : i32
      %dma_start3A_800 = arith.constant 0 : i32
      %dma_start3A_801 = tpu.memref_slice %arg15[%dma_start3A_799, %dma_start3A_800] : memref<10112x128xf32, #tpu.memory_space<vmem_shared>> -> memref<10112x128xf32, #tpu.memory_space<vmem_shared>>
      tpu.enqueue_indirect_dma source(%arg13 : memref<128x128xf32, #tpu.memory_space<vmem>>) target(%dma_start3A_801 : memref<10112x128xf32, #tpu.memory_space<vmem_shared>>) offsets(%arg11 : memref<128xi32, #tpu.memory_space<vmem>>) semaphore(%arg18 : memref<!tpu.dma_semaphore, #tpu.memory_space<semaphore_mem>>) {add = true}
    }
    %scan3A_234 = arith.constant 19 : i32
    %get3A_235 = arith.constant 4992 : index
    %get3A_236 = tpu.vector_load %arg10[%get3A_235] {strides = array<i32>} : memref<5120xi32, #tpu.memory_space<vmem>>, vector<16xi32>,
    %get3A_237 = vector.shape_cast %get3A_236 : vector<16xi32> to vector<16xi32>
    %swap3A_238 = arith.constant 0 : index
    %swap3A_239 = tpu.vector_load %arg12[%swap3A_238] {strides = array<i32>} : memref<128xi32, #tpu.memory_space<vmem>>, vector<16xi32>,
    %swap3A_240 = vector.shape_cast %swap3A_239 : vector<16xi32> to vector<16xi32>
    %swap3A_241 = vector.shape_cast %get3A_237 : vector<16xi32> to vector<16xi32>
    tpu.vector_store %arg12[%swap3A_238], %swap3A_241 {strides = array<i32>} : memref<128xi32, #tpu.memory_space<vmem>>, vector<16xi32>,
    %get3A_242 = arith.constant 5008 : index
    %get3A_243 = tpu.vector_load %arg10[%get3A_242] {strides = array<i32>} : memref<5120xi32, #tpu.memory_space<vmem>>, vector<16xi32>,
    %get3A_244 = vector.shape_cast %get3A_243 : vector<16xi32> to vector<16xi32>
    %swap3A_245 = arith.constant 16 : index
    %swap3A_246 = tpu.vector_load %arg12[%swap3A_245] {strides = array<i32>} : memref<128xi32, #tpu.memory_space<vmem>>, vector<16xi32>,
    %swap3A_247 = vector.shape_cast %swap3A_246 : vector<16xi32> to vector<16xi32>
    %swap3A_248 = vector.shape_cast %get3A_244 : vector<16xi32> to vector<16xi32>
    tpu.vector_store %arg12[%swap3A_245], %swap3A_248 {strides = array<i32>} : memref<128xi32, #tpu.memory_space<vmem>>, vector<16xi32>,
    %get3A_249 = arith.constant 5024 : index
    %get3A_250 = tpu.vector_load %arg10[%get3A_249] {strides = array<i32>} : memref<5120xi32, #tpu.memory_space<vmem>>, vector<16xi32>,
    %get3A_251 = vector.shape_cast %get3A_250 : vector<16xi32> to vector<16xi32>
    %swap3A_252 = arith.constant 32 : index
    %swap3A_253 = tpu.vector_load %arg12[%swap3A_252] {strides = array<i32>} : memref<128xi32, #tpu.memory_space<vmem>>, vector<16xi32>,
    %swap3A_254 = vector.shape_cast %swap3A_253 : vector<16xi32> to vector<16xi32>
    %swap3A_255 = vector.shape_cast %get3A_251 : vector<16xi32> to vector<16xi32>
    tpu.vector_store %arg12[%swap3A_252], %swap3A_255 {strides = array<i32>} : memref<128xi32, #tpu.memory_space<vmem>>, vector<16xi32>,
    %get3A_256 = arith.constant 5040 : index
    %get3A_257 = tpu.vector_load %arg10[%get3A_256] {strides = array<i32>} : memref<5120xi32, #tpu.memory_space<vmem>>, vector<16xi32>,
    %get3A_258 = vector.shape_cast %get3A_257 : vector<16xi32> to vector<16xi32>
    %swap3A_259 = arith.constant 48 : index
    %swap3A_260 = tpu.vector_load %arg12[%swap3A_259] {strides = array<i32>} : memref<128xi32, #tpu.memory_space<vmem>>, vector<16xi32>,
    %swap3A_261 = vector.shape_cast %swap3A_260 : vector<16xi32> to vector<16xi32>
    %swap3A_262 = vector.shape_cast %get3A_258 : vector<16xi32> to vector<16xi32>
    tpu.vector_store %arg12[%swap3A_259], %swap3A_262 {strides = array<i32>} : memref<128xi32, #tpu.memory_space<vmem>>, vector<16xi32>,
    %get3A_263 = arith.constant 5056 : index
    %get3A_264 = tpu.vector_load %arg10[%get3A_263] {strides = array<i32>} : memref<5120xi32, #tpu.memory_space<vmem>>, vector<16xi32>,
    %get3A_265 = vector.shape_cast %get3A_264 : vector<16xi32> to vector<16xi32>
    %swap3A_266 = arith.constant 64 : index
    %swap3A_267 = tpu.vector_load %arg12[%swap3A_266] {strides = array<i32>} : memref<128xi32, #tpu.memory_space<vmem>>, vector<16xi32>,
    %swap3A_268 = vector.shape_cast %swap3A_267 : vector<16xi32> to vector<16xi32>
    %swap3A_269 = vector.shape_cast %get3A_265 : vector<16xi32> to vector<16xi32>
    tpu.vector_store %arg12[%swap3A_266], %swap3A_269 {strides = array<i32>} : memref<128xi32, #tpu.memory_space<vmem>>, vector<16xi32>,
    %get3A_270 = arith.constant 5072 : index
    %get3A_271 = tpu.vector_load %arg10[%get3A_270] {strides = array<i32>} : memref<5120xi32, #tpu.memory_space<vmem>>, vector<16xi32>,
    %get3A_272 = vector.shape_cast %get3A_271 : vector<16xi32> to vector<16xi32>
    %swap3A_273 = arith.constant 80 : index
    %swap3A_274 = tpu.vector_load %arg12[%swap3A_273] {strides = array<i32>} : memref<128xi32, #tpu.memory_space<vmem>>, vector<16xi32>,
    %swap3A_275 = vector.shape_cast %swap3A_274 : vector<16xi32> to vector<16xi32>
    %swap3A_276 = vector.shape_cast %get3A_272 : vector<16xi32> to vector<16xi32>
    tpu.vector_store %arg12[%swap3A_273], %swap3A_276 {strides = array<i32>} : memref<128xi32, #tpu.memory_space<vmem>>, vector<16xi32>,
    %get3A_277 = arith.constant 5088 : index
    %get3A_278 = tpu.vector_load %arg10[%get3A_277] {strides = array<i32>} : memref<5120xi32, #tpu.memory_space<vmem>>, vector<16xi32>,
    %get3A_279 = vector.shape_cast %get3A_278 : vector<16xi32> to vector<16xi32>
    %swap3A_280 = arith.constant 96 : index
    %swap3A_281 = tpu.vector_load %arg12[%swap3A_280] {strides = array<i32>} : memref<128xi32, #tpu.memory_space<vmem>>, vector<16xi32>,
    %swap3A_282 = vector.shape_cast %swap3A_281 : vector<16xi32> to vector<16xi32>
    %swap3A_283 = vector.shape_cast %get3A_279 : vector<16xi32> to vector<16xi32>
    tpu.vector_store %arg12[%swap3A_280], %swap3A_283 {strides = array<i32>} : memref<128xi32, #tpu.memory_space<vmem>>, vector<16xi32>,
    %get3A_284 = arith.constant 5104 : index
    %get3A_285 = tpu.vector_load %arg10[%get3A_284] {strides = array<i32>} : memref<5120xi32, #tpu.memory_space<vmem>>, vector<16xi32>,
    %get3A_286 = vector.shape_cast %get3A_285 : vector<16xi32> to vector<16xi32>
    %swap3A_287 = arith.constant 112 : index
    %swap3A_288 = tpu.vector_load %arg12[%swap3A_287] {strides = array<i32>} : memref<128xi32, #tpu.memory_space<vmem>>, vector<16xi32>,
    %swap3A_289 = vector.shape_cast %swap3A_288 : vector<16xi32> to vector<16xi32>
    %swap3A_290 = vector.shape_cast %get3A_286 : vector<16xi32> to vector<16xi32>
    tpu.vector_store %arg12[%swap3A_287], %swap3A_290 {strides = array<i32>} : memref<128xi32, #tpu.memory_space<vmem>>, vector<16xi32>,
    %dma_wait3A_291 = arith.constant 0 : i32
    %dma_wait3A_292 = tpu.memref_slice %arg9[%dma_wait3A_291] : memref<5120xi32, #tpu.memory_space<vmem>> -> memref<128xi32, #tpu.memory_space<vmem>>
    %dma_wait3A_293 = arith.constant 0 : i32
    %dma_wait3A_294 = arith.constant 0 : i32
    %dma_wait3A_295 = tpu.memref_slice %arg2[%dma_wait3A_293, %dma_wait3A_294] : memref<10000x128xf32, #tpu.memory_space<hbm>> -> memref<10000x128xf32, #tpu.memory_space<hbm>>
    tpu.wait_indirect_dma semaphore(%arg17 : memref<!tpu.dma_semaphore, #tpu.memory_space<semaphore_mem>>) src(%dma_wait3A_295 : memref<10000x128xf32, #tpu.memory_space<hbm>>) dst(%arg14 : memref<128x128xf32, #tpu.memory_space<vmem>>)
    %dma_wait3A_296 = arith.constant 0 : i32
    %dma_wait3A_297 = arith.constant 0 : i32
    %dma_wait3A_298 = tpu.memref_slice %arg15[%dma_wait3A_296, %dma_wait3A_297] : memref<10112x128xf32, #tpu.memory_space<vmem_shared>> -> memref<10112x128xf32, #tpu.memory_space<vmem_shared>>
    tpu.wait_indirect_dma semaphore(%arg18 : memref<!tpu.dma_semaphore, #tpu.memory_space<semaphore_mem>>) src(%arg13 : memref<128x128xf32, #tpu.memory_space<vmem>>) dst(%dma_wait3A_298 : memref<10112x128xf32, #tpu.memory_space<vmem_shared>>)
    %dma_start3A_299 = arith.constant 0 : i32
    %dma_start3A_300 = arith.constant 0 : i32
    %dma_start3A_301 = tpu.memref_slice %arg15[%dma_start3A_299, %dma_start3A_300] : memref<10112x128xf32, #tpu.memory_space<vmem_shared>> -> memref<10112x128xf32, #tpu.memory_space<vmem_shared>>
    tpu.enqueue_indirect_dma source(%arg14 : memref<128x128xf32, #tpu.memory_space<vmem>>) target(%dma_start3A_301 : memref<10112x128xf32, #tpu.memory_space<vmem_shared>>) offsets(%arg12 : memref<128xi32, #tpu.memory_space<vmem>>) semaphore(%arg19 : memref<!tpu.dma_semaphore, #tpu.memory_space<semaphore_mem>>) {add = true}
    %dma_wait3A_302 = arith.constant 0 : i32
    %dma_wait3A_303 = arith.constant 0 : i32
    %dma_wait3A_304 = tpu.memref_slice %arg15[%dma_wait3A_302, %dma_wait3A_303] : memref<10112x128xf32, #tpu.memory_space<vmem_shared>> -> memref<10112x128xf32, #tpu.memory_space<vmem_shared>>
    tpu.wait_indirect_dma semaphore(%arg19 : memref<!tpu.dma_semaphore, #tpu.memory_space<semaphore_mem>>) src(%arg14 : memref<128x128xf32, #tpu.memory_space<vmem>>) dst(%dma_wait3A_304 : memref<10112x128xf32, #tpu.memory_space<vmem_shared>>)
    %barrier3A_305 = arith.constant 0 : index
    tpu.barrier barrier_id(%barrier3A_305)
    "tpu.region"() ({
      %run_scoped3A = tpu.sem_alloc : memref<!tpu.dma_semaphore, #tpu.memory_space<semaphore_mem>>
      %dma_start3A_575 = arith.constant 0 : i32
      %dma_start3A_576 = tpu.memref_slice %arg7[%arg0, %mul3A_4, %dma_start3A_575] : memref<2x10112x128xf32, #tpu.memory_space<hbm>> -> memref<1x632x128xf32, #tpu.memory_space<hbm>>
      %dma_start3A_577 = tpu.memref_squeeze %dma_start3A_576 : memref<1x632x128xf32, #tpu.memory_space<hbm>> -> memref<632x128xf32, #tpu.memory_space<hbm>>
      %dma_start3A_578 = arith.constant 0 : i32
      %dma_start3A_579 = tpu.memref_slice %arg15[%mul3A_4, %dma_start3A_578] : memref<10112x128xf32, #tpu.memory_space<vmem_shared>> -> memref<632x128xf32, #tpu.memory_space<vmem_shared>>
      tpu.enqueue_dma source(%dma_start3A_579 : memref<632x128xf32, #tpu.memory_space<vmem_shared>>) target(%dma_start3A_577 : memref<632x128xf32, #tpu.memory_space<hbm>>) target_semaphore(%run_scoped3A : memref<!tpu.dma_semaphore, #tpu.memory_space<semaphore_mem>>)
      %dma_wait3A_580 = arith.constant 0 : i32
      %dma_wait3A_581 = tpu.memref_slice %arg7[%arg0, %mul3A_4, %dma_wait3A_580] : memref<2x10112x128xf32, #tpu.memory_space<hbm>> -> memref<1x632x128xf32, #tpu.memory_space<hbm>>
      %dma_wait3A_582 = tpu.memref_squeeze %dma_wait3A_581 : memref<1x632x128xf32, #tpu.memory_space<hbm>> -> memref<632x128xf32, #tpu.memory_space<hbm>>
      %dma_wait3A_583 = arith.constant 0 : i32
      %dma_wait3A_584 = tpu.memref_slice %arg15[%mul3A_4, %dma_wait3A_583] : memref<10112x128xf32, #tpu.memory_space<vmem_shared>> -> memref<632x128xf32, #tpu.memory_space<vmem_shared>>
      tpu.wait_dma2 semaphore(%run_scoped3A : memref<!tpu.dma_semaphore, #tpu.memory_space<semaphore_mem>>) src(%dma_wait3A_584 : memref<632x128xf32, #tpu.memory_space<vmem_shared>>) dst(%dma_wait3A_582 : memref<632x128xf32, #tpu.memory_space<hbm>>)
      tpu.yield
    }) : () -> ()
    %barrier3A_306 = arith.constant 0 : index
    tpu.barrier barrier_id(%barrier3A_306)
    "tpu.region"() ({
      %run_scoped3A = tpu.sem_alloc : memref<!tpu.dma_semaphore, #tpu.memory_space<semaphore_mem>>
      %dma_start3A_575 = arith.constant 0 : i32
      %dma_start3A_576 = tpu.memref_slice %arg15[%mul3A_4, %dma_start3A_575] : memref<10112x128xf32, #tpu.memory_space<vmem_shared>> -> memref<632x128xf32, #tpu.memory_space<vmem_shared>>
      tpu.enqueue_dma source(%arg5 : memref<632x128xf32, #tpu.memory_space<hbm>>) target(%dma_start3A_576 : memref<632x128xf32, #tpu.memory_space<vmem_shared>>) target_semaphore(%run_scoped3A : memref<!tpu.dma_semaphore, #tpu.memory_space<semaphore_mem>>)
      %dma_wait3A_577 = arith.constant 0 : i32
      %dma_wait3A_578 = tpu.memref_slice %arg15[%mul3A_4, %dma_wait3A_577] : memref<10112x128xf32, #tpu.memory_space<vmem_shared>> -> memref<632x128xf32, #tpu.memory_space<vmem_shared>>
      tpu.wait_dma2 semaphore(%run_scoped3A : memref<!tpu.dma_semaphore, #tpu.memory_space<semaphore_mem>>) src(%arg5 : memref<632x128xf32, #tpu.memory_space<hbm>>) dst(%dma_wait3A_578 : memref<632x128xf32, #tpu.memory_space<vmem_shared>>)
      tpu.yield
    }) : () -> ()
    "tpu.region"() ({
      %run_scoped3A = tpu.sem_alloc : memref<!tpu.dma_semaphore, #tpu.memory_space<semaphore_mem>>
      tpu.enqueue_dma source(%arg6 : memref<128x128xf32, #tpu.memory_space<hbm>>) target(%arg13 : memref<128x128xf32, #tpu.memory_space<vmem>>) target_semaphore(%run_scoped3A : memref<!tpu.dma_semaphore, #tpu.memory_space<semaphore_mem>>)
      tpu.wait_dma2 semaphore(%run_scoped3A : memref<!tpu.dma_semaphore, #tpu.memory_space<semaphore_mem>>) src(%arg6 : memref<128x128xf32, #tpu.memory_space<hbm>>) dst(%arg13 : memref<128x128xf32, #tpu.memory_space<vmem>>)
      tpu.yield
    }) : () -> ()
    %barrier3A_307 = arith.constant 0 : index
    tpu.barrier barrier_id(%barrier3A_307)
    %add3A_308 = arith.constant 0 : i32
    %add3A_309 = arith.addi %mul3A_2, %add3A_308 : i32
    %multiple_of3A_310 = tpu.assume_multiple %add3A_309, 128 : i32
    "tpu.region"() ({
      %run_scoped3A = tpu.sem_alloc : memref<!tpu.dma_semaphore, #tpu.memory_space<semaphore_mem>>
      %dma_start3A_575 = tpu.memref_slice %arg4[%multiple_of3A_310] : memref<327680xi32, #tpu.memory_space<hbm>> -> memref<5120xi32, #tpu.memory_space<hbm>>
      %dma_start3A_576 = tpu.memref_slice %arg4[%multiple_of3A_310] : memref<327680xi32, #tpu.memory_space<hbm>> -> memref<5120xi32, #tpu.memory_space<hbm>>
      tpu.enqueue_dma source(%dma_start3A_576 : memref<5120xi32, #tpu.memory_space<hbm>>) target(%arg10 : memref<5120xi32, #tpu.memory_space<vmem>>) target_semaphore(%run_scoped3A : memref<!tpu.dma_semaphore, #tpu.memory_space<semaphore_mem>>)
      %dma_wait3A_577 = tpu.memref_slice %arg4[%multiple_of3A_310] : memref<327680xi32, #tpu.memory_space<hbm>> -> memref<5120xi32, #tpu.memory_space<hbm>>
      %dma_wait3A_578 = tpu.memref_slice %arg4[%multiple_of3A_310] : memref<327680xi32, #tpu.memory_space<hbm>> -> memref<5120xi32, #tpu.memory_space<hbm>>
      tpu.wait_dma2 semaphore(%run_scoped3A : memref<!tpu.dma_semaphore, #tpu.memory_space<semaphore_mem>>) src(%dma_wait3A_578 : memref<5120xi32, #tpu.memory_space<hbm>>) dst(%arg10 : memref<5120xi32, #tpu.memory_space<vmem>>)
      tpu.yield
    }) : () -> ()
    %get3A_311 = arith.constant 0 : index
    %get3A_312 = tpu.vector_load %arg10[%get3A_311] {strides = array<i32>} : memref<5120xi32, #tpu.memory_space<vmem>>, vector<16xi32>,
    %get3A_313 = vector.shape_cast %get3A_312 : vector<16xi32> to vector<16xi32>
    %swap3A_314 = arith.constant 0 : index
    %swap3A_315 = tpu.vector_load %arg11[%swap3A_314] {strides = array<i32>} : memref<128xi32, #tpu.memory_space<vmem>>, vector<16xi32>,
    %swap3A_316 = vector.shape_cast %swap3A_315 : vector<16xi32> to vector<16xi32>
    %swap3A_317 = vector.shape_cast %get3A_313 : vector<16xi32> to vector<16xi32>
    tpu.vector_store %arg11[%swap3A_314], %swap3A_317 {strides = array<i32>} : memref<128xi32, #tpu.memory_space<vmem>>, vector<16xi32>,
    %get3A_318 = arith.constant 16 : index
    %get3A_319 = tpu.vector_load %arg10[%get3A_318] {strides = array<i32>} : memref<5120xi32, #tpu.memory_space<vmem>>, vector<16xi32>,
    %get3A_320 = vector.shape_cast %get3A_319 : vector<16xi32> to vector<16xi32>
    %swap3A_321 = arith.constant 16 : index
    %swap3A_322 = tpu.vector_load %arg11[%swap3A_321] {strides = array<i32>} : memref<128xi32, #tpu.memory_space<vmem>>, vector<16xi32>,
    %swap3A_323 = vector.shape_cast %swap3A_322 : vector<16xi32> to vector<16xi32>
    %swap3A_324 = vector.shape_cast %get3A_320 : vector<16xi32> to vector<16xi32>
    tpu.vector_store %arg11[%swap3A_321], %swap3A_324 {strides = array<i32>} : memref<128xi32, #tpu.memory_space<vmem>>, vector<16xi32>,
    %get3A_325 = arith.constant 32 : index
    %get3A_326 = tpu.vector_load %arg10[%get3A_325] {strides = array<i32>} : memref<5120xi32, #tpu.memory_space<vmem>>, vector<16xi32>,
    %get3A_327 = vector.shape_cast %get3A_326 : vector<16xi32> to vector<16xi32>
    %swap3A_328 = arith.constant 32 : index
    %swap3A_329 = tpu.vector_load %arg11[%swap3A_328] {strides = array<i32>} : memref<128xi32, #tpu.memory_space<vmem>>, vector<16xi32>,
    %swap3A_330 = vector.shape_cast %swap3A_329 : vector<16xi32> to vector<16xi32>
    %swap3A_331 = vector.shape_cast %get3A_327 : vector<16xi32> to vector<16xi32>
    tpu.vector_store %arg11[%swap3A_328], %swap3A_331 {strides = array<i32>} : memref<128xi32, #tpu.memory_space<vmem>>, vector<16xi32>,
    %get3A_332 = arith.constant 48 : index
    %get3A_333 = tpu.vector_load %arg10[%get3A_332] {strides = array<i32>} : memref<5120xi32, #tpu.memory_space<vmem>>, vector<16xi32>,
    %get3A_334 = vector.shape_cast %get3A_333 : vector<16xi32> to vector<16xi32>
    %swap3A_335 = arith.constant 48 : index
    %swap3A_336 = tpu.vector_load %arg11[%swap3A_335] {strides = array<i32>} : memref<128xi32, #tpu.memory_space<vmem>>, vector<16xi32>,
    %swap3A_337 = vector.shape_cast %swap3A_336 : vector<16xi32> to vector<16xi32>
    %swap3A_338 = vector.shape_cast %get3A_334 : vector<16xi32> to vector<16xi32>
    tpu.vector_store %arg11[%swap3A_335], %swap3A_338 {strides = array<i32>} : memref<128xi32, #tpu.memory_space<vmem>>, vector<16xi32>,
    %get3A_339 = arith.constant 64 : index
    %get3A_340 = tpu.vector_load %arg10[%get3A_339] {strides = array<i32>} : memref<5120xi32, #tpu.memory_space<vmem>>, vector<16xi32>,
    %get3A_341 = vector.shape_cast %get3A_340 : vector<16xi32> to vector<16xi32>
    %swap3A_342 = arith.constant 64 : index
    %swap3A_343 = tpu.vector_load %arg11[%swap3A_342] {strides = array<i32>} : memref<128xi32, #tpu.memory_space<vmem>>, vector<16xi32>,
    %swap3A_344 = vector.shape_cast %swap3A_343 : vector<16xi32> to vector<16xi32>
    %swap3A_345 = vector.shape_cast %get3A_341 : vector<16xi32> to vector<16xi32>
    tpu.vector_store %arg11[%swap3A_342], %swap3A_345 {strides = array<i32>} : memref<128xi32, #tpu.memory_space<vmem>>, vector<16xi32>,
    %get3A_346 = arith.constant 80 : index
    %get3A_347 = tpu.vector_load %arg10[%get3A_346] {strides = array<i32>} : memref<5120xi32, #tpu.memory_space<vmem>>, vector<16xi32>,
    %get3A_348 = vector.shape_cast %get3A_347 : vector<16xi32> to vector<16xi32>
    %swap3A_349 = arith.constant 80 : index
    %swap3A_350 = tpu.vector_load %arg11[%swap3A_349] {strides = array<i32>} : memref<128xi32, #tpu.memory_space<vmem>>, vector<16xi32>,
    %swap3A_351 = vector.shape_cast %swap3A_350 : vector<16xi32> to vector<16xi32>
    %swap3A_352 = vector.shape_cast %get3A_348 : vector<16xi32> to vector<16xi32>
    tpu.vector_store %arg11[%swap3A_349], %swap3A_352 {strides = array<i32>} : memref<128xi32, #tpu.memory_space<vmem>>, vector<16xi32>,
    %get3A_353 = arith.constant 96 : index
    %get3A_354 = tpu.vector_load %arg10[%get3A_353] {strides = array<i32>} : memref<5120xi32, #tpu.memory_space<vmem>>, vector<16xi32>,
    %get3A_355 = vector.shape_cast %get3A_354 : vector<16xi32> to vector<16xi32>
    %swap3A_356 = arith.constant 96 : index
    %swap3A_357 = tpu.vector_load %arg11[%swap3A_356] {strides = array<i32>} : memref<128xi32, #tpu.memory_space<vmem>>, vector<16xi32>,
    %swap3A_358 = vector.shape_cast %swap3A_357 : vector<16xi32> to vector<16xi32>
    %swap3A_359 = vector.shape_cast %get3A_355 : vector<16xi32> to vector<16xi32>
    tpu.vector_store %arg11[%swap3A_356], %swap3A_359 {strides = array<i32>} : memref<128xi32, #tpu.memory_space<vmem>>, vector<16xi32>,
    %get3A_360 = arith.constant 112 : index
    %get3A_361 = tpu.vector_load %arg10[%get3A_360] {strides = array<i32>} : memref<5120xi32, #tpu.memory_space<vmem>>, vector<16xi32>,
    %get3A_362 = vector.shape_cast %get3A_361 : vector<16xi32> to vector<16xi32>
    %swap3A_363 = arith.constant 112 : index
    %swap3A_364 = tpu.vector_load %arg11[%swap3A_363] {strides = array<i32>} : memref<128xi32, #tpu.memory_space<vmem>>, vector<16xi32>,
    %swap3A_365 = vector.shape_cast %swap3A_364 : vector<16xi32> to vector<16xi32>
    %swap3A_366 = vector.shape_cast %get3A_362 : vector<16xi32> to vector<16xi32>
    tpu.vector_store %arg11[%swap3A_363], %swap3A_366 {strides = array<i32>} : memref<128xi32, #tpu.memory_space<vmem>>, vector<16xi32>,
    %dma_start3A_367 = arith.constant 0 : i32
    %dma_start3A_368 = arith.constant 0 : i32
    %dma_start3A_369 = tpu.memref_slice %arg15[%dma_start3A_367, %dma_start3A_368] : memref<10112x128xf32, #tpu.memory_space<vmem_shared>> -> memref<10112x128xf32, #tpu.memory_space<vmem_shared>>
    tpu.enqueue_indirect_dma source(%arg13 : memref<128x128xf32, #tpu.memory_space<vmem>>) target(%dma_start3A_369 : memref<10112x128xf32, #tpu.memory_space<vmem_shared>>) offsets(%arg11 : memref<128xi32, #tpu.memory_space<vmem>>) semaphore(%arg18 : memref<!tpu.dma_semaphore, #tpu.memory_space<semaphore_mem>>) {add = true}
    %scan3A_370 = arith.constant 0 : i32
    %scan3A_371 = arith.constant 0 : i32
    %scan3A_372 = arith.constant 19 : i32
    %scan3A_373 = arith.addi %scan3A_371, %scan3A_372 : i32
    %scan3A_374 = arith.constant 1 : i32
    scf.for %scan3A_575 = %scan3A_371 to %scan3A_373 step %scan3A_374  : i32 {
      %mul3A_576 = arith.constant 2 : i32
      %mul3A_577 = arith.muli %mul3A_576, %scan3A_575 : i32
      %add3A_578 = arith.constant 1 : i32
      %add3A_579 = arith.addi %mul3A_577, %add3A_578 : i32
      %mul3A_580 = arith.constant 128 : i32
      %mul3A_581 = arith.muli %add3A_579, %mul3A_580 : i32
      %add3A_582 = arith.constant 0 : i32
      %add3A_583 = arith.addi %mul3A_581, %add3A_582 : i32
      %get3A_584 = arith.index_cast %add3A_583 : i32 to index
      %get3A_585 = tpu.vector_load %arg10[%get3A_584] {strides = array<i32>} : memref<5120xi32, #tpu.memory_space<vmem>>, vector<16xi32>,
      %get3A_586 = vector.shape_cast %get3A_585 : vector<16xi32> to vector<16xi32>
      %swap3A_587 = arith.constant 0 : index
      %swap3A_588 = tpu.vector_load %arg12[%swap3A_587] {strides = array<i32>} : memref<128xi32, #tpu.memory_space<vmem>>, vector<16xi32>,
      %swap3A_589 = vector.shape_cast %swap3A_588 : vector<16xi32> to vector<16xi32>
      %swap3A_590 = vector.shape_cast %get3A_586 : vector<16xi32> to vector<16xi32>
      tpu.vector_store %arg12[%swap3A_587], %swap3A_590 {strides = array<i32>} : memref<128xi32, #tpu.memory_space<vmem>>, vector<16xi32>,
      %mul3A_591 = arith.constant 128 : i32
      %mul3A_592 = arith.muli %add3A_579, %mul3A_591 : i32
      %add3A_593 = arith.constant 16 : i32
      %add3A_594 = arith.addi %mul3A_592, %add3A_593 : i32
      %get3A_595 = arith.index_cast %add3A_594 : i32 to index
      %get3A_596 = tpu.vector_load %arg10[%get3A_595] {strides = array<i32>} : memref<5120xi32, #tpu.memory_space<vmem>>, vector<16xi32>,
      %get3A_597 = vector.shape_cast %get3A_596 : vector<16xi32> to vector<16xi32>
      %swap3A_598 = arith.constant 16 : index
      %swap3A_599 = tpu.vector_load %arg12[%swap3A_598] {strides = array<i32>} : memref<128xi32, #tpu.memory_space<vmem>>, vector<16xi32>,
      %swap3A_600 = vector.shape_cast %swap3A_599 : vector<16xi32> to vector<16xi32>
      %swap3A_601 = vector.shape_cast %get3A_597 : vector<16xi32> to vector<16xi32>
      tpu.vector_store %arg12[%swap3A_598], %swap3A_601 {strides = array<i32>} : memref<128xi32, #tpu.memory_space<vmem>>, vector<16xi32>,
      %mul3A_602 = arith.constant 128 : i32
      %mul3A_603 = arith.muli %add3A_579, %mul3A_602 : i32
      %add3A_604 = arith.constant 32 : i32
      %add3A_605 = arith.addi %mul3A_603, %add3A_604 : i32
      %get3A_606 = arith.index_cast %add3A_605 : i32 to index
      %get3A_607 = tpu.vector_load %arg10[%get3A_606] {strides = array<i32>} : memref<5120xi32, #tpu.memory_space<vmem>>, vector<16xi32>,
      %get3A_608 = vector.shape_cast %get3A_607 : vector<16xi32> to vector<16xi32>
      %swap3A_609 = arith.constant 32 : index
      %swap3A_610 = tpu.vector_load %arg12[%swap3A_609] {strides = array<i32>} : memref<128xi32, #tpu.memory_space<vmem>>, vector<16xi32>,
      %swap3A_611 = vector.shape_cast %swap3A_610 : vector<16xi32> to vector<16xi32>
      %swap3A_612 = vector.shape_cast %get3A_608 : vector<16xi32> to vector<16xi32>
      tpu.vector_store %arg12[%swap3A_609], %swap3A_612 {strides = array<i32>} : memref<128xi32, #tpu.memory_space<vmem>>, vector<16xi32>,
      %mul3A_613 = arith.constant 128 : i32
      %mul3A_614 = arith.muli %add3A_579, %mul3A_613 : i32
      %add3A_615 = arith.constant 48 : i32
      %add3A_616 = arith.addi %mul3A_614, %add3A_615 : i32
      %get3A_617 = arith.index_cast %add3A_616 : i32 to index
      %get3A_618 = tpu.vector_load %arg10[%get3A_617] {strides = array<i32>} : memref<5120xi32, #tpu.memory_space<vmem>>, vector<16xi32>,
      %get3A_619 = vector.shape_cast %get3A_618 : vector<16xi32> to vector<16xi32>
      %swap3A_620 = arith.constant 48 : index
      %swap3A_621 = tpu.vector_load %arg12[%swap3A_620] {strides = array<i32>} : memref<128xi32, #tpu.memory_space<vmem>>, vector<16xi32>,
      %swap3A_622 = vector.shape_cast %swap3A_621 : vector<16xi32> to vector<16xi32>
      %swap3A_623 = vector.shape_cast %get3A_619 : vector<16xi32> to vector<16xi32>
      tpu.vector_store %arg12[%swap3A_620], %swap3A_623 {strides = array<i32>} : memref<128xi32, #tpu.memory_space<vmem>>, vector<16xi32>,
      %mul3A_624 = arith.constant 128 : i32
      %mul3A_625 = arith.muli %add3A_579, %mul3A_624 : i32
      %add3A_626 = arith.constant 64 : i32
      %add3A_627 = arith.addi %mul3A_625, %add3A_626 : i32
      %get3A_628 = arith.index_cast %add3A_627 : i32 to index
      %get3A_629 = tpu.vector_load %arg10[%get3A_628] {strides = array<i32>} : memref<5120xi32, #tpu.memory_space<vmem>>, vector<16xi32>,
      %get3A_630 = vector.shape_cast %get3A_629 : vector<16xi32> to vector<16xi32>
      %swap3A_631 = arith.constant 64 : index
      %swap3A_632 = tpu.vector_load %arg12[%swap3A_631] {strides = array<i32>} : memref<128xi32, #tpu.memory_space<vmem>>, vector<16xi32>,
      %swap3A_633 = vector.shape_cast %swap3A_632 : vector<16xi32> to vector<16xi32>
      %swap3A_634 = vector.shape_cast %get3A_630 : vector<16xi32> to vector<16xi32>
      tpu.vector_store %arg12[%swap3A_631], %swap3A_634 {strides = array<i32>} : memref<128xi32, #tpu.memory_space<vmem>>, vector<16xi32>,
      %mul3A_635 = arith.constant 128 : i32
      %mul3A_636 = arith.muli %add3A_579, %mul3A_635 : i32
      %add3A_637 = arith.constant 80 : i32
      %add3A_638 = arith.addi %mul3A_636, %add3A_637 : i32
      %get3A_639 = arith.index_cast %add3A_638 : i32 to index
      %get3A_640 = tpu.vector_load %arg10[%get3A_639] {strides = array<i32>} : memref<5120xi32, #tpu.memory_space<vmem>>, vector<16xi32>,
      %get3A_641 = vector.shape_cast %get3A_640 : vector<16xi32> to vector<16xi32>
      %swap3A_642 = arith.constant 80 : index
      %swap3A_643 = tpu.vector_load %arg12[%swap3A_642] {strides = array<i32>} : memref<128xi32, #tpu.memory_space<vmem>>, vector<16xi32>,
      %swap3A_644 = vector.shape_cast %swap3A_643 : vector<16xi32> to vector<16xi32>
      %swap3A_645 = vector.shape_cast %get3A_641 : vector<16xi32> to vector<16xi32>
      tpu.vector_store %arg12[%swap3A_642], %swap3A_645 {strides = array<i32>} : memref<128xi32, #tpu.memory_space<vmem>>, vector<16xi32>,
      %mul3A_646 = arith.constant 128 : i32
      %mul3A_647 = arith.muli %add3A_579, %mul3A_646 : i32
      %add3A_648 = arith.constant 96 : i32
      %add3A_649 = arith.addi %mul3A_647, %add3A_648 : i32
      %get3A_650 = arith.index_cast %add3A_649 : i32 to index
      %get3A_651 = tpu.vector_load %arg10[%get3A_650] {strides = array<i32>} : memref<5120xi32, #tpu.memory_space<vmem>>, vector<16xi32>,
      %get3A_652 = vector.shape_cast %get3A_651 : vector<16xi32> to vector<16xi32>
      %swap3A_653 = arith.constant 96 : index
      %swap3A_654 = tpu.vector_load %arg12[%swap3A_653] {strides = array<i32>} : memref<128xi32, #tpu.memory_space<vmem>>, vector<16xi32>,
      %swap3A_655 = vector.shape_cast %swap3A_654 : vector<16xi32> to vector<16xi32>
      %swap3A_656 = vector.shape_cast %get3A_652 : vector<16xi32> to vector<16xi32>
      tpu.vector_store %arg12[%swap3A_653], %swap3A_656 {strides = array<i32>} : memref<128xi32, #tpu.memory_space<vmem>>, vector<16xi32>,
      %mul3A_657 = arith.constant 128 : i32
      %mul3A_658 = arith.muli %add3A_579, %mul3A_657 : i32
      %add3A_659 = arith.constant 112 : i32
      %add3A_660 = arith.addi %mul3A_658, %add3A_659 : i32
      %get3A_661 = arith.index_cast %add3A_660 : i32 to index
      %get3A_662 = tpu.vector_load %arg10[%get3A_661] {strides = array<i32>} : memref<5120xi32, #tpu.memory_space<vmem>>, vector<16xi32>,
      %get3A_663 = vector.shape_cast %get3A_662 : vector<16xi32> to vector<16xi32>
      %swap3A_664 = arith.constant 112 : index
      %swap3A_665 = tpu.vector_load %arg12[%swap3A_664] {strides = array<i32>} : memref<128xi32, #tpu.memory_space<vmem>>, vector<16xi32>,
      %swap3A_666 = vector.shape_cast %swap3A_665 : vector<16xi32> to vector<16xi32>
      %swap3A_667 = vector.shape_cast %get3A_663 : vector<16xi32> to vector<16xi32>
      tpu.vector_store %arg12[%swap3A_664], %swap3A_667 {strides = array<i32>} : memref<128xi32, #tpu.memory_space<vmem>>, vector<16xi32>,
      %dma_wait3A_668 = arith.constant 0 : i32
      %dma_wait3A_669 = arith.constant 0 : i32
      %dma_wait3A_670 = tpu.memref_slice %arg15[%dma_wait3A_668, %dma_wait3A_669] : memref<10112x128xf32, #tpu.memory_space<vmem_shared>> -> memref<10112x128xf32, #tpu.memory_space<vmem_shared>>
      tpu.wait_indirect_dma semaphore(%arg18 : memref<!tpu.dma_semaphore, #tpu.memory_space<semaphore_mem>>) src(%arg13 : memref<128x128xf32, #tpu.memory_space<vmem>>) dst(%dma_wait3A_670 : memref<10112x128xf32, #tpu.memory_space<vmem_shared>>)
      %dma_start3A_671 = arith.constant 0 : i32
      %dma_start3A_672 = arith.constant 0 : i32
      %dma_start3A_673 = tpu.memref_slice %arg15[%dma_start3A_671, %dma_start3A_672] : memref<10112x128xf32, #tpu.memory_space<vmem_shared>> -> memref<10112x128xf32, #tpu.memory_space<vmem_shared>>
      tpu.enqueue_indirect_dma source(%arg13 : memref<128x128xf32, #tpu.memory_space<vmem>>) target(%dma_start3A_673 : memref<10112x128xf32, #tpu.memory_space<vmem_shared>>) offsets(%arg12 : memref<128xi32, #tpu.memory_space<vmem>>) semaphore(%arg19 : memref<!tpu.dma_semaphore, #tpu.memory_space<semaphore_mem>>) {add = true}
      %mul3A_674 = arith.constant 2 : i32
      %mul3A_675 = arith.muli %mul3A_674, %scan3A_575 : i32
      %add3A_676 = arith.constant 2 : i32
      %add3A_677 = arith.addi %mul3A_675, %add3A_676 : i32
      %mul3A_678 = arith.constant 128 : i32
      %mul3A_679 = arith.muli %add3A_677, %mul3A_678 : i32
      %add3A_680 = arith.constant 0 : i32
      %add3A_681 = arith.addi %mul3A_679, %add3A_680 : i32
      %get3A_682 = arith.index_cast %add3A_681 : i32 to index
      %get3A_683 = tpu.vector_load %arg10[%get3A_682] {strides = array<i32>} : memref<5120xi32, #tpu.memory_space<vmem>>, vector<16xi32>,
      %get3A_684 = vector.shape_cast %get3A_683 : vector<16xi32> to vector<16xi32>
      %swap3A_685 = arith.constant 0 : index
      %swap3A_686 = tpu.vector_load %arg11[%swap3A_685] {strides = array<i32>} : memref<128xi32, #tpu.memory_space<vmem>>, vector<16xi32>,
      %swap3A_687 = vector.shape_cast %swap3A_686 : vector<16xi32> to vector<16xi32>
      %swap3A_688 = vector.shape_cast %get3A_684 : vector<16xi32> to vector<16xi32>
      tpu.vector_store %arg11[%swap3A_685], %swap3A_688 {strides = array<i32>} : memref<128xi32, #tpu.memory_space<vmem>>, vector<16xi32>,
      %mul3A_689 = arith.constant 128 : i32
      %mul3A_690 = arith.muli %add3A_677, %mul3A_689 : i32
      %add3A_691 = arith.constant 16 : i32
      %add3A_692 = arith.addi %mul3A_690, %add3A_691 : i32
      %get3A_693 = arith.index_cast %add3A_692 : i32 to index
      %get3A_694 = tpu.vector_load %arg10[%get3A_693] {strides = array<i32>} : memref<5120xi32, #tpu.memory_space<vmem>>, vector<16xi32>,
      %get3A_695 = vector.shape_cast %get3A_694 : vector<16xi32> to vector<16xi32>
      %swap3A_696 = arith.constant 16 : index
      %swap3A_697 = tpu.vector_load %arg11[%swap3A_696] {strides = array<i32>} : memref<128xi32, #tpu.memory_space<vmem>>, vector<16xi32>,
      %swap3A_698 = vector.shape_cast %swap3A_697 : vector<16xi32> to vector<16xi32>
      %swap3A_699 = vector.shape_cast %get3A_695 : vector<16xi32> to vector<16xi32>
      tpu.vector_store %arg11[%swap3A_696], %swap3A_699 {strides = array<i32>} : memref<128xi32, #tpu.memory_space<vmem>>, vector<16xi32>,
      %mul3A_700 = arith.constant 128 : i32
      %mul3A_701 = arith.muli %add3A_677, %mul3A_700 : i32
      %add3A_702 = arith.constant 32 : i32
      %add3A_703 = arith.addi %mul3A_701, %add3A_702 : i32
      %get3A_704 = arith.index_cast %add3A_703 : i32 to index
      %get3A_705 = tpu.vector_load %arg10[%get3A_704] {strides = array<i32>} : memref<5120xi32, #tpu.memory_space<vmem>>, vector<16xi32>,
      %get3A_706 = vector.shape_cast %get3A_705 : vector<16xi32> to vector<16xi32>
      %swap3A_707 = arith.constant 32 : index
      %swap3A_708 = tpu.vector_load %arg11[%swap3A_707] {strides = array<i32>} : memref<128xi32, #tpu.memory_space<vmem>>, vector<16xi32>,
      %swap3A_709 = vector.shape_cast %swap3A_708 : vector<16xi32> to vector<16xi32>
      %swap3A_710 = vector.shape_cast %get3A_706 : vector<16xi32> to vector<16xi32>
      tpu.vector_store %arg11[%swap3A_707], %swap3A_710 {strides = array<i32>} : memref<128xi32, #tpu.memory_space<vmem>>, vector<16xi32>,
      %mul3A_711 = arith.constant 128 : i32
      %mul3A_712 = arith.muli %add3A_677, %mul3A_711 : i32
      %add3A_713 = arith.constant 48 : i32
      %add3A_714 = arith.addi %mul3A_712, %add3A_713 : i32
      %get3A_715 = arith.index_cast %add3A_714 : i32 to index
      %get3A_716 = tpu.vector_load %arg10[%get3A_715] {strides = array<i32>} : memref<5120xi32, #tpu.memory_space<vmem>>, vector<16xi32>,
      %get3A_717 = vector.shape_cast %get3A_716 : vector<16xi32> to vector<16xi32>
      %swap3A_718 = arith.constant 48 : index
      %swap3A_719 = tpu.vector_load %arg11[%swap3A_718] {strides = array<i32>} : memref<128xi32, #tpu.memory_space<vmem>>, vector<16xi32>,
      %swap3A_720 = vector.shape_cast %swap3A_719 : vector<16xi32> to vector<16xi32>
      %swap3A_721 = vector.shape_cast %get3A_717 : vector<16xi32> to vector<16xi32>
      tpu.vector_store %arg11[%swap3A_718], %swap3A_721 {strides = array<i32>} : memref<128xi32, #tpu.memory_space<vmem>>, vector<16xi32>,
      %mul3A_722 = arith.constant 128 : i32
      %mul3A_723 = arith.muli %add3A_677, %mul3A_722 : i32
      %add3A_724 = arith.constant 64 : i32
      %add3A_725 = arith.addi %mul3A_723, %add3A_724 : i32
      %get3A_726 = arith.index_cast %add3A_725 : i32 to index
      %get3A_727 = tpu.vector_load %arg10[%get3A_726] {strides = array<i32>} : memref<5120xi32, #tpu.memory_space<vmem>>, vector<16xi32>,
      %get3A_728 = vector.shape_cast %get3A_727 : vector<16xi32> to vector<16xi32>
      %swap3A_729 = arith.constant 64 : index
      %swap3A_730 = tpu.vector_load %arg11[%swap3A_729] {strides = array<i32>} : memref<128xi32, #tpu.memory_space<vmem>>, vector<16xi32>,
      %swap3A_731 = vector.shape_cast %swap3A_730 : vector<16xi32> to vector<16xi32>
      %swap3A_732 = vector.shape_cast %get3A_728 : vector<16xi32> to vector<16xi32>
      tpu.vector_store %arg11[%swap3A_729], %swap3A_732 {strides = array<i32>} : memref<128xi32, #tpu.memory_space<vmem>>, vector<16xi32>,
      %mul3A_733 = arith.constant 128 : i32
      %mul3A_734 = arith.muli %add3A_677, %mul3A_733 : i32
      %add3A_735 = arith.constant 80 : i32
      %add3A_736 = arith.addi %mul3A_734, %add3A_735 : i32
      %get3A_737 = arith.index_cast %add3A_736 : i32 to index
      %get3A_738 = tpu.vector_load %arg10[%get3A_737] {strides = array<i32>} : memref<5120xi32, #tpu.memory_space<vmem>>, vector<16xi32>,
      %get3A_739 = vector.shape_cast %get3A_738 : vector<16xi32> to vector<16xi32>
      %swap3A_740 = arith.constant 80 : index
      %swap3A_741 = tpu.vector_load %arg11[%swap3A_740] {strides = array<i32>} : memref<128xi32, #tpu.memory_space<vmem>>, vector<16xi32>,
      %swap3A_742 = vector.shape_cast %swap3A_741 : vector<16xi32> to vector<16xi32>
      %swap3A_743 = vector.shape_cast %get3A_739 : vector<16xi32> to vector<16xi32>
      tpu.vector_store %arg11[%swap3A_740], %swap3A_743 {strides = array<i32>} : memref<128xi32, #tpu.memory_space<vmem>>, vector<16xi32>,
      %mul3A_744 = arith.constant 128 : i32
      %mul3A_745 = arith.muli %add3A_677, %mul3A_744 : i32
      %add3A_746 = arith.constant 96 : i32
      %add3A_747 = arith.addi %mul3A_745, %add3A_746 : i32
      %get3A_748 = arith.index_cast %add3A_747 : i32 to index
      %get3A_749 = tpu.vector_load %arg10[%get3A_748] {strides = array<i32>} : memref<5120xi32, #tpu.memory_space<vmem>>, vector<16xi32>,
      %get3A_750 = vector.shape_cast %get3A_749 : vector<16xi32> to vector<16xi32>
      %swap3A_751 = arith.constant 96 : index
      %swap3A_752 = tpu.vector_load %arg11[%swap3A_751] {strides = array<i32>} : memref<128xi32, #tpu.memory_space<vmem>>, vector<16xi32>,
      %swap3A_753 = vector.shape_cast %swap3A_752 : vector<16xi32> to vector<16xi32>
      %swap3A_754 = vector.shape_cast %get3A_750 : vector<16xi32> to vector<16xi32>
      tpu.vector_store %arg11[%swap3A_751], %swap3A_754 {strides = array<i32>} : memref<128xi32, #tpu.memory_space<vmem>>, vector<16xi32>,
      %mul3A_755 = arith.constant 128 : i32
      %mul3A_756 = arith.muli %add3A_677, %mul3A_755 : i32
      %add3A_757 = arith.constant 112 : i32
      %add3A_758 = arith.addi %mul3A_756, %add3A_757 : i32
      %get3A_759 = arith.index_cast %add3A_758 : i32 to index
      %get3A_760 = tpu.vector_load %arg10[%get3A_759] {strides = array<i32>} : memref<5120xi32, #tpu.memory_space<vmem>>, vector<16xi32>,
      %get3A_761 = vector.shape_cast %get3A_760 : vector<16xi32> to vector<16xi32>
      %swap3A_762 = arith.constant 112 : index
      %swap3A_763 = tpu.vector_load %arg11[%swap3A_762] {strides = array<i32>} : memref<128xi32, #tpu.memory_space<vmem>>, vector<16xi32>,
      %swap3A_764 = vector.shape_cast %swap3A_763 : vector<16xi32> to vector<16xi32>
      %swap3A_765 = vector.shape_cast %get3A_761 : vector<16xi32> to vector<16xi32>
      tpu.vector_store %arg11[%swap3A_762], %swap3A_765 {strides = array<i32>} : memref<128xi32, #tpu.memory_space<vmem>>, vector<16xi32>,
      %dma_wait3A_766 = arith.constant 0 : i32
      %dma_wait3A_767 = arith.constant 0 : i32
      %dma_wait3A_768 = tpu.memref_slice %arg15[%dma_wait3A_766, %dma_wait3A_767] : memref<10112x128xf32, #tpu.memory_space<vmem_shared>> -> memref<10112x128xf32, #tpu.memory_space<vmem_shared>>
      tpu.wait_indirect_dma semaphore(%arg19 : memref<!tpu.dma_semaphore, #tpu.memory_space<semaphore_mem>>) src(%arg13 : memref<128x128xf32, #tpu.memory_space<vmem>>) dst(%dma_wait3A_768 : memref<10112x128xf32, #tpu.memory_space<vmem_shared>>)
      %dma_start3A_769 = arith.constant 0 : i32
      %dma_start3A_770 = arith.constant 0 : i32
      %dma_start3A_771 = tpu.memref_slice %arg15[%dma_start3A_769, %dma_start3A_770] : memref<10112x128xf32, #tpu.memory_space<vmem_shared>> -> memref<10112x128xf32, #tpu.memory_space<vmem_shared>>
      tpu.enqueue_indirect_dma source(%arg13 : memref<128x128xf32, #tpu.memory_space<vmem>>) target(%dma_start3A_771 : memref<10112x128xf32, #tpu.memory_space<vmem_shared>>) offsets(%arg11 : memref<128xi32, #tpu.memory_space<vmem>>) semaphore(%arg18 : memref<!tpu.dma_semaphore, #tpu.memory_space<semaphore_mem>>) {add = true}
    }
    %scan3A_375 = arith.constant 19 : i32
    %get3A_376 = arith.constant 4992 : index
    %get3A_377 = tpu.vector_load %arg10[%get3A_376] {strides = array<i32>} : memref<5120xi32, #tpu.memory_space<vmem>>, vector<16xi32>,
    %get3A_378 = vector.shape_cast %get3A_377 : vector<16xi32> to vector<16xi32>
    %swap3A_379 = arith.constant 0 : index
    %swap3A_380 = tpu.vector_load %arg12[%swap3A_379] {strides = array<i32>} : memref<128xi32, #tpu.memory_space<vmem>>, vector<16xi32>,
    %swap3A_381 = vector.shape_cast %swap3A_380 : vector<16xi32> to vector<16xi32>
    %swap3A_382 = vector.shape_cast %get3A_378 : vector<16xi32> to vector<16xi32>
    tpu.vector_store %arg12[%swap3A_379], %swap3A_382 {strides = array<i32>} : memref<128xi32, #tpu.memory_space<vmem>>, vector<16xi32>,
    %get3A_383 = arith.constant 5008 : index
    %get3A_384 = tpu.vector_load %arg10[%get3A_383] {strides = array<i32>} : memref<5120xi32, #tpu.memory_space<vmem>>, vector<16xi32>,
    %get3A_385 = vector.shape_cast %get3A_384 : vector<16xi32> to vector<16xi32>
    %swap3A_386 = arith.constant 16 : index
    %swap3A_387 = tpu.vector_load %arg12[%swap3A_386] {strides = array<i32>} : memref<128xi32, #tpu.memory_space<vmem>>, vector<16xi32>,
    %swap3A_388 = vector.shape_cast %swap3A_387 : vector<16xi32> to vector<16xi32>
    %swap3A_389 = vector.shape_cast %get3A_385 : vector<16xi32> to vector<16xi32>
    tpu.vector_store %arg12[%swap3A_386], %swap3A_389 {strides = array<i32>} : memref<128xi32, #tpu.memory_space<vmem>>, vector<16xi32>,
    %get3A_390 = arith.constant 5024 : index
    %get3A_391 = tpu.vector_load %arg10[%get3A_390] {strides = array<i32>} : memref<5120xi32, #tpu.memory_space<vmem>>, vector<16xi32>,
    %get3A_392 = vector.shape_cast %get3A_391 : vector<16xi32> to vector<16xi32>
    %swap3A_393 = arith.constant 32 : index
    %swap3A_394 = tpu.vector_load %arg12[%swap3A_393] {strides = array<i32>} : memref<128xi32, #tpu.memory_space<vmem>>, vector<16xi32>,
    %swap3A_395 = vector.shape_cast %swap3A_394 : vector<16xi32> to vector<16xi32>
    %swap3A_396 = vector.shape_cast %get3A_392 : vector<16xi32> to vector<16xi32>
    tpu.vector_store %arg12[%swap3A_393], %swap3A_396 {strides = array<i32>} : memref<128xi32, #tpu.memory_space<vmem>>, vector<16xi32>,
    %get3A_397 = arith.constant 5040 : index
    %get3A_398 = tpu.vector_load %arg10[%get3A_397] {strides = array<i32>} : memref<5120xi32, #tpu.memory_space<vmem>>, vector<16xi32>,
    %get3A_399 = vector.shape_cast %get3A_398 : vector<16xi32> to vector<16xi32>
    %swap3A_400 = arith.constant 48 : index
    %swap3A_401 = tpu.vector_load %arg12[%swap3A_400] {strides = array<i32>} : memref<128xi32, #tpu.memory_space<vmem>>, vector<16xi32>,
    %swap3A_402 = vector.shape_cast %swap3A_401 : vector<16xi32> to vector<16xi32>
    %swap3A_403 = vector.shape_cast %get3A_399 : vector<16xi32> to vector<16xi32>
    tpu.vector_store %arg12[%swap3A_400], %swap3A_403 {strides = array<i32>} : memref<128xi32, #tpu.memory_space<vmem>>, vector<16xi32>,
    %get3A_404 = arith.constant 5056 : index
    %get3A_405 = tpu.vector_load %arg10[%get3A_404] {strides = array<i32>} : memref<5120xi32, #tpu.memory_space<vmem>>, vector<16xi32>,
    %get3A_406 = vector.shape_cast %get3A_405 : vector<16xi32> to vector<16xi32>
    %swap3A_407 = arith.constant 64 : index
    %swap3A_408 = tpu.vector_load %arg12[%swap3A_407] {strides = array<i32>} : memref<128xi32, #tpu.memory_space<vmem>>, vector<16xi32>,
    %swap3A_409 = vector.shape_cast %swap3A_408 : vector<16xi32> to vector<16xi32>
    %swap3A_410 = vector.shape_cast %get3A_406 : vector<16xi32> to vector<16xi32>
    tpu.vector_store %arg12[%swap3A_407], %swap3A_410 {strides = array<i32>} : memref<128xi32, #tpu.memory_space<vmem>>, vector<16xi32>,
    %get3A_411 = arith.constant 5072 : index
    %get3A_412 = tpu.vector_load %arg10[%get3A_411] {strides = array<i32>} : memref<5120xi32, #tpu.memory_space<vmem>>, vector<16xi32>,
    %get3A_413 = vector.shape_cast %get3A_412 : vector<16xi32> to vector<16xi32>
    %swap3A_414 = arith.constant 80 : index
    %swap3A_415 = tpu.vector_load %arg12[%swap3A_414] {strides = array<i32>} : memref<128xi32, #tpu.memory_space<vmem>>, vector<16xi32>,
    %swap3A_416 = vector.shape_cast %swap3A_415 : vector<16xi32> to vector<16xi32>
    %swap3A_417 = vector.shape_cast %get3A_413 : vector<16xi32> to vector<16xi32>
    tpu.vector_store %arg12[%swap3A_414], %swap3A_417 {strides = array<i32>} : memref<128xi32, #tpu.memory_space<vmem>>, vector<16xi32>,
    %get3A_418 = arith.constant 5088 : index
    %get3A_419 = tpu.vector_load %arg10[%get3A_418] {strides = array<i32>} : memref<5120xi32, #tpu.memory_space<vmem>>, vector<16xi32>,
    %get3A_420 = vector.shape_cast %get3A_419 : vector<16xi32> to vector<16xi32>
    %swap3A_421 = arith.constant 96 : index
    %swap3A_422 = tpu.vector_load %arg12[%swap3A_421] {strides = array<i32>} : memref<128xi32, #tpu.memory_space<vmem>>, vector<16xi32>,
    %swap3A_423 = vector.shape_cast %swap3A_422 : vector<16xi32> to vector<16xi32>
    %swap3A_424 = vector.shape_cast %get3A_420 : vector<16xi32> to vector<16xi32>
    tpu.vector_store %arg12[%swap3A_421], %swap3A_424 {strides = array<i32>} : memref<128xi32, #tpu.memory_space<vmem>>, vector<16xi32>,
    %get3A_425 = arith.constant 5104 : index
    %get3A_426 = tpu.vector_load %arg10[%get3A_425] {strides = array<i32>} : memref<5120xi32, #tpu.memory_space<vmem>>, vector<16xi32>,
    %get3A_427 = vector.shape_cast %get3A_426 : vector<16xi32> to vector<16xi32>
    %swap3A_428 = arith.constant 112 : index
    %swap3A_429 = tpu.vector_load %arg12[%swap3A_428] {strides = array<i32>} : memref<128xi32, #tpu.memory_space<vmem>>, vector<16xi32>,
    %swap3A_430 = vector.shape_cast %swap3A_429 : vector<16xi32> to vector<16xi32>
    %swap3A_431 = vector.shape_cast %get3A_427 : vector<16xi32> to vector<16xi32>
    tpu.vector_store %arg12[%swap3A_428], %swap3A_431 {strides = array<i32>} : memref<128xi32, #tpu.memory_space<vmem>>, vector<16xi32>,
    %dma_wait3A_432 = arith.constant 0 : i32
    %dma_wait3A_433 = arith.constant 0 : i32
    %dma_wait3A_434 = tpu.memref_slice %arg15[%dma_wait3A_432, %dma_wait3A_433] : memref<10112x128xf32, #tpu.memory_space<vmem_shared>> -> memref<10112x128xf32, #tpu.memory_space<vmem_shared>>
    tpu.wait_indirect_dma semaphore(%arg18 : memref<!tpu.dma_semaphore, #tpu.memory_space<semaphore_mem>>) src(%arg13 : memref<128x128xf32, #tpu.memory_space<vmem>>) dst(%dma_wait3A_434 : memref<10112x128xf32, #tpu.memory_space<vmem_shared>>)
    %dma_start3A_435 = arith.constant 0 : i32
    %dma_start3A_436 = arith.constant 0 : i32
    %dma_start3A_437 = tpu.memref_slice %arg15[%dma_start3A_435, %dma_start3A_436] : memref<10112x128xf32, #tpu.memory_space<vmem_shared>> -> memref<10112x128xf32, #tpu.memory_space<vmem_shared>>
    tpu.enqueue_indirect_dma source(%arg13 : memref<128x128xf32, #tpu.memory_space<vmem>>) target(%dma_start3A_437 : memref<10112x128xf32, #tpu.memory_space<vmem_shared>>) offsets(%arg12 : memref<128xi32, #tpu.memory_space<vmem>>) semaphore(%arg19 : memref<!tpu.dma_semaphore, #tpu.memory_space<semaphore_mem>>) {add = true}
    %dma_wait3A_438 = arith.constant 0 : i32
    %dma_wait3A_439 = arith.constant 0 : i32
    %dma_wait3A_440 = tpu.memref_slice %arg15[%dma_wait3A_438, %dma_wait3A_439] : memref<10112x128xf32, #tpu.memory_space<vmem_shared>> -> memref<10112x128xf32, #tpu.memory_space<vmem_shared>>
    tpu.wait_indirect_dma semaphore(%arg19 : memref<!tpu.dma_semaphore, #tpu.memory_space<semaphore_mem>>) src(%arg13 : memref<128x128xf32, #tpu.memory_space<vmem>>) dst(%dma_wait3A_440 : memref<10112x128xf32, #tpu.memory_space<vmem_shared>>)
    %add3A_441 = arith.constant 5120 : i32
    %add3A_442 = arith.addi %mul3A_2, %add3A_441 : i32
    %multiple_of3A_443 = tpu.assume_multiple %add3A_442, 128 : i32
    "tpu.region"() ({
      %run_scoped3A = tpu.sem_alloc : memref<!tpu.dma_semaphore, #tpu.memory_space<semaphore_mem>>
      %dma_start3A_575 = tpu.memref_slice %arg4[%multiple_of3A_443] : memref<327680xi32, #tpu.memory_space<hbm>> -> memref<5120xi32, #tpu.memory_space<hbm>>
      %dma_start3A_576 = tpu.memref_slice %arg4[%multiple_of3A_443] : memref<327680xi32, #tpu.memory_space<hbm>> -> memref<5120xi32, #tpu.memory_space<hbm>>
      tpu.enqueue_dma source(%dma_start3A_576 : memref<5120xi32, #tpu.memory_space<hbm>>) target(%arg10 : memref<5120xi32, #tpu.memory_space<vmem>>) target_semaphore(%run_scoped3A : memref<!tpu.dma_semaphore, #tpu.memory_space<semaphore_mem>>)
      %dma_wait3A_577 = tpu.memref_slice %arg4[%multiple_of3A_443] : memref<327680xi32, #tpu.memory_space<hbm>> -> memref<5120xi32, #tpu.memory_space<hbm>>
      %dma_wait3A_578 = tpu.memref_slice %arg4[%multiple_of3A_443] : memref<327680xi32, #tpu.memory_space<hbm>> -> memref<5120xi32, #tpu.memory_space<hbm>>
      tpu.wait_dma2 semaphore(%run_scoped3A : memref<!tpu.dma_semaphore, #tpu.memory_space<semaphore_mem>>) src(%dma_wait3A_578 : memref<5120xi32, #tpu.memory_space<hbm>>) dst(%arg10 : memref<5120xi32, #tpu.memory_space<vmem>>)
      tpu.yield
    }) : () -> ()
    %get3A_444 = arith.constant 0 : index
    %get3A_445 = tpu.vector_load %arg10[%get3A_444] {strides = array<i32>} : memref<5120xi32, #tpu.memory_space<vmem>>, vector<16xi32>,
    %get3A_446 = vector.shape_cast %get3A_445 : vector<16xi32> to vector<16xi32>
    %swap3A_447 = arith.constant 0 : index
    %swap3A_448 = tpu.vector_load %arg11[%swap3A_447] {strides = array<i32>} : memref<128xi32, #tpu.memory_space<vmem>>, vector<16xi32>,
    %swap3A_449 = vector.shape_cast %swap3A_448 : vector<16xi32> to vector<16xi32>
    %swap3A_450 = vector.shape_cast %get3A_446 : vector<16xi32> to vector<16xi32>
    tpu.vector_store %arg11[%swap3A_447], %swap3A_450 {strides = array<i32>} : memref<128xi32, #tpu.memory_space<vmem>>, vector<16xi32>,
    %get3A_451 = arith.constant 16 : index
    %get3A_452 = tpu.vector_load %arg10[%get3A_451] {strides = array<i32>} : memref<5120xi32, #tpu.memory_space<vmem>>, vector<16xi32>,
    %get3A_453 = vector.shape_cast %get3A_452 : vector<16xi32> to vector<16xi32>
    %swap3A_454 = arith.constant 16 : index
    %swap3A_455 = tpu.vector_load %arg11[%swap3A_454] {strides = array<i32>} : memref<128xi32, #tpu.memory_space<vmem>>, vector<16xi32>,
    %swap3A_456 = vector.shape_cast %swap3A_455 : vector<16xi32> to vector<16xi32>
    %swap3A_457 = vector.shape_cast %get3A_453 : vector<16xi32> to vector<16xi32>
    tpu.vector_store %arg11[%swap3A_454], %swap3A_457 {strides = array<i32>} : memref<128xi32, #tpu.memory_space<vmem>>, vector<16xi32>,
    %get3A_458 = arith.constant 32 : index
    %get3A_459 = tpu.vector_load %arg10[%get3A_458] {strides = array<i32>} : memref<5120xi32, #tpu.memory_space<vmem>>, vector<16xi32>,
    %get3A_460 = vector.shape_cast %get3A_459 : vector<16xi32> to vector<16xi32>
    %swap3A_461 = arith.constant 32 : index
    %swap3A_462 = tpu.vector_load %arg11[%swap3A_461] {strides = array<i32>} : memref<128xi32, #tpu.memory_space<vmem>>, vector<16xi32>,
    %swap3A_463 = vector.shape_cast %swap3A_462 : vector<16xi32> to vector<16xi32>
    %swap3A_464 = vector.shape_cast %get3A_460 : vector<16xi32> to vector<16xi32>
    tpu.vector_store %arg11[%swap3A_461], %swap3A_464 {strides = array<i32>} : memref<128xi32, #tpu.memory_space<vmem>>, vector<16xi32>,
    %get3A_465 = arith.constant 48 : index
    %get3A_466 = tpu.vector_load %arg10[%get3A_465] {strides = array<i32>} : memref<5120xi32, #tpu.memory_space<vmem>>, vector<16xi32>,
    %get3A_467 = vector.shape_cast %get3A_466 : vector<16xi32> to vector<16xi32>
    %swap3A_468 = arith.constant 48 : index
    %swap3A_469 = tpu.vector_load %arg11[%swap3A_468] {strides = array<i32>} : memref<128xi32, #tpu.memory_space<vmem>>, vector<16xi32>,
    %swap3A_470 = vector.shape_cast %swap3A_469 : vector<16xi32> to vector<16xi32>
    %swap3A_471 = vector.shape_cast %get3A_467 : vector<16xi32> to vector<16xi32>
    tpu.vector_store %arg11[%swap3A_468], %swap3A_471 {strides = array<i32>} : memref<128xi32, #tpu.memory_space<vmem>>, vector<16xi32>,
    %get3A_472 = arith.constant 64 : index
    %get3A_473 = tpu.vector_load %arg10[%get3A_472] {strides = array<i32>} : memref<5120xi32, #tpu.memory_space<vmem>>, vector<16xi32>,
    %get3A_474 = vector.shape_cast %get3A_473 : vector<16xi32> to vector<16xi32>
    %swap3A_475 = arith.constant 64 : index
    %swap3A_476 = tpu.vector_load %arg11[%swap3A_475] {strides = array<i32>} : memref<128xi32, #tpu.memory_space<vmem>>, vector<16xi32>,
    %swap3A_477 = vector.shape_cast %swap3A_476 : vector<16xi32> to vector<16xi32>
    %swap3A_478 = vector.shape_cast %get3A_474 : vector<16xi32> to vector<16xi32>
    tpu.vector_store %arg11[%swap3A_475], %swap3A_478 {strides = array<i32>} : memref<128xi32, #tpu.memory_space<vmem>>, vector<16xi32>,
    %get3A_479 = arith.constant 80 : index
    %get3A_480 = tpu.vector_load %arg10[%get3A_479] {strides = array<i32>} : memref<5120xi32, #tpu.memory_space<vmem>>, vector<16xi32>,
    %get3A_481 = vector.shape_cast %get3A_480 : vector<16xi32> to vector<16xi32>
    %swap3A_482 = arith.constant 80 : index
    %swap3A_483 = tpu.vector_load %arg11[%swap3A_482] {strides = array<i32>} : memref<128xi32, #tpu.memory_space<vmem>>, vector<16xi32>,
    %swap3A_484 = vector.shape_cast %swap3A_483 : vector<16xi32> to vector<16xi32>
    %swap3A_485 = vector.shape_cast %get3A_481 : vector<16xi32> to vector<16xi32>
    tpu.vector_store %arg11[%swap3A_482], %swap3A_485 {strides = array<i32>} : memref<128xi32, #tpu.memory_space<vmem>>, vector<16xi32>,
    %get3A_486 = arith.constant 96 : index
    %get3A_487 = tpu.vector_load %arg10[%get3A_486] {strides = array<i32>} : memref<5120xi32, #tpu.memory_space<vmem>>, vector<16xi32>,
    %get3A_488 = vector.shape_cast %get3A_487 : vector<16xi32> to vector<16xi32>
    %swap3A_489 = arith.constant 96 : index
    %swap3A_490 = tpu.vector_load %arg11[%swap3A_489] {strides = array<i32>} : memref<128xi32, #tpu.memory_space<vmem>>, vector<16xi32>,
    %swap3A_491 = vector.shape_cast %swap3A_490 : vector<16xi32> to vector<16xi32>
    %swap3A_492 = vector.shape_cast %get3A_488 : vector<16xi32> to vector<16xi32>
    tpu.vector_store %arg11[%swap3A_489], %swap3A_492 {strides = array<i32>} : memref<128xi32, #tpu.memory_space<vmem>>, vector<16xi32>,
    %get3A_493 = arith.constant 112 : index
    %get3A_494 = tpu.vector_load %arg10[%get3A_493] {strides = array<i32>} : memref<5120xi32, #tpu.memory_space<vmem>>, vector<16xi32>,
    %get3A_495 = vector.shape_cast %get3A_494 : vector<16xi32> to vector<16xi32>
    %swap3A_496 = arith.constant 112 : index
    %swap3A_497 = tpu.vector_load %arg11[%swap3A_496] {strides = array<i32>} : memref<128xi32, #tpu.memory_space<vmem>>, vector<16xi32>,
    %swap3A_498 = vector.shape_cast %swap3A_497 : vector<16xi32> to vector<16xi32>
    %swap3A_499 = vector.shape_cast %get3A_495 : vector<16xi32> to vector<16xi32>
    tpu.vector_store %arg11[%swap3A_496], %swap3A_499 {strides = array<i32>} : memref<128xi32, #tpu.memory_space<vmem>>, vector<16xi32>,
    %dma_start3A_500 = arith.constant 0 : i32
    %dma_start3A_501 = arith.constant 0 : i32
    %dma_start3A_502 = tpu.memref_slice %arg15[%dma_start3A_500, %dma_start3A_501] : memref<10112x128xf32, #tpu.memory_space<vmem_shared>> -> memref<10112x128xf32, #tpu.memory_space<vmem_shared>>
    tpu.enqueue_indirect_dma source(%arg13 : memref<128x128xf32, #tpu.memory_space<vmem>>) target(%dma_start3A_502 : memref<10112x128xf32, #tpu.memory_space<vmem_shared>>) offsets(%arg11 : memref<128xi32, #tpu.memory_space<vmem>>) semaphore(%arg18 : memref<!tpu.dma_semaphore, #tpu.memory_space<semaphore_mem>>) {add = true}
    %scan3A_503 = arith.constant 0 : i32
    %scan3A_504 = arith.constant 0 : i32
    %scan3A_505 = arith.constant 19 : i32
    %scan3A_506 = arith.addi %scan3A_504, %scan3A_505 : i32
    %scan3A_507 = arith.constant 1 : i32
    scf.for %scan3A_575 = %scan3A_504 to %scan3A_506 step %scan3A_507  : i32 {
      %mul3A_576 = arith.constant 2 : i32
      %mul3A_577 = arith.muli %mul3A_576, %scan3A_575 : i32
      %add3A_578 = arith.constant 1 : i32
      %add3A_579 = arith.addi %mul3A_577, %add3A_578 : i32
      %mul3A_580 = arith.constant 128 : i32
      %mul3A_581 = arith.muli %add3A_579, %mul3A_580 : i32
      %add3A_582 = arith.constant 0 : i32
      %add3A_583 = arith.addi %mul3A_581, %add3A_582 : i32
      %get3A_584 = arith.index_cast %add3A_583 : i32 to index
      %get3A_585 = tpu.vector_load %arg10[%get3A_584] {strides = array<i32>} : memref<5120xi32, #tpu.memory_space<vmem>>, vector<16xi32>,
      %get3A_586 = vector.shape_cast %get3A_585 : vector<16xi32> to vector<16xi32>
      %swap3A_587 = arith.constant 0 : index
      %swap3A_588 = tpu.vector_load %arg12[%swap3A_587] {strides = array<i32>} : memref<128xi32, #tpu.memory_space<vmem>>, vector<16xi32>,
      %swap3A_589 = vector.shape_cast %swap3A_588 : vector<16xi32> to vector<16xi32>
      %swap3A_590 = vector.shape_cast %get3A_586 : vector<16xi32> to vector<16xi32>
      tpu.vector_store %arg12[%swap3A_587], %swap3A_590 {strides = array<i32>} : memref<128xi32, #tpu.memory_space<vmem>>, vector<16xi32>,
      %mul3A_591 = arith.constant 128 : i32
      %mul3A_592 = arith.muli %add3A_579, %mul3A_591 : i32
      %add3A_593 = arith.constant 16 : i32
      %add3A_594 = arith.addi %mul3A_592, %add3A_593 : i32
      %get3A_595 = arith.index_cast %add3A_594 : i32 to index
      %get3A_596 = tpu.vector_load %arg10[%get3A_595] {strides = array<i32>} : memref<5120xi32, #tpu.memory_space<vmem>>, vector<16xi32>,
      %get3A_597 = vector.shape_cast %get3A_596 : vector<16xi32> to vector<16xi32>
      %swap3A_598 = arith.constant 16 : index
      %swap3A_599 = tpu.vector_load %arg12[%swap3A_598] {strides = array<i32>} : memref<128xi32, #tpu.memory_space<vmem>>, vector<16xi32>,
      %swap3A_600 = vector.shape_cast %swap3A_599 : vector<16xi32> to vector<16xi32>
      %swap3A_601 = vector.shape_cast %get3A_597 : vector<16xi32> to vector<16xi32>
      tpu.vector_store %arg12[%swap3A_598], %swap3A_601 {strides = array<i32>} : memref<128xi32, #tpu.memory_space<vmem>>, vector<16xi32>,
      %mul3A_602 = arith.constant 128 : i32
      %mul3A_603 = arith.muli %add3A_579, %mul3A_602 : i32
      %add3A_604 = arith.constant 32 : i32
      %add3A_605 = arith.addi %mul3A_603, %add3A_604 : i32
      %get3A_606 = arith.index_cast %add3A_605 : i32 to index
      %get3A_607 = tpu.vector_load %arg10[%get3A_606] {strides = array<i32>} : memref<5120xi32, #tpu.memory_space<vmem>>, vector<16xi32>,
      %get3A_608 = vector.shape_cast %get3A_607 : vector<16xi32> to vector<16xi32>
      %swap3A_609 = arith.constant 32 : index
      %swap3A_610 = tpu.vector_load %arg12[%swap3A_609] {strides = array<i32>} : memref<128xi32, #tpu.memory_space<vmem>>, vector<16xi32>,
      %swap3A_611 = vector.shape_cast %swap3A_610 : vector<16xi32> to vector<16xi32>
      %swap3A_612 = vector.shape_cast %get3A_608 : vector<16xi32> to vector<16xi32>
      tpu.vector_store %arg12[%swap3A_609], %swap3A_612 {strides = array<i32>} : memref<128xi32, #tpu.memory_space<vmem>>, vector<16xi32>,
      %mul3A_613 = arith.constant 128 : i32
      %mul3A_614 = arith.muli %add3A_579, %mul3A_613 : i32
      %add3A_615 = arith.constant 48 : i32
      %add3A_616 = arith.addi %mul3A_614, %add3A_615 : i32
      %get3A_617 = arith.index_cast %add3A_616 : i32 to index
      %get3A_618 = tpu.vector_load %arg10[%get3A_617] {strides = array<i32>} : memref<5120xi32, #tpu.memory_space<vmem>>, vector<16xi32>,
      %get3A_619 = vector.shape_cast %get3A_618 : vector<16xi32> to vector<16xi32>
      %swap3A_620 = arith.constant 48 : index
      %swap3A_621 = tpu.vector_load %arg12[%swap3A_620] {strides = array<i32>} : memref<128xi32, #tpu.memory_space<vmem>>, vector<16xi32>,
      %swap3A_622 = vector.shape_cast %swap3A_621 : vector<16xi32> to vector<16xi32>
      %swap3A_623 = vector.shape_cast %get3A_619 : vector<16xi32> to vector<16xi32>
      tpu.vector_store %arg12[%swap3A_620], %swap3A_623 {strides = array<i32>} : memref<128xi32, #tpu.memory_space<vmem>>, vector<16xi32>,
      %mul3A_624 = arith.constant 128 : i32
      %mul3A_625 = arith.muli %add3A_579, %mul3A_624 : i32
      %add3A_626 = arith.constant 64 : i32
      %add3A_627 = arith.addi %mul3A_625, %add3A_626 : i32
      %get3A_628 = arith.index_cast %add3A_627 : i32 to index
      %get3A_629 = tpu.vector_load %arg10[%get3A_628] {strides = array<i32>} : memref<5120xi32, #tpu.memory_space<vmem>>, vector<16xi32>,
      %get3A_630 = vector.shape_cast %get3A_629 : vector<16xi32> to vector<16xi32>
      %swap3A_631 = arith.constant 64 : index
      %swap3A_632 = tpu.vector_load %arg12[%swap3A_631] {strides = array<i32>} : memref<128xi32, #tpu.memory_space<vmem>>, vector<16xi32>,
      %swap3A_633 = vector.shape_cast %swap3A_632 : vector<16xi32> to vector<16xi32>
      %swap3A_634 = vector.shape_cast %get3A_630 : vector<16xi32> to vector<16xi32>
      tpu.vector_store %arg12[%swap3A_631], %swap3A_634 {strides = array<i32>} : memref<128xi32, #tpu.memory_space<vmem>>, vector<16xi32>,
      %mul3A_635 = arith.constant 128 : i32
      %mul3A_636 = arith.muli %add3A_579, %mul3A_635 : i32
      %add3A_637 = arith.constant 80 : i32
      %add3A_638 = arith.addi %mul3A_636, %add3A_637 : i32
      %get3A_639 = arith.index_cast %add3A_638 : i32 to index
      %get3A_640 = tpu.vector_load %arg10[%get3A_639] {strides = array<i32>} : memref<5120xi32, #tpu.memory_space<vmem>>, vector<16xi32>,
      %get3A_641 = vector.shape_cast %get3A_640 : vector<16xi32> to vector<16xi32>
      %swap3A_642 = arith.constant 80 : index
      %swap3A_643 = tpu.vector_load %arg12[%swap3A_642] {strides = array<i32>} : memref<128xi32, #tpu.memory_space<vmem>>, vector<16xi32>,
      %swap3A_644 = vector.shape_cast %swap3A_643 : vector<16xi32> to vector<16xi32>
      %swap3A_645 = vector.shape_cast %get3A_641 : vector<16xi32> to vector<16xi32>
      tpu.vector_store %arg12[%swap3A_642], %swap3A_645 {strides = array<i32>} : memref<128xi32, #tpu.memory_space<vmem>>, vector<16xi32>,
      %mul3A_646 = arith.constant 128 : i32
      %mul3A_647 = arith.muli %add3A_579, %mul3A_646 : i32
      %add3A_648 = arith.constant 96 : i32
      %add3A_649 = arith.addi %mul3A_647, %add3A_648 : i32
      %get3A_650 = arith.index_cast %add3A_649 : i32 to index
      %get3A_651 = tpu.vector_load %arg10[%get3A_650] {strides = array<i32>} : memref<5120xi32, #tpu.memory_space<vmem>>, vector<16xi32>,
      %get3A_652 = vector.shape_cast %get3A_651 : vector<16xi32> to vector<16xi32>
      %swap3A_653 = arith.constant 96 : index
      %swap3A_654 = tpu.vector_load %arg12[%swap3A_653] {strides = array<i32>} : memref<128xi32, #tpu.memory_space<vmem>>, vector<16xi32>,
      %swap3A_655 = vector.shape_cast %swap3A_654 : vector<16xi32> to vector<16xi32>
      %swap3A_656 = vector.shape_cast %get3A_652 : vector<16xi32> to vector<16xi32>
      tpu.vector_store %arg12[%swap3A_653], %swap3A_656 {strides = array<i32>} : memref<128xi32, #tpu.memory_space<vmem>>, vector<16xi32>,
      %mul3A_657 = arith.constant 128 : i32
      %mul3A_658 = arith.muli %add3A_579, %mul3A_657 : i32
      %add3A_659 = arith.constant 112 : i32
      %add3A_660 = arith.addi %mul3A_658, %add3A_659 : i32
      %get3A_661 = arith.index_cast %add3A_660 : i32 to index
      %get3A_662 = tpu.vector_load %arg10[%get3A_661] {strides = array<i32>} : memref<5120xi32, #tpu.memory_space<vmem>>, vector<16xi32>,
      %get3A_663 = vector.shape_cast %get3A_662 : vector<16xi32> to vector<16xi32>
      %swap3A_664 = arith.constant 112 : index
      %swap3A_665 = tpu.vector_load %arg12[%swap3A_664] {strides = array<i32>} : memref<128xi32, #tpu.memory_space<vmem>>, vector<16xi32>,
      %swap3A_666 = vector.shape_cast %swap3A_665 : vector<16xi32> to vector<16xi32>
      %swap3A_667 = vector.shape_cast %get3A_663 : vector<16xi32> to vector<16xi32>
      tpu.vector_store %arg12[%swap3A_664], %swap3A_667 {strides = array<i32>} : memref<128xi32, #tpu.memory_space<vmem>>, vector<16xi32>,
      %dma_wait3A_668 = arith.constant 0 : i32
      %dma_wait3A_669 = arith.constant 0 : i32
      %dma_wait3A_670 = tpu.memref_slice %arg15[%dma_wait3A_668, %dma_wait3A_669] : memref<10112x128xf32, #tpu.memory_space<vmem_shared>> -> memref<10112x128xf32, #tpu.memory_space<vmem_shared>>
      tpu.wait_indirect_dma semaphore(%arg18 : memref<!tpu.dma_semaphore, #tpu.memory_space<semaphore_mem>>) src(%arg13 : memref<128x128xf32, #tpu.memory_space<vmem>>) dst(%dma_wait3A_670 : memref<10112x128xf32, #tpu.memory_space<vmem_shared>>)
      %dma_start3A_671 = arith.constant 0 : i32
      %dma_start3A_672 = arith.constant 0 : i32
      %dma_start3A_673 = tpu.memref_slice %arg15[%dma_start3A_671, %dma_start3A_672] : memref<10112x128xf32, #tpu.memory_space<vmem_shared>> -> memref<10112x128xf32, #tpu.memory_space<vmem_shared>>
      tpu.enqueue_indirect_dma source(%arg13 : memref<128x128xf32, #tpu.memory_space<vmem>>) target(%dma_start3A_673 : memref<10112x128xf32, #tpu.memory_space<vmem_shared>>) offsets(%arg12 : memref<128xi32, #tpu.memory_space<vmem>>) semaphore(%arg19 : memref<!tpu.dma_semaphore, #tpu.memory_space<semaphore_mem>>) {add = true}
      %mul3A_674 = arith.constant 2 : i32
      %mul3A_675 = arith.muli %mul3A_674, %scan3A_575 : i32
      %add3A_676 = arith.constant 2 : i32
      %add3A_677 = arith.addi %mul3A_675, %add3A_676 : i32
      %mul3A_678 = arith.constant 128 : i32
      %mul3A_679 = arith.muli %add3A_677, %mul3A_678 : i32
      %add3A_680 = arith.constant 0 : i32
      %add3A_681 = arith.addi %mul3A_679, %add3A_680 : i32
      %get3A_682 = arith.index_cast %add3A_681 : i32 to index
      %get3A_683 = tpu.vector_load %arg10[%get3A_682] {strides = array<i32>} : memref<5120xi32, #tpu.memory_space<vmem>>, vector<16xi32>,
      %get3A_684 = vector.shape_cast %get3A_683 : vector<16xi32> to vector<16xi32>
      %swap3A_685 = arith.constant 0 : index
      %swap3A_686 = tpu.vector_load %arg11[%swap3A_685] {strides = array<i32>} : memref<128xi32, #tpu.memory_space<vmem>>, vector<16xi32>,
      %swap3A_687 = vector.shape_cast %swap3A_686 : vector<16xi32> to vector<16xi32>
      %swap3A_688 = vector.shape_cast %get3A_684 : vector<16xi32> to vector<16xi32>
      tpu.vector_store %arg11[%swap3A_685], %swap3A_688 {strides = array<i32>} : memref<128xi32, #tpu.memory_space<vmem>>, vector<16xi32>,
      %mul3A_689 = arith.constant 128 : i32
      %mul3A_690 = arith.muli %add3A_677, %mul3A_689 : i32
      %add3A_691 = arith.constant 16 : i32
      %add3A_692 = arith.addi %mul3A_690, %add3A_691 : i32
      %get3A_693 = arith.index_cast %add3A_692 : i32 to index
      %get3A_694 = tpu.vector_load %arg10[%get3A_693] {strides = array<i32>} : memref<5120xi32, #tpu.memory_space<vmem>>, vector<16xi32>,
      %get3A_695 = vector.shape_cast %get3A_694 : vector<16xi32> to vector<16xi32>
      %swap3A_696 = arith.constant 16 : index
      %swap3A_697 = tpu.vector_load %arg11[%swap3A_696] {strides = array<i32>} : memref<128xi32, #tpu.memory_space<vmem>>, vector<16xi32>,
      %swap3A_698 = vector.shape_cast %swap3A_697 : vector<16xi32> to vector<16xi32>
      %swap3A_699 = vector.shape_cast %get3A_695 : vector<16xi32> to vector<16xi32>
      tpu.vector_store %arg11[%swap3A_696], %swap3A_699 {strides = array<i32>} : memref<128xi32, #tpu.memory_space<vmem>>, vector<16xi32>,
      %mul3A_700 = arith.constant 128 : i32
      %mul3A_701 = arith.muli %add3A_677, %mul3A_700 : i32
      %add3A_702 = arith.constant 32 : i32
      %add3A_703 = arith.addi %mul3A_701, %add3A_702 : i32
      %get3A_704 = arith.index_cast %add3A_703 : i32 to index
      %get3A_705 = tpu.vector_load %arg10[%get3A_704] {strides = array<i32>} : memref<5120xi32, #tpu.memory_space<vmem>>, vector<16xi32>,
      %get3A_706 = vector.shape_cast %get3A_705 : vector<16xi32> to vector<16xi32>
      %swap3A_707 = arith.constant 32 : index
      %swap3A_708 = tpu.vector_load %arg11[%swap3A_707] {strides = array<i32>} : memref<128xi32, #tpu.memory_space<vmem>>, vector<16xi32>,
      %swap3A_709 = vector.shape_cast %swap3A_708 : vector<16xi32> to vector<16xi32>
      %swap3A_710 = vector.shape_cast %get3A_706 : vector<16xi32> to vector<16xi32>
      tpu.vector_store %arg11[%swap3A_707], %swap3A_710 {strides = array<i32>} : memref<128xi32, #tpu.memory_space<vmem>>, vector<16xi32>,
      %mul3A_711 = arith.constant 128 : i32
      %mul3A_712 = arith.muli %add3A_677, %mul3A_711 : i32
      %add3A_713 = arith.constant 48 : i32
      %add3A_714 = arith.addi %mul3A_712, %add3A_713 : i32
      %get3A_715 = arith.index_cast %add3A_714 : i32 to index
      %get3A_716 = tpu.vector_load %arg10[%get3A_715] {strides = array<i32>} : memref<5120xi32, #tpu.memory_space<vmem>>, vector<16xi32>,
      %get3A_717 = vector.shape_cast %get3A_716 : vector<16xi32> to vector<16xi32>
      %swap3A_718 = arith.constant 48 : index
      %swap3A_719 = tpu.vector_load %arg11[%swap3A_718] {strides = array<i32>} : memref<128xi32, #tpu.memory_space<vmem>>, vector<16xi32>,
      %swap3A_720 = vector.shape_cast %swap3A_719 : vector<16xi32> to vector<16xi32>
      %swap3A_721 = vector.shape_cast %get3A_717 : vector<16xi32> to vector<16xi32>
      tpu.vector_store %arg11[%swap3A_718], %swap3A_721 {strides = array<i32>} : memref<128xi32, #tpu.memory_space<vmem>>, vector<16xi32>,
      %mul3A_722 = arith.constant 128 : i32
      %mul3A_723 = arith.muli %add3A_677, %mul3A_722 : i32
      %add3A_724 = arith.constant 64 : i32
      %add3A_725 = arith.addi %mul3A_723, %add3A_724 : i32
      %get3A_726 = arith.index_cast %add3A_725 : i32 to index
      %get3A_727 = tpu.vector_load %arg10[%get3A_726] {strides = array<i32>} : memref<5120xi32, #tpu.memory_space<vmem>>, vector<16xi32>,
      %get3A_728 = vector.shape_cast %get3A_727 : vector<16xi32> to vector<16xi32>
      %swap3A_729 = arith.constant 64 : index
      %swap3A_730 = tpu.vector_load %arg11[%swap3A_729] {strides = array<i32>} : memref<128xi32, #tpu.memory_space<vmem>>, vector<16xi32>,
      %swap3A_731 = vector.shape_cast %swap3A_730 : vector<16xi32> to vector<16xi32>
      %swap3A_732 = vector.shape_cast %get3A_728 : vector<16xi32> to vector<16xi32>
      tpu.vector_store %arg11[%swap3A_729], %swap3A_732 {strides = array<i32>} : memref<128xi32, #tpu.memory_space<vmem>>, vector<16xi32>,
      %mul3A_733 = arith.constant 128 : i32
      %mul3A_734 = arith.muli %add3A_677, %mul3A_733 : i32
      %add3A_735 = arith.constant 80 : i32
      %add3A_736 = arith.addi %mul3A_734, %add3A_735 : i32
      %get3A_737 = arith.index_cast %add3A_736 : i32 to index
      %get3A_738 = tpu.vector_load %arg10[%get3A_737] {strides = array<i32>} : memref<5120xi32, #tpu.memory_space<vmem>>, vector<16xi32>,
      %get3A_739 = vector.shape_cast %get3A_738 : vector<16xi32> to vector<16xi32>
      %swap3A_740 = arith.constant 80 : index
      %swap3A_741 = tpu.vector_load %arg11[%swap3A_740] {strides = array<i32>} : memref<128xi32, #tpu.memory_space<vmem>>, vector<16xi32>,
      %swap3A_742 = vector.shape_cast %swap3A_741 : vector<16xi32> to vector<16xi32>
      %swap3A_743 = vector.shape_cast %get3A_739 : vector<16xi32> to vector<16xi32>
      tpu.vector_store %arg11[%swap3A_740], %swap3A_743 {strides = array<i32>} : memref<128xi32, #tpu.memory_space<vmem>>, vector<16xi32>,
      %mul3A_744 = arith.constant 128 : i32
      %mul3A_745 = arith.muli %add3A_677, %mul3A_744 : i32
      %add3A_746 = arith.constant 96 : i32
      %add3A_747 = arith.addi %mul3A_745, %add3A_746 : i32
      %get3A_748 = arith.index_cast %add3A_747 : i32 to index
      %get3A_749 = tpu.vector_load %arg10[%get3A_748] {strides = array<i32>} : memref<5120xi32, #tpu.memory_space<vmem>>, vector<16xi32>,
      %get3A_750 = vector.shape_cast %get3A_749 : vector<16xi32> to vector<16xi32>
      %swap3A_751 = arith.constant 96 : index
      %swap3A_752 = tpu.vector_load %arg11[%swap3A_751] {strides = array<i32>} : memref<128xi32, #tpu.memory_space<vmem>>, vector<16xi32>,
      %swap3A_753 = vector.shape_cast %swap3A_752 : vector<16xi32> to vector<16xi32>
      %swap3A_754 = vector.shape_cast %get3A_750 : vector<16xi32> to vector<16xi32>
      tpu.vector_store %arg11[%swap3A_751], %swap3A_754 {strides = array<i32>} : memref<128xi32, #tpu.memory_space<vmem>>, vector<16xi32>,
      %mul3A_755 = arith.constant 128 : i32
      %mul3A_756 = arith.muli %add3A_677, %mul3A_755 : i32
      %add3A_757 = arith.constant 112 : i32
      %add3A_758 = arith.addi %mul3A_756, %add3A_757 : i32
      %get3A_759 = arith.index_cast %add3A_758 : i32 to index
      %get3A_760 = tpu.vector_load %arg10[%get3A_759] {strides = array<i32>} : memref<5120xi32, #tpu.memory_space<vmem>>, vector<16xi32>,
      %get3A_761 = vector.shape_cast %get3A_760 : vector<16xi32> to vector<16xi32>
      %swap3A_762 = arith.constant 112 : index
      %swap3A_763 = tpu.vector_load %arg11[%swap3A_762] {strides = array<i32>} : memref<128xi32, #tpu.memory_space<vmem>>, vector<16xi32>,
      %swap3A_764 = vector.shape_cast %swap3A_763 : vector<16xi32> to vector<16xi32>
      %swap3A_765 = vector.shape_cast %get3A_761 : vector<16xi32> to vector<16xi32>
      tpu.vector_store %arg11[%swap3A_762], %swap3A_765 {strides = array<i32>} : memref<128xi32, #tpu.memory_space<vmem>>, vector<16xi32>,
      %dma_wait3A_766 = arith.constant 0 : i32
      %dma_wait3A_767 = arith.constant 0 : i32
      %dma_wait3A_768 = tpu.memref_slice %arg15[%dma_wait3A_766, %dma_wait3A_767] : memref<10112x128xf32, #tpu.memory_space<vmem_shared>> -> memref<10112x128xf32, #tpu.memory_space<vmem_shared>>
      tpu.wait_indirect_dma semaphore(%arg19 : memref<!tpu.dma_semaphore, #tpu.memory_space<semaphore_mem>>) src(%arg13 : memref<128x128xf32, #tpu.memory_space<vmem>>) dst(%dma_wait3A_768 : memref<10112x128xf32, #tpu.memory_space<vmem_shared>>)
      %dma_start3A_769 = arith.constant 0 : i32
      %dma_start3A_770 = arith.constant 0 : i32
      %dma_start3A_771 = tpu.memref_slice %arg15[%dma_start3A_769, %dma_start3A_770] : memref<10112x128xf32, #tpu.memory_space<vmem_shared>> -> memref<10112x128xf32, #tpu.memory_space<vmem_shared>>
      tpu.enqueue_indirect_dma source(%arg13 : memref<128x128xf32, #tpu.memory_space<vmem>>) target(%dma_start3A_771 : memref<10112x128xf32, #tpu.memory_space<vmem_shared>>) offsets(%arg11 : memref<128xi32, #tpu.memory_space<vmem>>) semaphore(%arg18 : memref<!tpu.dma_semaphore, #tpu.memory_space<semaphore_mem>>) {add = true}
    }
    %scan3A_508 = arith.constant 19 : i32
    %get3A_509 = arith.constant 4992 : index
    %get3A_510 = tpu.vector_load %arg10[%get3A_509] {strides = array<i32>} : memref<5120xi32, #tpu.memory_space<vmem>>, vector<16xi32>,
    %get3A_511 = vector.shape_cast %get3A_510 : vector<16xi32> to vector<16xi32>
    %swap3A_512 = arith.constant 0 : index
    %swap3A_513 = tpu.vector_load %arg12[%swap3A_512] {strides = array<i32>} : memref<128xi32, #tpu.memory_space<vmem>>, vector<16xi32>,
    %swap3A_514 = vector.shape_cast %swap3A_513 : vector<16xi32> to vector<16xi32>
    %swap3A_515 = vector.shape_cast %get3A_511 : vector<16xi32> to vector<16xi32>
    tpu.vector_store %arg12[%swap3A_512], %swap3A_515 {strides = array<i32>} : memref<128xi32, #tpu.memory_space<vmem>>, vector<16xi32>,
    %get3A_516 = arith.constant 5008 : index
    %get3A_517 = tpu.vector_load %arg10[%get3A_516] {strides = array<i32>} : memref<5120xi32, #tpu.memory_space<vmem>>, vector<16xi32>,
    %get3A_518 = vector.shape_cast %get3A_517 : vector<16xi32> to vector<16xi32>
    %swap3A_519 = arith.constant 16 : index
    %swap3A_520 = tpu.vector_load %arg12[%swap3A_519] {strides = array<i32>} : memref<128xi32, #tpu.memory_space<vmem>>, vector<16xi32>,
    %swap3A_521 = vector.shape_cast %swap3A_520 : vector<16xi32> to vector<16xi32>
    %swap3A_522 = vector.shape_cast %get3A_518 : vector<16xi32> to vector<16xi32>
    tpu.vector_store %arg12[%swap3A_519], %swap3A_522 {strides = array<i32>} : memref<128xi32, #tpu.memory_space<vmem>>, vector<16xi32>,
    %get3A_523 = arith.constant 5024 : index
    %get3A_524 = tpu.vector_load %arg10[%get3A_523] {strides = array<i32>} : memref<5120xi32, #tpu.memory_space<vmem>>, vector<16xi32>,
    %get3A_525 = vector.shape_cast %get3A_524 : vector<16xi32> to vector<16xi32>
    %swap3A_526 = arith.constant 32 : index
    %swap3A_527 = tpu.vector_load %arg12[%swap3A_526] {strides = array<i32>} : memref<128xi32, #tpu.memory_space<vmem>>, vector<16xi32>,
    %swap3A_528 = vector.shape_cast %swap3A_527 : vector<16xi32> to vector<16xi32>
    %swap3A_529 = vector.shape_cast %get3A_525 : vector<16xi32> to vector<16xi32>
    tpu.vector_store %arg12[%swap3A_526], %swap3A_529 {strides = array<i32>} : memref<128xi32, #tpu.memory_space<vmem>>, vector<16xi32>,
    %get3A_530 = arith.constant 5040 : index
    %get3A_531 = tpu.vector_load %arg10[%get3A_530] {strides = array<i32>} : memref<5120xi32, #tpu.memory_space<vmem>>, vector<16xi32>,
    %get3A_532 = vector.shape_cast %get3A_531 : vector<16xi32> to vector<16xi32>
    %swap3A_533 = arith.constant 48 : index
    %swap3A_534 = tpu.vector_load %arg12[%swap3A_533] {strides = array<i32>} : memref<128xi32, #tpu.memory_space<vmem>>, vector<16xi32>,
    %swap3A_535 = vector.shape_cast %swap3A_534 : vector<16xi32> to vector<16xi32>
    %swap3A_536 = vector.shape_cast %get3A_532 : vector<16xi32> to vector<16xi32>
    tpu.vector_store %arg12[%swap3A_533], %swap3A_536 {strides = array<i32>} : memref<128xi32, #tpu.memory_space<vmem>>, vector<16xi32>,
    %get3A_537 = arith.constant 5056 : index
    %get3A_538 = tpu.vector_load %arg10[%get3A_537] {strides = array<i32>} : memref<5120xi32, #tpu.memory_space<vmem>>, vector<16xi32>,
    %get3A_539 = vector.shape_cast %get3A_538 : vector<16xi32> to vector<16xi32>
    %swap3A_540 = arith.constant 64 : index
    %swap3A_541 = tpu.vector_load %arg12[%swap3A_540] {strides = array<i32>} : memref<128xi32, #tpu.memory_space<vmem>>, vector<16xi32>,
    %swap3A_542 = vector.shape_cast %swap3A_541 : vector<16xi32> to vector<16xi32>
    %swap3A_543 = vector.shape_cast %get3A_539 : vector<16xi32> to vector<16xi32>
    tpu.vector_store %arg12[%swap3A_540], %swap3A_543 {strides = array<i32>} : memref<128xi32, #tpu.memory_space<vmem>>, vector<16xi32>,
    %get3A_544 = arith.constant 5072 : index
    %get3A_545 = tpu.vector_load %arg10[%get3A_544] {strides = array<i32>} : memref<5120xi32, #tpu.memory_space<vmem>>, vector<16xi32>,
    %get3A_546 = vector.shape_cast %get3A_545 : vector<16xi32> to vector<16xi32>
    %swap3A_547 = arith.constant 80 : index
    %swap3A_548 = tpu.vector_load %arg12[%swap3A_547] {strides = array<i32>} : memref<128xi32, #tpu.memory_space<vmem>>, vector<16xi32>,
    %swap3A_549 = vector.shape_cast %swap3A_548 : vector<16xi32> to vector<16xi32>
    %swap3A_550 = vector.shape_cast %get3A_546 : vector<16xi32> to vector<16xi32>
    tpu.vector_store %arg12[%swap3A_547], %swap3A_550 {strides = array<i32>} : memref<128xi32, #tpu.memory_space<vmem>>, vector<16xi32>,
    %get3A_551 = arith.constant 5088 : index
    %get3A_552 = tpu.vector_load %arg10[%get3A_551] {strides = array<i32>} : memref<5120xi32, #tpu.memory_space<vmem>>, vector<16xi32>,
    %get3A_553 = vector.shape_cast %get3A_552 : vector<16xi32> to vector<16xi32>
    %swap3A_554 = arith.constant 96 : index
    %swap3A_555 = tpu.vector_load %arg12[%swap3A_554] {strides = array<i32>} : memref<128xi32, #tpu.memory_space<vmem>>, vector<16xi32>,
    %swap3A_556 = vector.shape_cast %swap3A_555 : vector<16xi32> to vector<16xi32>
    %swap3A_557 = vector.shape_cast %get3A_553 : vector<16xi32> to vector<16xi32>
    tpu.vector_store %arg12[%swap3A_554], %swap3A_557 {strides = array<i32>} : memref<128xi32, #tpu.memory_space<vmem>>, vector<16xi32>,
    %get3A_558 = arith.constant 5104 : index
    %get3A_559 = tpu.vector_load %arg10[%get3A_558] {strides = array<i32>} : memref<5120xi32, #tpu.memory_space<vmem>>, vector<16xi32>,
    %get3A_560 = vector.shape_cast %get3A_559 : vector<16xi32> to vector<16xi32>
    %swap3A_561 = arith.constant 112 : index
    %swap3A_562 = tpu.vector_load %arg12[%swap3A_561] {strides = array<i32>} : memref<128xi32, #tpu.memory_space<vmem>>, vector<16xi32>,
    %swap3A_563 = vector.shape_cast %swap3A_562 : vector<16xi32> to vector<16xi32>
    %swap3A_564 = vector.shape_cast %get3A_560 : vector<16xi32> to vector<16xi32>
    tpu.vector_store %arg12[%swap3A_561], %swap3A_564 {strides = array<i32>} : memref<128xi32, #tpu.memory_space<vmem>>, vector<16xi32>,
    %dma_wait3A_565 = arith.constant 0 : i32
    %dma_wait3A_566 = arith.constant 0 : i32
    %dma_wait3A_567 = tpu.memref_slice %arg15[%dma_wait3A_565, %dma_wait3A_566] : memref<10112x128xf32, #tpu.memory_space<vmem_shared>> -> memref<10112x128xf32, #tpu.memory_space<vmem_shared>>
    tpu.wait_indirect_dma semaphore(%arg18 : memref<!tpu.dma_semaphore, #tpu.memory_space<semaphore_mem>>) src(%arg13 : memref<128x128xf32, #tpu.memory_space<vmem>>) dst(%dma_wait3A_567 : memref<10112x128xf32, #tpu.memory_space<vmem_shared>>)
    %dma_start3A_568 = arith.constant 0 : i32
    %dma_start3A_569 = arith.constant 0 : i32
    %dma_start3A_570 = tpu.memref_slice %arg15[%dma_start3A_568, %dma_start3A_569] : memref<10112x128xf32, #tpu.memory_space<vmem_shared>> -> memref<10112x128xf32, #tpu.memory_space<vmem_shared>>
    tpu.enqueue_indirect_dma source(%arg13 : memref<128x128xf32, #tpu.memory_space<vmem>>) target(%dma_start3A_570 : memref<10112x128xf32, #tpu.memory_space<vmem_shared>>) offsets(%arg12 : memref<128xi32, #tpu.memory_space<vmem>>) semaphore(%arg19 : memref<!tpu.dma_semaphore, #tpu.memory_space<semaphore_mem>>) {add = true}
    %dma_wait3A_571 = arith.constant 0 : i32
    %dma_wait3A_572 = arith.constant 0 : i32
    %dma_wait3A_573 = tpu.memref_slice %arg15[%dma_wait3A_571, %dma_wait3A_572] : memref<10112x128xf32, #tpu.memory_space<vmem_shared>> -> memref<10112x128xf32, #tpu.memory_space<vmem_shared>>
    tpu.wait_indirect_dma semaphore(%arg19 : memref<!tpu.dma_semaphore, #tpu.memory_space<semaphore_mem>>) src(%arg13 : memref<128x128xf32, #tpu.memory_space<vmem>>) dst(%dma_wait3A_573 : memref<10112x128xf32, #tpu.memory_space<vmem_shared>>)
    %barrier3A_574 = arith.constant 0 : index
    tpu.barrier barrier_id(%barrier3A_574)
    "tpu.region"() ({
      %run_scoped3A = tpu.sem_alloc : memref<!tpu.dma_semaphore, #tpu.memory_space<semaphore_mem>>
      %dma_start3A_575 = arith.constant 0 : i32
      %dma_start3A_576 = tpu.memref_slice %arg8[%arg0, %mul3A_4, %dma_start3A_575] : memref<2x10112x128xf32, #tpu.memory_space<hbm>> -> memref<1x632x128xf32, #tpu.memory_space<hbm>>
      %dma_start3A_577 = tpu.memref_squeeze %dma_start3A_576 : memref<1x632x128xf32, #tpu.memory_space<hbm>> -> memref<632x128xf32, #tpu.memory_space<hbm>>
      %dma_start3A_578 = arith.constant 0 : i32
      %dma_start3A_579 = tpu.memref_slice %arg15[%mul3A_4, %dma_start3A_578] : memref<10112x128xf32, #tpu.memory_space<vmem_shared>> -> memref<632x128xf32, #tpu.memory_space<vmem_shared>>
      tpu.enqueue_dma source(%dma_start3A_579 : memref<632x128xf32, #tpu.memory_space<vmem_shared>>) target(%dma_start3A_577 : memref<632x128xf32, #tpu.memory_space<hbm>>) target_semaphore(%run_scoped3A : memref<!tpu.dma_semaphore, #tpu.memory_space<semaphore_mem>>)
      %dma_wait3A_580 = arith.constant 0 : i32
      %dma_wait3A_581 = tpu.memref_slice %arg8[%arg0, %mul3A_4, %dma_wait3A_580] : memref<2x10112x128xf32, #tpu.memory_space<hbm>> -> memref<1x632x128xf32, #tpu.memory_space<hbm>>
      %dma_wait3A_582 = tpu.memref_squeeze %dma_wait3A_581 : memref<1x632x128xf32, #tpu.memory_space<hbm>> -> memref<632x128xf32, #tpu.memory_space<hbm>>
      %dma_wait3A_583 = arith.constant 0 : i32
      %dma_wait3A_584 = tpu.memref_slice %arg15[%mul3A_4, %dma_wait3A_583] : memref<10112x128xf32, #tpu.memory_space<vmem_shared>> -> memref<632x128xf32, #tpu.memory_space<vmem_shared>>
      tpu.wait_dma2 semaphore(%run_scoped3A : memref<!tpu.dma_semaphore, #tpu.memory_space<semaphore_mem>>) src(%dma_wait3A_584 : memref<632x128xf32, #tpu.memory_space<vmem_shared>>) dst(%dma_wait3A_582 : memref<632x128xf32, #tpu.memory_space<hbm>>)
      tpu.yield
    }) : () -> ()
    return
  }
}

module attributes {stable_mosaic.version = 14 : i64} {
  func.func @_prescale_body(%arg0: i32, %arg1: memref<1000x128xf32, #tpu.memory_space<vmem>>, %arg2: memref<1000x1xf32, #tpu.memory_space<vmem>>, %arg3: memref<1000x128xf32, #tpu.memory_space<vmem>>) attributes {dimension_semantics = [#tpu.dimension_semantics<arbitrary>], iteration_bounds = array<i64: 10>, scalar_prefetch = 0 : i64, scratch_operands = 0 : i64, tpu.core_type = #tpu.core_type<tc>, window_params = [{transform_indices = @transform_0, window_bounds = array<i64: 1000, 128>}, {transform_indices = @transform_1, window_bounds = array<i64: 1000, 1>}, {transform_indices = @transform_2, window_bounds = array<i64: 1000, 128>}]} {
    %get3A = arith.constant 0 : index
    %get3A_0 = arith.constant 0 : index
    %get3A_1 = vector.load %arg1[%get3A, %get3A_0] : memref<1000x128xf32, #tpu.memory_space<vmem>>, vector<1000x128xf32>
    %get3A_2 = arith.constant 0 : index
    %get3A_3 = arith.constant 0 : index
    %get3A_4 = vector.load %arg2[%get3A_2, %get3A_3] : memref<1000x1xf32, #tpu.memory_space<vmem>>, vector<1000x1xf32>
    %mul3A = vector.broadcast %get3A_4 : vector<1000x1xf32> to vector<1000x128xf32>
    %mul3A_5 = arith.mulf %get3A_1, %mul3A : vector<1000x128xf32>
    %swap3A = arith.constant 0 : index
    %swap3A_6 = arith.constant 0 : index
    %swap3A_7 = vector.load %arg3[%swap3A, %swap3A_6] : memref<1000x128xf32, #tpu.memory_space<vmem>>, vector<1000x128xf32>
    tpu.vector_store %arg3[%swap3A, %swap3A_6], %mul3A_5 {strides = array<i32>} : memref<1000x128xf32, #tpu.memory_space<vmem>>, vector<1000x128xf32>,
    return
  }
  func.func @transform_0(%arg0: i32) -> (i32, i32) {
    %c0_i32 = arith.constant 0 : i32
    %c0_i32_0 = arith.constant 0 : i32
    return %arg0, %c0_i32 : i32, i32
  }
  func.func @transform_1(%arg0: i32) -> (i32, i32) {
    %c0_i32 = arith.constant 0 : i32
    %c0_i32_0 = arith.constant 0 : i32
    return %arg0, %c0_i32 : i32, i32
  }
  func.func @transform_2(%arg0: i32) -> (i32, i32) {
    %c0_i32 = arith.constant 0 : i32
    %c0_i32_0 = arith.constant 0 : i32
    return %arg0, %c0_i32 : i32, i32
  }
}

module attributes {stable_mosaic.version = 14 : i64} {
  func.func @_finish_body(%arg0: i32, %arg1: memref<1000x128xf32, #tpu.memory_space<vmem>>, %arg2: memref<1000x128xf32, #tpu.memory_space<vmem>>, %arg3: memref<1000x1xf32, #tpu.memory_space<vmem>>, %arg4: memref<1000x128xf32, #tpu.memory_space<vmem>>, %arg5: memref<1000x128xf32, #tpu.memory_space<vmem>>, %arg6: memref<1000x1xf32, #tpu.memory_space<vmem>>, %arg7: memref<1000x1xf32, #tpu.memory_space<vmem>>, %arg8: memref<1000x128xf32, #tpu.memory_space<vmem>>, %arg9: memref<1000x256xf32, #tpu.memory_space<vmem>>) attributes {dimension_semantics = [#tpu.dimension_semantics<arbitrary>], iteration_bounds = array<i64: 10>, scalar_prefetch = 0 : i64, scratch_operands = 0 : i64, tpu.core_type = #tpu.core_type<tc>, window_params = [{transform_indices = @transform_0, window_bounds = array<i64: 1000, 128>}, {transform_indices = @transform_1, window_bounds = array<i64: 1000, 128>}, {transform_indices = @transform_2, window_bounds = array<i64: 1000, 1>}, {transform_indices = @transform_3, window_bounds = array<i64: 1000, 128>}, {transform_indices = @transform_4, window_bounds = array<i64: 1000, 128>}, {transform_indices = @transform_5, window_bounds = array<i64: 1000, 1>}, {transform_indices = @transform_6, window_bounds = array<i64: 1000, 1>}, {transform_indices = @transform_7, window_bounds = array<i64: 1000, 128>}, {transform_indices = @transform_8, window_bounds = array<i64: 1000, 256>}]} {
    %get3A = arith.constant 0 : index
    %get3A_0 = arith.constant 0 : index
    %get3A_1 = vector.load %arg6[%get3A, %get3A_0] : memref<1000x1xf32, #tpu.memory_space<vmem>>, vector<1000x1xf32>
    %get3A_2 = arith.constant 0 : index
    %get3A_3 = arith.constant 0 : index
    %get3A_4 = vector.load %arg7[%get3A_2, %get3A_3] : memref<1000x1xf32, #tpu.memory_space<vmem>>, vector<1000x1xf32>
    %add3A = arith.addf %get3A_1, %get3A_4 : vector<1000x1xf32>
    %max3A = arith.constant 1.000000e+00 : f32
    %max3A_5 = vector.broadcast %max3A : f32 to vector<1000x1xf32>
    %max3A_6 = arith.maximumf %add3A, %max3A_5 : vector<1000x1xf32>
    %get3A_7 = arith.constant 0 : index
    %get3A_8 = arith.constant 0 : index
    %get3A_9 = vector.load %arg4[%get3A_7, %get3A_8] : memref<1000x128xf32, #tpu.memory_space<vmem>>, vector<1000x128xf32>
    %get3A_10 = arith.constant 0 : index
    %get3A_11 = arith.constant 0 : index
    %get3A_12 = vector.load %arg5[%get3A_10, %get3A_11] : memref<1000x128xf32, #tpu.memory_space<vmem>>, vector<1000x128xf32>
    %add3A_13 = arith.addf %get3A_9, %get3A_12 : vector<1000x128xf32>
    %div3A = vector.broadcast %max3A_6 : vector<1000x1xf32> to vector<1000x128xf32>
    %div3A_14 = arith.divf %add3A_13, %div3A : vector<1000x128xf32>
    %get3A_15 = arith.constant 0 : index
    %get3A_16 = arith.constant 0 : index
    %get3A_17 = vector.load %arg2[%get3A_15, %get3A_16] : memref<1000x128xf32, #tpu.memory_space<vmem>>, vector<1000x128xf32>
    %mul3A = arith.mulf %get3A_17, %get3A_17 : vector<1000x128xf32>
    %reduce_sum3A = arith.constant dense<0.000000e+00> : vector<1000xf32>
    %reduce_sum3A_18 = vector.multi_reduction <add>, %mul3A, %reduce_sum3A [1] : vector<1000x128xf32> to vector<1000xf32>
    %broadcast_in_dim3A = vector.shape_cast %reduce_sum3A_18 : vector<1000xf32> to vector<1000x1xf32>
    %mul3A_19 = arith.mulf %div3A_14, %div3A_14 : vector<1000x128xf32>
    %reduce_sum3A_20 = arith.constant dense<0.000000e+00> : vector<1000xf32>
    %reduce_sum3A_21 = vector.multi_reduction <add>, %mul3A_19, %reduce_sum3A_20 [1] : vector<1000x128xf32> to vector<1000xf32>
    %broadcast_in_dim3A_22 = vector.shape_cast %reduce_sum3A_21 : vector<1000xf32> to vector<1000x1xf32>
    %add3A_23 = arith.addf %broadcast_in_dim3A, %broadcast_in_dim3A_22 : vector<1000x1xf32>
    %sqrt3A = math.sqrt %add3A_23 : vector<1000x1xf32>
    %max3A_24 = arith.constant 9.99999996E-13 : f32
    %max3A_25 = vector.broadcast %max3A_24 : f32 to vector<1000x1xf32>
    %max3A_26 = arith.maximumf %sqrt3A, %max3A_25 : vector<1000x1xf32>
    %div3A_27 = arith.constant 1.000000e+00 : f32
    %div3A_28 = vector.broadcast %div3A_27 : f32 to vector<1000x1xf32>
    %div3A_29 = arith.divf %div3A_28, %max3A_26 : vector<1000x1xf32>
    %mul3A_30 = vector.broadcast %div3A_29 : vector<1000x1xf32> to vector<1000x128xf32>
    %mul3A_31 = arith.mulf %get3A_17, %mul3A_30 : vector<1000x128xf32>
    %swap3A = arith.constant 0 : index
    %swap3A_32 = arith.constant 0 : index
    %swap3A_33 = vector.load %arg9[%swap3A, %swap3A_32] : memref<1000x256xf32, #tpu.memory_space<vmem>>, vector<1000x128xf32>
    tpu.vector_store %arg9[%swap3A, %swap3A_32], %mul3A_31 {strides = array<i32>} : memref<1000x256xf32, #tpu.memory_space<vmem>>, vector<1000x128xf32>,
    %mul3A_34 = vector.broadcast %div3A_29 : vector<1000x1xf32> to vector<1000x128xf32>
    %mul3A_35 = arith.mulf %div3A_14, %mul3A_34 : vector<1000x128xf32>
    %swap3A_36 = arith.constant 0 : index
    %swap3A_37 = arith.constant 128 : index
    %swap3A_38 = vector.load %arg9[%swap3A_36, %swap3A_37] : memref<1000x256xf32, #tpu.memory_space<vmem>>, vector<1000x128xf32>
    tpu.vector_store %arg9[%swap3A_36, %swap3A_37], %mul3A_35 {strides = array<i32>} : memref<1000x256xf32, #tpu.memory_space<vmem>>, vector<1000x128xf32>,
    %get3A_39 = arith.constant 0 : index
    %get3A_40 = arith.constant 0 : index
    %get3A_41 = vector.load %arg1[%get3A_39, %get3A_40] : memref<1000x128xf32, #tpu.memory_space<vmem>>, vector<1000x128xf32>
    %get3A_42 = arith.constant 0 : index
    %get3A_43 = arith.constant 0 : index
    %get3A_44 = vector.load %arg3[%get3A_42, %get3A_43] : memref<1000x1xf32, #tpu.memory_space<vmem>>, vector<1000x1xf32>
    %mul3A_45 = vector.broadcast %get3A_44 : vector<1000x1xf32> to vector<1000x128xf32>
    %mul3A_46 = arith.mulf %div3A_14, %mul3A_45 : vector<1000x128xf32>
    %add3A_47 = arith.addf %get3A_41, %mul3A_46 : vector<1000x128xf32>
    %swap3A_48 = arith.constant 0 : index
    %swap3A_49 = arith.constant 0 : index
    %swap3A_50 = vector.load %arg8[%swap3A_48, %swap3A_49] : memref<1000x128xf32, #tpu.memory_space<vmem>>, vector<1000x128xf32>
    tpu.vector_store %arg8[%swap3A_48, %swap3A_49], %add3A_47 {strides = array<i32>} : memref<1000x128xf32, #tpu.memory_space<vmem>>, vector<1000x128xf32>,
    return
  }
  func.func @transform_0(%arg0: i32) -> (i32, i32) {
    %c0_i32 = arith.constant 0 : i32
    %c0_i32_0 = arith.constant 0 : i32
    return %arg0, %c0_i32 : i32, i32
  }
  func.func @transform_1(%arg0: i32) -> (i32, i32) {
    %c0_i32 = arith.constant 0 : i32
    %c0_i32_0 = arith.constant 0 : i32
    return %arg0, %c0_i32 : i32, i32
  }
  func.func @transform_2(%arg0: i32) -> (i32, i32) {
    %c0_i32 = arith.constant 0 : i32
    %c0_i32_0 = arith.constant 0 : i32
    return %arg0, %c0_i32 : i32, i32
  }
  func.func @transform_3(%arg0: i32) -> (i32, i32) {
    %c0_i32 = arith.constant 0 : i32
    %c0_i32_0 = arith.constant 0 : i32
    return %arg0, %c0_i32 : i32, i32
  }
  func.func @transform_4(%arg0: i32) -> (i32, i32) {
    %c0_i32 = arith.constant 0 : i32
    %c0_i32_0 = arith.constant 0 : i32
    return %arg0, %c0_i32 : i32, i32
  }
  func.func @transform_5(%arg0: i32) -> (i32, i32) {
    %c0_i32 = arith.constant 0 : i32
    %c0_i32_0 = arith.constant 0 : i32
    return %arg0, %c0_i32 : i32, i32
  }
  func.func @transform_6(%arg0: i32) -> (i32, i32) {
    %c0_i32 = arith.constant 0 : i32
    %c0_i32_0 = arith.constant 0 : i32
    return %arg0, %c0_i32 : i32, i32
  }
  func.func @transform_7(%arg0: i32) -> (i32, i32) {
    %c0_i32 = arith.constant 0 : i32
    %c0_i32_0 = arith.constant 0 : i32
    return %arg0, %c0_i32 : i32, i32
  }
  func.func @transform_8(%arg0: i32) -> (i32, i32) {
    %c0_i32 = arith.constant 0 : i32
    %c0_i32_0 = arith.constant 0 : i32
    return %arg0, %c0_i32 : i32, i32
  }
}

</mosaic_0001>

<sc_bundles>
// kernel: kernel.5.cloned.1.call-start
scs
__scs_entry_jumppad:
0x0: {  	(pc) =	sbr.rel $0x88, $3  }
0x1: {  	(tag) =	ssettag $0x0;
	lr =	simm.s32 $0x1  }
0x2: {  	[smem:$0x3F9D] =	sst lr;
	_ =	strace $0xD0000000  }
0x3: {  	_ = 	snop  }
0x4: {  	_ = 	snop  }
0x5: {  	_ = 	snop  }
0x6: {  	_ = 	snop  }
0x7: {  	_ = 	snop  }
__scs_overlays_trampoline_lowered:
0x8: {  	[smem:$0x3FAC] =	sst s0  }
0x9: {  	[smem:$0x3FAD] =	sst s1  }
0xa: {  	[smem:$0x3FAE] =	sst s2  }
0xb: {  	[smem:$0x3FAF] =	sst s3  }
0xc: {  	[smem:$0x3FB0] =	sst s4  }
0xd: {  	[smem:$0x3FB1] =	sst s5  }
0xe: {  	[smem:$0x3FB2] =	sst s6  }
0xf: {  	[smem:$0x3FB3] =	sst s7  }
0x10: {  	[smem:$0x3FB4] =	sst s8  }
0x11: {  	[smem:$0x3FB5] =	sst s9;
	s0 =	simm.s32 @!p0 $0x0  }
0x12: {  	s1 =	sld [smem:$0x3F9B];
	s0 =	simm.s32 @p0 $0x1  }
0x13: {  	[smem:$0x3FB6] =	sst s0;
	s0 =	simm.s32 @!p1 $0x0  }
0x14: {  	s2 =	sld [smem:$0x3F9A];
	s0 =	simm.s32 @p1 $0x1  }
0x15: {  	[smem:$0x3FB7] =	sst s0;
	s0 =	simm.s32 @!p2 $0x0  }
0x16: {  	s3 =	sld [smem:$0x3FDB];
	s0 =	simm.s32 @p2 $0x1  }
0x17: {  	s4 =	simm.s32 $0x1BF5;
	[smem:$0x3FB9] =	sst s0  }
0x18: {  	s0 =	sld [smem:$0x3F9C];
	_ =	swait.ge [sflag:s4], $0x0  }
0x19: {  	s7 =	sld [smem:$0x3F9D]  }
0x1a: {  	s8 =	sadd.s32 $0xFFFFE003, lr  }
0x1b: {  	s9 =	sadd.s32 $0xFFFFFEF7, lr;
	s5 =	simm.s32 $0xFFFFFFFF;
	p2 =	slt.u32 s8, $0xFFFFF086  }
0x1c: {  	p1 =	slt.u32 s9, $0xF7A;
	s5 =	simm.s32 @!p2 $0x0  }
0x1d: {  	s5 =	simm.s32 @p1 $0x1;
	p0 =	seq.s32 s7, s2  }
0x1e: {  	s7 =	smul.u32 @!p0 $0xF7A, s2;
	p2 =	seq.s32 @!p0 s5, $0x0  }
0x1f: {  	s9 =	smul.u32 $0xF7A, s1;
	s8 =	simm.s32 @!p0 $0x1BF5;
	p2 =	por !p2, p0  }
0x20: {  	[sflag:s8] =	ssyncset.s32 @!p0 $0xFFFFF086;
	s6 =	sadd.s32 @!p0 s3, s7;
	s7 =	simm.s32 @!p0 $0x108  }
0x21: {  	s3 =	sadd.s32 s3, s9;
	s6 =	sadd.s32 @!p0 $0x88, s6;
	s7 =	simm.s32 @p2 $0x1082  }
0x22: {  	[simem:s7], [sflag:s8] =	dma.local @!p0 [hbm:s6], $0xF7A  }
0x23: {  	s9 =	sor.u32 $0xD0000000, s2;
	s6 =	simm.s32 $0x108;
	_ =	swait.ge @!p0 [sflag:s8], $0x0  }
0x24: {  	s3 =	sadd.s32 $0x88, s3;
	s6 =	simm.s32 @!p1 $0x1082;
	[sflag:s4] =	ssyncset.s32 $0xFFFFF086  }
0x25: {  	[simem:s6], [sflag:s4] =	dma.local [hbm:s3], $0xF7A  }
0x26: {  	[smem:$0x3F9D] =	sst s1;
	(tag) =	ssettag s2;
	_ =	strace s9  }
0x27: {  	s1 =	sld [smem:$0x3FAD]  }
0x28: {  	s2 =	sld [smem:$0x3FAE]  }
0x29: {  	s4 =	sld [smem:$0x3FB0]  }
0x2a: {  	p0 =	seq.s32 s5, $0x0;
	s5 =	sld [smem:$0x3FB1]  }
0x2b: {  	s6 =	sld [smem:$0x3FB2]  }
0x2c: {  	s7 =	sld [smem:$0x3FB3]  }
0x2d: {  	s3 =	simm.s32 $0x108;
	s8 =	sld [smem:$0x3FB4]  }
0x2e: {  	s3 =	simm.s32 @!p0 $0x1082;
	s9 =	sld [smem:$0x3FB5]  }
0x2f: {  	lr =	sadd.s32 s0, s3;
	s0 =	sld [smem:$0x3FAC]  }
0x30: {  	s3 =	sld [smem:$0x3FAF]  }
0x31: {  	[smem:$0x3FB8] =	sst s10  }
0x32: {  	s10 =	sld [smem:$0x3FB6];
	_ =	sdelay $0x3  }
0x33: {  	p0 =	seq.s32 s10, $0x1;
	s10 =	sld [smem:$0x3FB8];
	_ =	sdelay $0x3  }
0x34: {  	[smem:$0x3FB8] =	sst s10  }
0x35: {  	s10 =	sld [smem:$0x3FB7];
	_ =	sdelay $0x3  }
0x36: {  	p1 =	seq.s32 s10, $0x1;
	s10 =	sld [smem:$0x3FB8];
	_ =	sdelay $0x3  }
0x37: {  	[smem:$0x3FB8] =	sst s10  }
0x38: {  	s10 =	sld [smem:$0x3FB9]  }
0x39: {  	_ = 	snop;
	(pc) =	sbr.ind lr, $3  }
0x3a: {  	_ = 	snop  }
0x3b: {  	_ = 	snop  }
0x3c: {  	p2 =	seq.s32 s10, $0x1;
	s10 =	sld [smem:$0x3FB8]  }
0x3d: {  	_ =	shalt  }
0x3e: {  	_ =	shalt  }
0x3f: {  	_ =	shalt  }
0x40: {  	_ =	shalt  }
0x41: {  	_ =	shalt  }
0x42: {  	_ =	shalt  }
0x43: {  	_ =	shalt  }
0x44: {  	_ =	shalt  }
0x45: {  	_ =	shalt  }
0x46: {  	_ =	shalt  }
0x47: {  	_ =	shalt  }
0x48: {  	_ =	shalt  }
0x49: {  	_ =	shalt  }
0x4a: {  	_ =	shalt  }
0x4b: {  	_ =	shalt  }
0x4c: {  	_ =	shalt  }
0x4d: {  	_ =	shalt  }
0x4e: {  	_ =	shalt  }
0x4f: {  	_ =	shalt  }
0x50: {  	_ =	shalt  }
0x51: {  	_ =	shalt  }
0x52: {  	_ =	shalt  }
0x53: {  	_ =	shalt  }
0x54: {  	_ =	shalt  }
0x55: {  	_ =	shalt  }
0x56: {  	_ =	shalt  }
0x57: {  	_ =	shalt  }
0x58: {  	_ =	shalt  }
0x59: {  	_ =	shalt  }
0x5a: {  	_ =	shalt  }
0x5b: {  	_ =	shalt  }
0x5c: {  	_ =	shalt  }
0x5d: {  	_ =	shalt  }
0x5e: {  	_ =	shalt  }
0x5f: {  	_ =	shalt  }
0x60: {  	_ =	shalt  }
0x61: {  	_ =	shalt  }
0x62: {  	_ =	shalt  }
0x63: {  	_ =	shalt  }
0x64: {  	_ =	shalt  }
0x65: {  	_ =	shalt  }
0x66: {  	_ =	shalt  }
0x67: {  	_ =	shalt  }
0x68: {  	_ =	shalt  }
0x69: {  	_ =	shalt  }
0x6a: {  	_ =	shalt  }
0x6b: {  	_ =	shalt  }
0x6c: {  	_ =	shalt  }
0x6d: {  	_ =	shalt  }
0x6e: {  	_ =	shalt  }
0x6f: {  	_ =	shalt  }
0x70: {  	_ =	shalt  }
0x71: {  	_ =	shalt  }
0x72: {  	_ =	shalt  }
0x73: {  	_ =	shalt  }
0x74: {  	_ =	shalt  }
0x75: {  	_ =	shalt  }
0x76: {  	_ =	shalt  }
0x77: {  	_ =	shalt  }
0x78: {  	_ =	shalt  }
0x79: {  	_ =	shalt  }
0x7a: {  	_ =	shalt  }
0x7b: {  	_ =	shalt  }
0x7c: {  	_ =	shalt  }
0x7d: {  	_ =	shalt  }
0x7e: {  	_ =	shalt  }
0x7f: {  	_ =	shalt  }
0x80: {  	_ =	shalt  }
0x81: {  	_ =	shalt  }
0x82: {  	_ =	shalt  }
0x83: {  	_ =	shalt  }
0x84: {  	_ =	shalt  }
0x85: {  	_ =	shalt  }
0x86: {  	_ =	shalt  }
0x87: {  	_ =	shalt  }
.Lfunc_end0:
.L_simem_size_0:
called_computation_lowered:
.L_overlay_start_0:
0x88: {  	s2 =	sld [smem:$0x3FD9]  }
0x89: {  	s3 =	sld [smem:$0x3FFE];
	_ =	sdelay $0x1  }
0x8a: {  	s1 =	srdreg.scid  }
0x8b: {  	s0 =	sand.u32 $0x1, s1  }
0x8c: {  	s14 =	sshll.u32 s0, $0xA;
	s2 =	sadd.s32 s3, s2  }
0x8d: {  	s2 =	sadd.s32 s2, s14  }
0x8e: {  	[smem:$0x3FC4] =	sst s2  }
0x8f: {  	_ = 	snop  }
0x90: {  	s2 =	sld [smem:$0x3FD0];
	_ =	sdelay $0x2  }
0x91: {  	s15 =	simm.s32 $0xA;
	s4 =	simm.s32 $0x10  }
0x92: {  	[smem:s4], [sflag:s15] =	dma.local [hbm:s2], $0x1  }
0x93: {  	_ =	swait.eq [sflag:s15], $0x1  }
0x94: {  	[sflag:s15] =	ssyncset.done $0x0  }
0x95: {  	s16 =	sld [smem:$0x10];
	[sflag:s15] =	ssyncadd.s32 $0xFFFFFFFF  }
0x96: {  	s17 =	sld [smem:$0x11];
	(tm) =	ssettm $0x1  }
0x97: {  	s18 =	sld [smem:$0x3FFB];
	_ =	sdelay $0x3  }
0x98: {  	_ =	strace s18  }
0x99: {  	s4 =	sld [smem:$0x3FFC];
	_ =	sdelay $0x3  }
0x9a: {  	_ =	strace s4  }
0x9b: {  	s4 =	sld [smem:$0x3FFD];
	_ =	sdelay $0x3  }
0x9c: {  	_ =	strace s4  }
0x9d: {  	_ =	strace $0x8FFFFFFF  }
0x9e: {  	s19 =	sld [smem:$0x3FDB];
	_ =	sdelay $0x1  }
0x9f: {  	s5 =	simm.s32 $_scs_section_size  }
0xa0: {  	s6 =	simm.s32 $_size__tile_overlayer_lowered;
	s7 =	simm.s32 $_tile_overlayer_lowered  }
0xa1: {  	s22 =	simm.s32 $0x1BFF;
	s21 =	sshll.u32 s7, $0x1;
	s4 =	sadd.s32 s5, s19  }
0xa2: {  	s8 =	simm.s32 $0x0;
	s20 =	sshll.u32 s6, $0x1;
	s6 =	sadd.s32 s21, s4  }
0xa3: {  	[timem:s8], [sflag:s22] =	dma.local [hbm:s6], s20  }
0xa4: {  	_ =	swait.ge [sflag:s22], s20  }
0xa5: {  	s5 =	ssub.s32 $0x0, s20;
	[sflag:s22] =	ssyncset.done $0x0  }
0xa6: {  	[sflag:s22] =	ssyncadd.s32 s5;
	_ =	sdelay $0x1  }
0xa7: {  	s23 =	simm.s32 $0x1B8B  }
0xa8: {  	_ =	swait.ge [sflag:s23], $0x1  }
0xa9: {  	[sflag:s23] =	ssyncset.done $0x0  }
0xaa: {  	s25 =	simm.s32 $0x1B8E;
	s24 =	sld [smem:$0x3FFE];
	[sflag:s23] =	ssyncadd.s32 $0xFFFFFFFF  }
0xab: {  	s26 =	simm.s32 $execute0_lowered;
	[smem:$0x3FD2] =	sst s25  }
0xac: {  	s6 =	sshll.u32 s26, $0x1;
	_ =	strace $0x80000046;
	[dreg:$0x1] =	wrdreg $0xFFFFFFFF  }
0xad: {  	s28 =	simm.s32 $_size_execute0_lowered;
	s4 =	sadd.s32 s4, s6;
	[dreg:$0x0] =	wrdreg $0x0  }
0xae: {  	s6 =	sshll.u32 s28, $0x1;
	[dreg:$0x2] =	wrdreg s4  }
0xaf: {  	[dreg:$0x3] =	wrdreg s6  }
0xb0: {  	[dreg:$0x4] =	wrdreg $0xC0  }
0xb1: {  	_ =	task [dreg:s8], $0x5FFFF  }
0xb2: {  	[dreg:$0x1] =	wrdreg $0xFFFFFFFF  }
0xb3: {  	[dreg:$0x0] =	wrdreg $0x60  }
0xb4: {  	[dreg:$0x2] =	wrdreg s16  }
0xb5: {  	[dreg:$0x3] =	wrdreg s17  }
0xb6: {  	[dreg:$0x4] =	wrdreg s24  }
0xb7: {  	[dreg:$0x5] =	wrdreg $0xA9000  }
0xb8: {  	[dreg:$0x6] =	wrdreg $0x9  }
0xb9: {  	_ =	task.clear_ibuf [dreg:s8], $0x7FFFF;
	_ =	strace $0x90000046  }
0xba: {  	s29 =	simm.s32 $0x9;
	_ =	strace $0x80000048  }
0xbb: {  	_ =	swait.ge [sflag:s29], $0x1  }
0xbc: {  	[sflag:s29] =	ssyncadd.s32 $0xFFFFFFFF  }
0xbd: {  	_ =	strace $0x90000048  }
0xbe: {  	_ =	sfence  }
0xbf: {  	s30 =	sld [smem:$0x0];
	_ =	sdelay $0x2  }
0xc0: {  	s31 =	sshll.u32 s1, $0xD;
	s1 =	sshrl.u32 s1, $0x2  }
0xc1: {  	s3 =	sand.u32 $0x4000, s31;
	s1 =	sadd.s32 s1, s30  }
0xc2: {  	s0 =	sor.u32 s3, s0;
	s1 =	sshll.u32 s1, $0x11  }
0xc3: {  	s0 =	sor.u32 s1, s0  }
0xc4: {  	s0 =	sadd.s32 $0x8F2B, s0  }
0xc5: {  	[sflag:s0] =	ssyncadd.remote.s32 $0x1  }
0xc6: {  	_ =	sfence.sel $0xFFFF  }
0xc7: {  	[dreg:$0x0] =	wrdreg $0xFFFFFFFF;
	(pc) =	sbr.abs _section_cstart, $3  }
0xc8: {  	[dreg:$0x1] =	wrdreg $0xFFFFFFFF  }
0xc9: {  	_ =	task.clear_ibuf [dreg:s8], $0x2FFFF;
	_ =	strace $0x9FFFFFFF  }
0xca: {  	(tm) =	ssettm $0x7FFFFFFF  }
0xcb: {  	_ =	shalt  }
tec
execute0_lowered:
.L_overlay_start_1:
0x0: {  	(tag) =	ssettag $0x1  }
0x1: {  	s1 =	rddreg [dreg:$0x0]  }
0x2: {  	s10 =	rddreg [dreg:$0x1]  }
0x3: {  	s7 =	rddreg [dreg:$0x2]  }
0x4: {  	s2 =	rddreg [dreg:$0x3];
	s3 =	srdreg.scid;
	s4 =	simm.s32 $0x0  }
0x5: {  	s17 =	simm.s32 $0x1400;
	s18 =	simm.s32 $0x80;
	s19 =	simm.s32 $0x2900  }
0x6: {  	s20 =	simm.s32 $0x1;
	s21 =	simm.s32 $0x6900;
	s22 =	simm.s32 $0x2800  }
0x7: {  	s23 =	simm.s32 $0x2;
	s24 =	simm.s32 $0x3;
	s25 =	simm.s32 $0x2880  }
0x8: {  	s28 =	simm.s32 $0x0;
	s8 =	sand.u32 $0x1, s3;
	s3 =	stileid.u32  }
0x9: {  	[smem:$0x7FF] =	sst s4;
	s11 =	sadd.s32 $0x1A00, s7;
	s6 =	smul.u32 $0x13C000, s8  }
0xa: {  	s5 =	sadd.s32 $0xC200, s7;
	s9 =	smul.u32 $0x13C00, s3;
	_ =	strace $0x80000047  }
0xb: {  	s12 =	sshll.u32 s8, $0x4;
	s8 =	ssub.s32 $0x2, s8;
	s13 =	smul.u32 $0x4F000, s3  }
0xc: {  	s31 =	sshll.u32 s3, $0x6;
	s12 =	sor.u32 s3, s12;
	s26 =	sshrl.u32 s8, $0x1  }
0xd: {  	s9 =	sadd.s32 s9, s6;
	s6 =	sadd.s32 $0xBA00, s7;
	s29 =	smul.u32 $0x2800, s12  }
0xe: {  	s15 =	ssub.s32 s8, s26;
	s30 =	sshrl.u32 s13, $0x2;
	s26 =	simm.s32 $0x4  }
0xf: {  	s9 =	sshrl.u32 s9, $0x3;
	s16 =	sadd.s32 s30, s2;
	s12 =	sshrl.u32 s29, $0x3  }
0x10: {  	s14 =	sadd.s32 s9, s7;
	s7 =	sor.u32 $0x1C05, s31;
	s8 =	sadd.s32 s10, s12  }
0x11: {  	s9 =	sadd.s32 s11, s12;
	s12 =	sadd.s32 $0x280, s12;
	s13 =	sadd.s32 $0x5DA00, s14  }
0x12: {  	s10 =	sadd.s32 s10, s12;
	s11 =	sadd.s32 s11, s12;
	s12 =	sadd.s32 $0xEA00, s14  }
0x13: {  	s14 =	smax.u32 s15, $0x1;
	s15 =	sshrl.u32 s16, $0x3;
	s16 =	simm.s32 $0x5  }
.LBB2_1:
0x14: {  	[spmem:s15], [sflag:s7] =	dma.local [hbm:s5], $0x2780  }
0x15: {  	_ =	swait.ge [sflag:s16], $0x2780  }
0x16: {  	[sflag:s16] =	ssyncset.done $0x0  }
0x17: {  	[sflag:s16] =	ssyncadd.s32 $0xFFFFD880  }
0x18: {  	[bflag:$0x0] =	sbarrier.arrive $0xFFFF  }
0x19: {  	[tilespmem:s4], [sflag:$0x5] =	stream.linear.gather [hbm4b:s8+s4], $0x1400, $0x38;
	[tilespmem:$0x1E500] =	vst v63  }
0x1a: {  	_ =	swait.ge [sflag:s16], $0x1400  }
0x1b: {  	[sflag:s16] =	ssyncset.done $0x0  }
0x1c: {  	[sflag:s16] =	ssyncadd.s32 $0xFFFFEC00  }
0x1d: {  	[tilespmem:s17], [sflag:$0x5] =	stream.linear.gather [hbm4b:s9+s4], $0x1400, $0x38;
	[tilespmem:$0x1E500] =	vst v63  }
0x1e: {  	_ =	swait.ge [sflag:s16], $0x1400  }
0x1f: {  	[sflag:s16] =	ssyncset.done $0x0  }
0x20: {  	[sflag:s16] =	ssyncadd.s32 $0xFFFFEC00  }
0x21: {  	[tilespmem:s19], [sflag:$0x1] =	stream.indirect.gather [hbm4b:s1+s18], $0x80, s4, s18, $0xb8;
	[tilespmem:$0x1E500] =	vst v63  }
0x22: {  	v0 =	vld [tilespmem:$0x1400]  }
0x23: {  	v1 =	vld [tilespmem:$0x1410]  }
0x24: {  	v2 =	vld [tilespmem:$0x1420]  }
0x25: {  	v3 =	vld [tilespmem:$0x1430]  }
0x26: {  	v4 =	vld [tilespmem:$0x1440]  }
0x27: {  	v59 =	vld [tilespmem:$0x1450];
	[tilespmem:$0x2800] =	vst v0  }
0x28: {  	v60 =	vld [tilespmem:$0x1460];
	[tilespmem:$0x2810] =	vst v1  }
0x29: {  	v61 =	vld [tilespmem:$0x1470];
	[tilespmem:$0x2820] =	vst v2  }
0x2a: {  	[tilespmem:$0x2830] =	vst v3  }
0x2b: {  	[tilespmem:$0x2840] =	vst v4  }
0x2c: {  	[tilespmem:$0x2850] =	vst v59  }
0x2d: {  	[tilespmem:$0x2860] =	vst v60  }
0x2e: {  	[tilespmem:$0x2870] =	vst v61  }
0x2f: {  	_ =	swait.ge [sflag:s20], $0x4000  }
0x30: {  	[sflag:s20] =	ssyncset.done $0x0  }
0x31: {  	[sflag:s20] =	ssyncadd.s32 $0xFFFFC000  }
0x32: {  	[tilespmem:s21], [sflag:$0x2] =	stream.indirect.gather [hbm4b:s1+s18], $0x80, s18, s18, $0xb8;
	[tilespmem:$0x1E500] =	vst v63  }
0x33: {  	s29 =	simm.s32 $0x0  }
0x34: {  	[spmem:s2] =	stream.indirect.scatter.add.f32 [tilespmem:s19], [sflag:$0x3], $0x80, s22, s18, $0xb8;
	[tilespmem:$0x1E500] =	vst v63  }
0x35: {  	v62 =	vld [tilespmem:s29+$0x1480];
	_ =	sdelay $0x4  }
0x36: {  	[tilespmem:$0x2880] =	vst v62  }
0x37: {  	v0 =	vld [tilespmem:s29+$0x1490];
	_ =	sdelay $0x4  }
0x38: {  	[tilespmem:$0x2890] =	vst v0  }
0x39: {  	v0 =	vld [tilespmem:s29+$0x14A0];
	_ =	sdelay $0x4  }
0x3a: {  	[tilespmem:$0x28A0] =	vst v0  }
0x3b: {  	v0 =	vld [tilespmem:s29+$0x14B0];
	_ =	sdelay $0x4  }
0x3c: {  	[tilespmem:$0x28B0] =	vst v0  }
0x3d: {  	v0 =	vld [tilespmem:s29+$0x14C0];
	_ =	sdelay $0x4  }
0x3e: {  	[tilespmem:$0x28C0] =	vst v0  }
0x3f: {  	v0 =	vld [tilespmem:s29+$0x14D0];
	_ =	sdelay $0x4  }
0x40: {  	[tilespmem:$0x28D0] =	vst v0  }
0x41: {  	v0 =	vld [tilespmem:s29+$0x14E0];
	_ =	sdelay $0x4  }
0x42: {  	[tilespmem:$0x28E0] =	vst v0  }
0x43: {  	v0 =	vld [tilespmem:s29+$0x14F0];
	_ =	sdelay $0x4  }
0x44: {  	[tilespmem:$0x28F0] =	vst v0  }
0x45: {  	_ =	swait.ge [sflag:s23], $0x4000  }
0x46: {  	[sflag:s23] =	ssyncset.done $0x0  }
0x47: {  	[sflag:s23] =	ssyncadd.s32 $0xFFFFC000  }
0x48: {  	_ =	swait.ge [sflag:s24], $0x4000  }
0x49: {  	[sflag:s24] =	ssyncset.done $0x0  }
0x4a: {  	s30 =	simm.s32 $0x100;
	[sflag:s24] =	ssyncadd.s32 $0xFFFFC000  }
0x4b: {  	[tilespmem:s19], [sflag:$0x1] =	stream.indirect.gather [hbm4b:s1+s18], $0x80, s30, s18, $0xb8;
	[tilespmem:$0x1E500] =	vst v63  }
0x4c: {  	_ = 	snop  }
0x4d: {  	[spmem:s2] =	stream.indirect.scatter.add.f32 [tilespmem:s21], [sflag:$0x4], $0x80, s25, s18, $0xb8;
	[tilespmem:$0x1E500] =	vst v63  }
0x4e: {  	v63 =	vld [tilespmem:s29+$0x1500];
	_ =	sdelay $0x4  }
0x4f: {  	[tilespmem:$0x2800] =	vst v63  }
0x50: {  	v0 =	vld [tilespmem:s29+$0x1510];
	_ =	sdelay $0x4  }
0x51: {  	[tilespmem:$0x2810] =	vst v0  }
0x52: {  	v0 =	vld [tilespmem:s29+$0x1520];
	_ =	sdelay $0x4  }
0x53: {  	[tilespmem:$0x2820] =	vst v0  }
0x54: {  	v0 =	vld [tilespmem:s29+$0x1530];
	_ =	sdelay $0x4  }
0x55: {  	[tilespmem:$0x2830] =	vst v0  }
0x56: {  	v0 =	vld [tilespmem:s29+$0x1540];
	_ =	sdelay $0x4  }
0x57: {  	[tilespmem:$0x2840] =	vst v0  }
0x58: {  	v0 =	vld [tilespmem:s29+$0x1550];
	_ =	sdelay $0x4  }
0x59: {  	[tilespmem:$0x2850] =	vst v0  }
0x5a: {  	v0 =	vld [tilespmem:s29+$0x1560];
	_ =	sdelay $0x4  }
0x5b: {  	[tilespmem:$0x2860] =	vst v0  }
0x5c: {  	v0 =	vld [tilespmem:s29+$0x1570];
	_ =	sdelay $0x4  }
0x5d: {  	[tilespmem:$0x2870] =	vst v0  }
0x5e: {  	_ =	swait.ge [sflag:s20], $0x4000  }
0x5f: {  	[sflag:s20] =	ssyncset.done $0x0  }
0x60: {  	[sflag:s20] =	ssyncadd.s32 $0xFFFFC000  }
0x61: {  	_ =	swait.ge [sflag:s26], $0x4000  }
0x62: {  	[sflag:s26] =	ssyncset.done $0x0  }
0x63: {  	s29 =	simm.s32 $0x180;
	[sflag:s26] =	ssyncadd.s32 $0xFFFFC000  }
0x64: {  	[tilespmem:s21], [sflag:$0x2] =	stream.indirect.gather [hbm4b:s1+s18], $0x80, s29, s18, $0xb8;
	[tilespmem:$0x1E500] =	vst v63  }
0x65: {  	s30 =	simm.s32 $0x800;
	s29 =	simm.s32 $0x100  }
.LBB2_2:
0x66: {  	[spmem:s2] =	stream.indirect.scatter.add.f32 [tilespmem:s19], [sflag:$0x3], $0x80, s22, s18, $0xb8;
	[tilespmem:$0x1E500] =	vst v63  }
0x67: {  	s31 =	sshra.s32 s30, $0x2;
	p0 =	sne.s32 s30, $0x4800;
	s30 =	sadd.s32 $0x400, s30;
	v0 =	vld [tilespmem:s29+$0x1480]  }
0x68: {  	_ =	sdelay $0x3  }
0x69: {  	[tilespmem:$0x2880] =	vst v0  }
0x6a: {  	v0 =	vld [tilespmem:s29+$0x1490];
	_ =	sdelay $0x4  }
0x6b: {  	[tilespmem:$0x2890] =	vst v0  }
0x6c: {  	v0 =	vld [tilespmem:s29+$0x14A0];
	_ =	sdelay $0x4  }
0x6d: {  	[tilespmem:$0x28A0] =	vst v0  }
0x6e: {  	v0 =	vld [tilespmem:s29+$0x14B0];
	_ =	sdelay $0x4  }
0x6f: {  	[tilespmem:$0x28B0] =	vst v0  }
0x70: {  	v0 =	vld [tilespmem:s29+$0x14C0];
	_ =	sdelay $0x4  }
0x71: {  	[tilespmem:$0x28C0] =	vst v0  }
0x72: {  	v0 =	vld [tilespmem:s29+$0x14D0];
	_ =	sdelay $0x4  }
0x73: {  	[tilespmem:$0x28D0] =	vst v0  }
0x74: {  	v0 =	vld [tilespmem:s29+$0x14E0];
	_ =	sdelay $0x4  }
0x75: {  	[tilespmem:$0x28E0] =	vst v0  }
0x76: {  	v0 =	vld [tilespmem:s29+$0x14F0];
	_ =	sdelay $0x4  }
0x77: {  	[tilespmem:$0x28F0] =	vst v0  }
0x78: {  	_ =	swait.ge [sflag:s23], $0x4000  }
0x79: {  	[sflag:s23] =	ssyncset.done $0x0  }
0x7a: {  	[sflag:s23] =	ssyncadd.s32 $0xFFFFC000  }
0x7b: {  	_ =	swait.ge [sflag:s24], $0x4000  }
0x7c: {  	[sflag:s24] =	ssyncset.done $0x0  }
0x7d: {  	s0 =	sadd.s32 $0x100, s29;
	[sflag:s24] =	ssyncadd.s32 $0xFFFFC000  }
0x7e: {  	[tilespmem:s19], [sflag:$0x1] =	stream.indirect.gather [hbm4b:s1+s18], $0x80, s0, s18, $0xb8;
	[tilespmem:$0x1E500] =	vst v63  }
0x7f: {  	_ = 	snop  }
0x80: {  	[spmem:s2] =	stream.indirect.scatter.add.f32 [tilespmem:s21], [sflag:$0x4], $0x80, s25, s18, $0xb8;
	[tilespmem:$0x1E500] =	vst v63  }
0x81: {  	v0 =	vld [tilespmem:s29+$0x1500];
	_ =	sdelay $0x4  }
0x82: {  	[tilespmem:$0x2800] =	vst v0  }
0x83: {  	v0 =	vld [tilespmem:s29+$0x1510];
	_ =	sdelay $0x4  }
0x84: {  	[tilespmem:$0x2810] =	vst v0  }
0x85: {  	v0 =	vld [tilespmem:s29+$0x1520];
	_ =	sdelay $0x4  }
0x86: {  	[tilespmem:$0x2820] =	vst v0  }
0x87: {  	v0 =	vld [tilespmem:s29+$0x1530];
	_ =	sdelay $0x4  }
0x88: {  	[tilespmem:$0x2830] =	vst v0  }
0x89: {  	v0 =	vld [tilespmem:s29+$0x1540];
	_ =	sdelay $0x4  }
0x8a: {  	[tilespmem:$0x2840] =	vst v0  }
0x8b: {  	v0 =	vld [tilespmem:s29+$0x1550];
	_ =	sdelay $0x4  }
0x8c: {  	[tilespmem:$0x2850] =	vst v0  }
0x8d: {  	v0 =	vld [tilespmem:s29+$0x1560];
	_ =	sdelay $0x4  }
0x8e: {  	[tilespmem:$0x2860] =	vst v0  }
0x8f: {  	v0 =	vld [tilespmem:s29+$0x1570];
	_ =	sdelay $0x4  }
0x90: {  	[tilespmem:$0x2870] =	vst v0  }
0x91: {  	_ =	swait.ge [sflag:s20], $0x4000  }
0x92: {  	[sflag:s20] =	ssyncset.done $0x0  }
.Ltmp0:
0x93: {  	[sflag:s20] =	ssyncadd.s32 $0xFFFFC000;
	(pc) =	sbr.rel @p0 .LBB2_2-.Ltmp0, $4  }
0x94: {  	_ =	swait.ge [sflag:s26], $0x4000  }
0x95: {  	[sflag:s26] =	ssyncset.done $0x0  }
0x96: {  	s0 =	sadd.s32 $0x180, s29;
	s29 =	smov.u32 s31;
	[sflag:s26] =	ssyncadd.s32 $0xFFFFC000  }
0x97: {  	[tilespmem:s21], [sflag:$0x2] =	stream.indirect.gather [hbm4b:s1+s18], $0x80, s0, s18, $0xb8;
	[tilespmem:$0x1E500] =	vst v63  }
0x98: {  	[spmem:s2] =	stream.indirect.scatter.add.f32 [tilespmem:s19], [sflag:$0x3], $0x80, s22, s18, $0xb8;
	[tilespmem:$0x1E500] =	vst v63  }
0x99: {  	v0 =	vld [tilespmem:s29+$0x1480];
	_ =	sdelay $0x4  }
0x9a: {  	[tilespmem:$0x2880] =	vst v0  }
0x9b: {  	v0 =	vld [tilespmem:s29+$0x1490];
	_ =	sdelay $0x4  }
0x9c: {  	[tilespmem:$0x2890] =	vst v0  }
0x9d: {  	v0 =	vld [tilespmem:s29+$0x14A0];
	_ =	sdelay $0x4  }
0x9e: {  	[tilespmem:$0x28A0] =	vst v0  }
0x9f: {  	v0 =	vld [tilespmem:s29+$0x14B0];
	_ =	sdelay $0x4  }
0xa0: {  	[tilespmem:$0x28B0] =	vst v0  }
0xa1: {  	v0 =	vld [tilespmem:s29+$0x14C0];
	_ =	sdelay $0x4  }
0xa2: {  	[tilespmem:$0x28C0] =	vst v0  }
0xa3: {  	v0 =	vld [tilespmem:s29+$0x14D0];
	_ =	sdelay $0x4  }
0xa4: {  	[tilespmem:$0x28D0] =	vst v0  }
0xa5: {  	v0 =	vld [tilespmem:s29+$0x14E0];
	_ =	sdelay $0x4  }
0xa6: {  	[tilespmem:$0x28E0] =	vst v0  }
0xa7: {  	v0 =	vld [tilespmem:s29+$0x14F0];
	_ =	sdelay $0x4  }
0xa8: {  	[tilespmem:$0x28F0] =	vst v0  }
0xa9: {  	_ =	swait.ge [sflag:s23], $0x4000  }
0xaa: {  	[sflag:s23] =	ssyncset.done $0x0  }
0xab: {  	[sflag:s23] =	ssyncadd.s32 $0xFFFFC000  }
0xac: {  	_ =	swait.ge [sflag:s24], $0x4000  }
0xad: {  	[sflag:s24] =	ssyncset.done $0x0  }
0xae: {  	s0 =	sadd.s32 $0x100, s29;
	[sflag:s24] =	ssyncadd.s32 $0xFFFFC000  }
0xaf: {  	[tilespmem:s19], [sflag:$0x1] =	stream.indirect.gather [hbm4b:s1+s18], $0x80, s0, s18, $0xb8;
	[tilespmem:$0x1E500] =	vst v63  }
0xb0: {  	_ = 	snop  }
0xb1: {  	[spmem:s2] =	stream.indirect.scatter.add.f32 [tilespmem:s21], [sflag:$0x4], $0x80, s25, s18, $0xb8;
	[tilespmem:$0x1E500] =	vst v63  }
0xb2: {  	v49 =	vld [tilespmem:s29+$0x1500];
	_ =	sdelay $0x4  }
0xb3: {  	[tilespmem:$0x2800] =	vst v49  }
0xb4: {  	v0 =	vld [tilespmem:s29+$0x1510];
	_ =	sdelay $0x4  }
0xb5: {  	[tilespmem:$0x2810] =	vst v0  }
0xb6: {  	v0 =	vld [tilespmem:s29+$0x1520];
	_ =	sdelay $0x4  }
0xb7: {  	[tilespmem:$0x2820] =	vst v0  }
0xb8: {  	v0 =	vld [tilespmem:s29+$0x1530];
	_ =	sdelay $0x4  }
0xb9: {  	[tilespmem:$0x2830] =	vst v0  }
0xba: {  	v0 =	vld [tilespmem:s29+$0x1540];
	_ =	sdelay $0x4  }
0xbb: {  	[tilespmem:$0x2840] =	vst v0  }
0xbc: {  	v0 =	vld [tilespmem:s29+$0x1550];
	_ =	sdelay $0x4  }
0xbd: {  	[tilespmem:$0x2850] =	vst v0  }
0xbe: {  	v0 =	vld [tilespmem:s29+$0x1560];
	_ =	sdelay $0x4  }
0xbf: {  	[tilespmem:$0x2860] =	vst v0  }
0xc0: {  	v0 =	vld [tilespmem:s29+$0x1570];
	_ =	sdelay $0x4  }
0xc1: {  	[tilespmem:$0x2870] =	vst v0  }
0xc2: {  	_ =	swait.ge [sflag:s20], $0x4000  }
0xc3: {  	[sflag:s20] =	ssyncset.done $0x0  }
0xc4: {  	[sflag:s20] =	ssyncadd.s32 $0xFFFFC000  }
0xc5: {  	_ =	swait.ge [sflag:s26], $0x4000  }
0xc6: {  	[sflag:s26] =	ssyncset.done $0x0  }
0xc7: {  	s31 =	sadd.s32 $0x180, s29;
	[sflag:s26] =	ssyncadd.s32 $0xFFFFC000  }
0xc8: {  	[tilespmem:s21], [sflag:$0x2] =	stream.indirect.gather [hbm4b:s1+s18], $0x80, s31, s18, $0xb8;
	[tilespmem:$0x1E500] =	vst v63  }
0xc9: {  	_ = 	snop  }
0xca: {  	[spmem:s2] =	stream.indirect.scatter.add.f32 [tilespmem:s19], [sflag:$0x3], $0x80, s22, s18, $0xb8;
	[tilespmem:$0x1E500] =	vst v63  }
0xcb: {  	v50 =	vld [tilespmem:$0x2780]  }
0xcc: {  	v1 =	vld [tilespmem:$0x2790]  }
0xcd: {  	v2 =	vld [tilespmem:$0x27A0]  }
0xce: {  	v3 =	vld [tilespmem:$0x27B0]  }
0xcf: {  	v4 =	vld [tilespmem:$0x27C0]  }
0xd0: {  	v51 =	vld [tilespmem:$0x27D0];
	[tilespmem:$0x2880] =	vst v50  }
0xd1: {  	v52 =	vld [tilespmem:$0x27E0];
	[tilespmem:$0x2890] =	vst v1  }
0xd2: {  	v53 =	vld [tilespmem:$0x27F0];
	[tilespmem:$0x28A0] =	vst v2  }
0xd3: {  	[tilespmem:$0x28B0] =	vst v3  }
0xd4: {  	[tilespmem:$0x28C0] =	vst v4  }
0xd5: {  	[tilespmem:$0x28D0] =	vst v51  }
0xd6: {  	[tilespmem:$0x28E0] =	vst v52  }
0xd7: {  	[tilespmem:$0x28F0] =	vst v53  }
0xd8: {  	_ =	swait.ge [sflag:s23], $0x4000  }
0xd9: {  	[sflag:s23] =	ssyncset.done $0x0  }
0xda: {  	[sflag:s23] =	ssyncadd.s32 $0xFFFFC000  }
0xdb: {  	_ =	swait.ge [sflag:s24], $0x4000  }
0xdc: {  	[sflag:s24] =	ssyncset.done $0x0  }
0xdd: {  	[sflag:s24] =	ssyncadd.s32 $0xFFFFC000  }
0xde: {  	[spmem:s2] =	stream.indirect.scatter.add.f32 [tilespmem:s21], [sflag:$0x4], $0x80, s25, s18, $0xb8;
	[tilespmem:$0x1E500] =	vst v63  }
0xdf: {  	_ =	swait.ge [sflag:s26], $0x4000  }
0xe0: {  	[sflag:s26] =	ssyncset.done $0x0  }
0xe1: {  	s31 =	simm.s32 $0x0;
	[sflag:s26] =	ssyncadd.s32 $0xFFFFC000  }
0xe2: {  	[tilespmem:s31], [sflag:$0x5] =	stream.linear.gather [hbm4b:s10+s31], $0x1400, $0x38;
	[tilespmem:$0x1E500] =	vst v63  }
0xe3: {  	_ =	swait.ge [sflag:s16], $0x1400  }
0xe4: {  	[sflag:s16] =	ssyncset.done $0x0  }
0xe5: {  	[sflag:s16] =	ssyncadd.s32 $0xFFFFEC00  }
0xe6: {  	[tilespmem:s17], [sflag:$0x5] =	stream.linear.gather [hbm4b:s11+s31], $0x1400, $0x38;
	[tilespmem:$0x1E500] =	vst v63  }
0xe7: {  	_ =	swait.ge [sflag:s16], $0x1400  }
0xe8: {  	[sflag:s16] =	ssyncset.done $0x0  }
0xe9: {  	[sflag:s16] =	ssyncadd.s32 $0xFFFFEC00  }
0xea: {  	[tilespmem:s19], [sflag:$0x1] =	stream.indirect.gather [hbm4b:s1+s18], $0x80, s31, s18, $0xb8;
	[tilespmem:$0x1E500] =	vst v63  }
0xeb: {  	v54 =	vld [tilespmem:$0x1400]  }
0xec: {  	v55 =	vld [tilespmem:$0x1410]  }
0xed: {  	v56 =	vld [tilespmem:$0x1420]  }
0xee: {  	v57 =	vld [tilespmem:$0x1430]  }
0xef: {  	v58 =	vld [tilespmem:$0x1440]  }
0xf0: {  	v59 =	vld [tilespmem:$0x1450];
	[tilespmem:$0x2800] =	vst v54  }
0xf1: {  	v60 =	vld [tilespmem:$0x1460];
	[tilespmem:$0x2810] =	vst v55  }
0xf2: {  	v61 =	vld [tilespmem:$0x1470];
	[tilespmem:$0x2820] =	vst v56  }
0xf3: {  	[tilespmem:$0x2830] =	vst v57  }
0xf4: {  	[tilespmem:$0x2840] =	vst v58  }
0xf5: {  	[tilespmem:$0x2850] =	vst v59  }
0xf6: {  	[tilespmem:$0x2860] =	vst v60  }
0xf7: {  	[tilespmem:$0x2870] =	vst v61  }
0xf8: {  	_ =	swait.ge [sflag:s20], $0x4000  }
0xf9: {  	[sflag:s20] =	ssyncset.done $0x0  }
0xfa: {  	[sflag:s20] =	ssyncadd.s32 $0xFFFFC000  }
0xfb: {  	[tilespmem:s21], [sflag:$0x2] =	stream.indirect.gather [hbm4b:s1+s18], $0x80, s18, s18, $0xb8;
	[tilespmem:$0x1E500] =	vst v63  }
0xfc: {  	s31 =	simm.s32 $0x0  }
0xfd: {  	[spmem:s2] =	stream.indirect.scatter.add.f32 [tilespmem:s19], [sflag:$0x3], $0x80, s22, s18, $0xb8;
	[tilespmem:$0x1E500] =	vst v63  }
0xfe: {  	v62 =	vld [tilespmem:s31+$0x1480];
	_ =	sdelay $0x4  }
0xff: {  	[tilespmem:$0x2880] =	vst v62  }
0x100: {  	v0 =	vld [tilespmem:s31+$0x1490];
	_ =	sdelay $0x4  }
0x101: {  	[tilespmem:$0x2890] =	vst v0  }
0x102: {  	v0 =	vld [tilespmem:s31+$0x14A0];
	_ =	sdelay $0x4  }
0x103: {  	[tilespmem:$0x28A0] =	vst v0  }
0x104: {  	v0 =	vld [tilespmem:s31+$0x14B0];
	_ =	sdelay $0x4  }
0x105: {  	[tilespmem:$0x28B0] =	vst v0  }
0x106: {  	v0 =	vld [tilespmem:s31+$0x14C0];
	_ =	sdelay $0x4  }
0x107: {  	[tilespmem:$0x28C0] =	vst v0  }
0x108: {  	v0 =	vld [tilespmem:s31+$0x14D0];
	_ =	sdelay $0x4  }
0x109: {  	[tilespmem:$0x28D0] =	vst v0  }
0x10a: {  	v0 =	vld [tilespmem:s31+$0x14E0];
	_ =	sdelay $0x4  }
0x10b: {  	[tilespmem:$0x28E0] =	vst v0  }
0x10c: {  	v0 =	vld [tilespmem:s31+$0x14F0];
	_ =	sdelay $0x4  }
0x10d: {  	[tilespmem:$0x28F0] =	vst v0  }
0x10e: {  	_ =	swait.ge [sflag:s23], $0x4000  }
0x10f: {  	[sflag:s23] =	ssyncset.done $0x0  }
0x110: {  	[sflag:s23] =	ssyncadd.s32 $0xFFFFC000  }
0x111: {  	_ =	swait.ge [sflag:s24], $0x4000  }
0x112: {  	[sflag:s24] =	ssyncset.done $0x0  }
0x113: {  	s29 =	simm.s32 $0x100;
	[sflag:s24] =	ssyncadd.s32 $0xFFFFC000  }
0x114: {  	[tilespmem:s19], [sflag:$0x1] =	stream.indirect.gather [hbm4b:s1+s18], $0x80, s29, s18, $0xb8;
	[tilespmem:$0x1E500] =	vst v63  }
0x115: {  	_ = 	snop  }
0x116: {  	[spmem:s2] =	stream.indirect.scatter.add.f32 [tilespmem:s21], [sflag:$0x4], $0x80, s25, s18, $0xb8;
	[tilespmem:$0x1E500] =	vst v63  }
0x117: {  	v63 =	vld [tilespmem:s31+$0x1500];
	_ =	sdelay $0x4  }
0x118: {  	[tilespmem:$0x2800] =	vst v63  }
0x119: {  	v0 =	vld [tilespmem:s31+$0x1510];
	_ =	sdelay $0x4  }
0x11a: {  	[tilespmem:$0x2810] =	vst v0  }
0x11b: {  	v0 =	vld [tilespmem:s31+$0x1520];
	_ =	sdelay $0x4  }
0x11c: {  	[tilespmem:$0x2820] =	vst v0  }
0x11d: {  	v0 =	vld [tilespmem:s31+$0x1530];
	_ =	sdelay $0x4  }
0x11e: {  	[tilespmem:$0x2830] =	vst v0  }
0x11f: {  	v0 =	vld [tilespmem:s31+$0x1540];
	_ =	sdelay $0x4  }
0x120: {  	[tilespmem:$0x2840] =	vst v0  }
0x121: {  	v0 =	vld [tilespmem:s31+$0x1550];
	_ =	sdelay $0x4  }
0x122: {  	[tilespmem:$0x2850] =	vst v0  }
0x123: {  	v0 =	vld [tilespmem:s31+$0x1560];
	_ =	sdelay $0x4  }
0x124: {  	[tilespmem:$0x2860] =	vst v0  }
0x125: {  	v0 =	vld [tilespmem:s31+$0x1570];
	_ =	sdelay $0x4  }
0x126: {  	[tilespmem:$0x2870] =	vst v0  }
0x127: {  	_ =	swait.ge [sflag:s20], $0x4000  }
0x128: {  	[sflag:s20] =	ssyncset.done $0x0  }
0x129: {  	[sflag:s20] =	ssyncadd.s32 $0xFFFFC000  }
0x12a: {  	_ =	swait.ge [sflag:s26], $0x4000  }
0x12b: {  	s30 =	simm.s32 $0x800;
	[sflag:s26] =	ssyncset.done $0x0  }
0x12c: {  	s29 =	simm.s32 $0x100;
	s31 =	simm.s32 $0x180;
	[sflag:s26] =	ssyncadd.s32 $0xFFFFC000  }
0x12d: {  	[tilespmem:s21], [sflag:$0x2] =	stream.indirect.gather [hbm4b:s1+s18], $0x80, s31, s18, $0xb8;
	[tilespmem:$0x1E500] =	vst v63  }
.LBB2_4:
0x12e: {  	[spmem:s2] =	stream.indirect.scatter.add.f32 [tilespmem:s19], [sflag:$0x3], $0x80, s22, s18, $0xb8;
	[tilespmem:$0x1E500] =	vst v63  }
0x12f: {  	s31 =	sshra.s32 s30, $0x2;
	p0 =	sne.s32 s30, $0x4800;
	s30 =	sadd.s32 $0x400, s30;
	v0 =	vld [tilespmem:s29+$0x1480]  }
0x130: {  	_ =	sdelay $0x3  }
0x131: {  	[tilespmem:$0x2880] =	vst v0  }
0x132: {  	v0 =	vld [tilespmem:s29+$0x1490];
	_ =	sdelay $0x4  }
0x133: {  	[tilespmem:$0x2890] =	vst v0  }
0x134: {  	v0 =	vld [tilespmem:s29+$0x14A0];
	_ =	sdelay $0x4  }
0x135: {  	[tilespmem:$0x28A0] =	vst v0  }
0x136: {  	v0 =	vld [tilespmem:s29+$0x14B0];
	_ =	sdelay $0x4  }
0x137: {  	[tilespmem:$0x28B0] =	vst v0  }
0x138: {  	v0 =	vld [tilespmem:s29+$0x14C0];
	_ =	sdelay $0x4  }
0x139: {  	[tilespmem:$0x28C0] =	vst v0  }
0x13a: {  	v0 =	vld [tilespmem:s29+$0x14D0];
	_ =	sdelay $0x4  }
0x13b: {  	[tilespmem:$0x28D0] =	vst v0  }
0x13c: {  	v0 =	vld [tilespmem:s29+$0x14E0];
	_ =	sdelay $0x4  }
0x13d: {  	[tilespmem:$0x28E0] =	vst v0  }
0x13e: {  	v0 =	vld [tilespmem:s29+$0x14F0];
	_ =	sdelay $0x4  }
0x13f: {  	[tilespmem:$0x28F0] =	vst v0  }
0x140: {  	_ =	swait.ge [sflag:s23], $0x4000  }
0x141: {  	[sflag:s23] =	ssyncset.done $0x0  }
0x142: {  	[sflag:s23] =	ssyncadd.s32 $0xFFFFC000  }
0x143: {  	_ =	swait.ge [sflag:s24], $0x4000  }
0x144: {  	[sflag:s24] =	ssyncset.done $0x0  }
0x145: {  	s0 =	sadd.s32 $0x100, s29;
	[sflag:s24] =	ssyncadd.s32 $0xFFFFC000  }
0x146: {  	[tilespmem:s19], [sflag:$0x1] =	stream.indirect.gather [hbm4b:s1+s18], $0x80, s0, s18, $0xb8;
	[tilespmem:$0x1E500] =	vst v63  }
0x147: {  	_ = 	snop  }
0x148: {  	[spmem:s2] =	stream.indirect.scatter.add.f32 [tilespmem:s21], [sflag:$0x4], $0x80, s25, s18, $0xb8;
	[tilespmem:$0x1E500] =	vst v63  }
0x149: {  	v0 =	vld [tilespmem:s29+$0x1500];
	_ =	sdelay $0x4  }
0x14a: {  	[tilespmem:$0x2800] =	vst v0  }
0x14b: {  	v0 =	vld [tilespmem:s29+$0x1510];
	_ =	sdelay $0x4  }
0x14c: {  	[tilespmem:$0x2810] =	vst v0  }
0x14d: {  	v0 =	vld [tilespmem:s29+$0x1520];
	_ =	sdelay $0x4  }
0x14e: {  	[tilespmem:$0x2820] =	vst v0  }
0x14f: {  	v0 =	vld [tilespmem:s29+$0x1530];
	_ =	sdelay $0x4  }
0x150: {  	[tilespmem:$0x2830] =	vst v0  }
0x151: {  	v0 =	vld [tilespmem:s29+$0x1540];
	_ =	sdelay $0x4  }
0x152: {  	[tilespmem:$0x2840] =	vst v0  }
0x153: {  	v0 =	vld [tilespmem:s29+$0x1550];
	_ =	sdelay $0x4  }
0x154: {  	[tilespmem:$0x2850] =	vst v0  }
0x155: {  	v0 =	vld [tilespmem:s29+$0x1560];
	_ =	sdelay $0x4  }
0x156: {  	[tilespmem:$0x2860] =	vst v0  }
0x157: {  	v0 =	vld [tilespmem:s29+$0x1570];
	_ =	sdelay $0x4  }
0x158: {  	[tilespmem:$0x2870] =	vst v0  }
0x159: {  	_ =	swait.ge [sflag:s20], $0x4000  }
0x15a: {  	[sflag:s20] =	ssyncset.done $0x0  }
.Ltmp1:
0x15b: {  	[sflag:s20] =	ssyncadd.s32 $0xFFFFC000;
	(pc) =	sbr.rel @p0 .LBB2_4-.Ltmp1, $4  }
0x15c: {  	_ =	swait.ge [sflag:s26], $0x4000  }
0x15d: {  	[sflag:s26] =	ssyncset.done $0x0  }
0x15e: {  	s0 =	sadd.s32 $0x180, s29;
	s29 =	smov.u32 s31;
	[sflag:s26] =	ssyncadd.s32 $0xFFFFC000  }
0x15f: {  	[tilespmem:s21], [sflag:$0x2] =	stream.indirect.gather [hbm4b:s1+s18], $0x80, s0, s18, $0xb8;
	[tilespmem:$0x1E500] =	vst v63  }
0x160: {  	[spmem:s2] =	stream.indirect.scatter.add.f32 [tilespmem:s19], [sflag:$0x3], $0x80, s22, s18, $0xb8;
	[tilespmem:$0x1E500] =	vst v63  }
0x161: {  	v0 =	vld [tilespmem:s29+$0x1480];
	_ =	sdelay $0x4  }
0x162: {  	[tilespmem:$0x2880] =	vst v0  }
0x163: {  	v0 =	vld [tilespmem:s29+$0x1490];
	_ =	sdelay $0x4  }
0x164: {  	[tilespmem:$0x2890] =	vst v0  }
0x165: {  	v0 =	vld [tilespmem:s29+$0x14A0];
	_ =	sdelay $0x4  }
0x166: {  	[tilespmem:$0x28A0] =	vst v0  }
0x167: {  	v0 =	vld [tilespmem:s29+$0x14B0];
	_ =	sdelay $0x4  }
0x168: {  	[tilespmem:$0x28B0] =	vst v0  }
0x169: {  	v0 =	vld [tilespmem:s29+$0x14C0];
	_ =	sdelay $0x4  }
0x16a: {  	[tilespmem:$0x28C0] =	vst v0  }
0x16b: {  	v0 =	vld [tilespmem:s29+$0x14D0];
	_ =	sdelay $0x4  }
0x16c: {  	[tilespmem:$0x28D0] =	vst v0  }
0x16d: {  	v0 =	vld [tilespmem:s29+$0x14E0];
	_ =	sdelay $0x4  }
0x16e: {  	[tilespmem:$0x28E0] =	vst v0  }
0x16f: {  	v0 =	vld [tilespmem:s29+$0x14F0];
	_ =	sdelay $0x4  }
0x170: {  	[tilespmem:$0x28F0] =	vst v0  }
0x171: {  	_ =	swait.ge [sflag:s23], $0x4000  }
0x172: {  	[sflag:s23] =	ssyncset.done $0x0  }
0x173: {  	[sflag:s23] =	ssyncadd.s32 $0xFFFFC000  }
0x174: {  	_ =	swait.ge [sflag:s24], $0x4000  }
0x175: {  	[sflag:s24] =	ssyncset.done $0x0  }
0x176: {  	s0 =	sadd.s32 $0x100, s29;
	[sflag:s24] =	ssyncadd.s32 $0xFFFFC000  }
0x177: {  	[tilespmem:s19], [sflag:$0x1] =	stream.indirect.gather [hbm4b:s1+s18], $0x80, s0, s18, $0xb8;
	[tilespmem:$0x1E500] =	vst v63  }
0x178: {  	_ = 	snop  }
0x179: {  	[spmem:s2] =	stream.indirect.scatter.add.f32 [tilespmem:s21], [sflag:$0x4], $0x80, s25, s18, $0xb8;
	[tilespmem:$0x1E500] =	vst v63  }
0x17a: {  	v50 =	vld [tilespmem:s29+$0x1500];
	_ =	sdelay $0x4  }
0x17b: {  	[tilespmem:$0x2800] =	vst v50  }
0x17c: {  	v0 =	vld [tilespmem:s29+$0x1510];
	_ =	sdelay $0x4  }
0x17d: {  	[tilespmem:$0x2810] =	vst v0  }
0x17e: {  	v0 =	vld [tilespmem:s29+$0x1520];
	_ =	sdelay $0x4  }
0x17f: {  	[tilespmem:$0x2820] =	vst v0  }
0x180: {  	v0 =	vld [tilespmem:s29+$0x1530];
	_ =	sdelay $0x4  }
0x181: {  	[tilespmem:$0x2830] =	vst v0  }
0x182: {  	v0 =	vld [tilespmem:s29+$0x1540];
	_ =	sdelay $0x4  }
0x183: {  	[tilespmem:$0x2840] =	vst v0  }
0x184: {  	v0 =	vld [tilespmem:s29+$0x1550];
	_ =	sdelay $0x4  }
0x185: {  	[tilespmem:$0x2850] =	vst v0  }
0x186: {  	v0 =	vld [tilespmem:s29+$0x1560];
	_ =	sdelay $0x4  }
0x187: {  	[tilespmem:$0x2860] =	vst v0  }
0x188: {  	v0 =	vld [tilespmem:s29+$0x1570];
	_ =	sdelay $0x4  }
0x189: {  	[tilespmem:$0x2870] =	vst v0  }
0x18a: {  	_ =	swait.ge [sflag:s20], $0x4000  }
0x18b: {  	[sflag:s20] =	ssyncset.done $0x0  }
0x18c: {  	[sflag:s20] =	ssyncadd.s32 $0xFFFFC000  }
0x18d: {  	_ =	swait.ge [sflag:s26], $0x4000  }
0x18e: {  	[sflag:s26] =	ssyncset.done $0x0  }
0x18f: {  	s31 =	sadd.s32 $0x180, s29;
	[sflag:s26] =	ssyncadd.s32 $0xFFFFC000  }
0x190: {  	[tilespmem:s21], [sflag:$0x2] =	stream.indirect.gather [hbm4b:s1+s18], $0x80, s31, s18, $0xb8;
	[tilespmem:$0x1E500] =	vst v63  }
0x191: {  	_ = 	snop  }
0x192: {  	[spmem:s2] =	stream.indirect.scatter.add.f32 [tilespmem:s19], [sflag:$0x3], $0x80, s22, s18, $0xb8;
	[tilespmem:$0x1E500] =	vst v63  }
0x193: {  	v51 =	vld [tilespmem:$0x2780]  }
0x194: {  	v1 =	vld [tilespmem:$0x2790]  }
0x195: {  	v2 =	vld [tilespmem:$0x27A0]  }
0x196: {  	v3 =	vld [tilespmem:$0x27B0]  }
0x197: {  	v4 =	vld [tilespmem:$0x27C0]  }
0x198: {  	v52 =	vld [tilespmem:$0x27D0];
	[tilespmem:$0x2880] =	vst v51  }
0x199: {  	v53 =	vld [tilespmem:$0x27E0];
	[tilespmem:$0x2890] =	vst v1  }
0x19a: {  	v54 =	vld [tilespmem:$0x27F0];
	[tilespmem:$0x28A0] =	vst v2  }
0x19b: {  	[tilespmem:$0x28B0] =	vst v3  }
0x19c: {  	[tilespmem:$0x28C0] =	vst v4  }
0x19d: {  	[tilespmem:$0x28D0] =	vst v52  }
0x19e: {  	[tilespmem:$0x28E0] =	vst v53  }
0x19f: {  	[tilespmem:$0x28F0] =	vst v54  }
0x1a0: {  	_ =	swait.ge [sflag:s23], $0x4000  }
0x1a1: {  	[sflag:s23] =	ssyncset.done $0x0  }
0x1a2: {  	[sflag:s23] =	ssyncadd.s32 $0xFFFFC000  }
0x1a3: {  	_ =	swait.ge [sflag:s24], $0x4000  }
0x1a4: {  	[sflag:s24] =	ssyncset.done $0x0  }
0x1a5: {  	[sflag:s24] =	ssyncadd.s32 $0xFFFFC000  }
0x1a6: {  	[spmem:s2] =	stream.indirect.scatter.add.f32 [tilespmem:s21], [sflag:$0x4], $0x80, s25, s18, $0xb8;
	[tilespmem:$0x1E500] =	vst v63  }
0x1a7: {  	_ =	swait.ge [sflag:s26], $0x4000  }
0x1a8: {  	[sflag:s26] =	ssyncset.done $0x0  }
0x1a9: {  	[sflag:s26] =	ssyncadd.s32 $0xFFFFC000  }
0x1aa: {  	[bflag:$0x0] =	sbarrier.arrive $0xFFFF  }
0x1ab: {  	[hbm:s12], [sflag:s7] =	dma.local [spmem:s15], $0x2780  }
0x1ac: {  	_ =	swait.ge [sflag:s16], $0x2780  }
0x1ad: {  	[sflag:s16] =	ssyncset.done $0x0  }
0x1ae: {  	[sflag:s16] =	ssyncadd.s32 $0xFFFFD880  }
0x1af: {  	[bflag:$0x0] =	sbarrier.arrive $0xFFFF  }
0x1b0: {  	[spmem:s15], [sflag:s7] =	dma.local [hbm:s5], $0x2780  }
0x1b1: {  	_ =	swait.ge [sflag:s16], $0x2780  }
0x1b2: {  	[sflag:s16] =	ssyncset.done $0x0  }
0x1b3: {  	s31 =	simm.s32 $0x0;
	[sflag:s16] =	ssyncadd.s32 $0xFFFFD880  }
0x1b4: {  	[tilespmem:s19], [sflag:$0x5] =	stream.linear.gather [hbm4b:s6+s31], $0x4000, $0x38;
	[tilespmem:$0x1E500] =	vst v63  }
0x1b5: {  	_ =	swait.ge [sflag:s16], $0x4000  }
0x1b6: {  	[sflag:s16] =	ssyncset.done $0x0  }
0x1b7: {  	[sflag:s16] =	ssyncadd.s32 $0xFFFFC000  }
0x1b8: {  	[bflag:$0x0] =	sbarrier.arrive $0xFFFF  }
0x1b9: {  	[tilespmem:s17], [sflag:$0x5] =	stream.linear.gather [hbm4b:s9+s31], $0x1400, $0x38;
	[tilespmem:$0x1E500] =	vst v63  }
0x1ba: {  	_ =	swait.ge [sflag:s16], $0x1400  }
0x1bb: {  	[sflag:s16] =	ssyncset.done $0x0  }
0x1bc: {  	[sflag:s16] =	ssyncadd.s32 $0xFFFFEC00  }
0x1bd: {  	v55 =	vld [tilespmem:$0x1400]  }
0x1be: {  	v56 =	vld [tilespmem:$0x1410]  }
0x1bf: {  	v57 =	vld [tilespmem:$0x1420]  }
0x1c0: {  	v58 =	vld [tilespmem:$0x1430]  }
0x1c1: {  	v59 =	vld [tilespmem:$0x1440]  }
0x1c2: {  	v60 =	vld [tilespmem:$0x1450];
	[tilespmem:$0x2800] =	vst v55  }
0x1c3: {  	v61 =	vld [tilespmem:$0x1460];
	[tilespmem:$0x2810] =	vst v56  }
0x1c4: {  	v62 =	vld [tilespmem:$0x1470];
	[tilespmem:$0x2820] =	vst v57  }
0x1c5: {  	[tilespmem:$0x2830] =	vst v58  }
0x1c6: {  	[tilespmem:$0x2840] =	vst v59  }
0x1c7: {  	[tilespmem:$0x2850] =	vst v60  }
0x1c8: {  	[tilespmem:$0x2860] =	vst v61  }
0x1c9: {  	s31 =	simm.s32 $0x0;
	[tilespmem:$0x2870] =	vst v62  }
0x1ca: {  	[spmem:s2] =	stream.indirect.scatter.add.f32 [tilespmem:s19], [sflag:$0x3], $0x80, s22, s18, $0xb8;
	[tilespmem:$0x1E500] =	vst v63  }
0x1cb: {  	v0 =	vld [tilespmem:s31+$0x1480];
	_ =	sdelay $0x4  }
0x1cc: {  	[tilespmem:$0x2880] =	vst v0  }
0x1cd: {  	v0 =	vld [tilespmem:s31+$0x1490];
	_ =	sdelay $0x4  }
0x1ce: {  	[tilespmem:$0x2890] =	vst v0  }
0x1cf: {  	v0 =	vld [tilespmem:s31+$0x14A0];
	_ =	sdelay $0x4  }
0x1d0: {  	[tilespmem:$0x28A0] =	vst v0  }
0x1d1: {  	v0 =	vld [tilespmem:s31+$0x14B0];
	_ =	sdelay $0x4  }
0x1d2: {  	[tilespmem:$0x28B0] =	vst v0  }
0x1d3: {  	v0 =	vld [tilespmem:s31+$0x14C0];
	_ =	sdelay $0x4  }
0x1d4: {  	[tilespmem:$0x28C0] =	vst v0  }
0x1d5: {  	v0 =	vld [tilespmem:s31+$0x14D0];
	_ =	sdelay $0x4  }
0x1d6: {  	[tilespmem:$0x28D0] =	vst v0  }
0x1d7: {  	v0 =	vld [tilespmem:s31+$0x14E0];
	_ =	sdelay $0x4  }
0x1d8: {  	[tilespmem:$0x28E0] =	vst v0  }
0x1d9: {  	v0 =	vld [tilespmem:s31+$0x14F0];
	_ =	sdelay $0x4  }
0x1da: {  	[tilespmem:$0x28F0] =	vst v0  }
0x1db: {  	_ =	swait.ge [sflag:s24], $0x4000  }
0x1dc: {  	[sflag:s24] =	ssyncset.done $0x0  }
0x1dd: {  	[sflag:s24] =	ssyncadd.s32 $0xFFFFC000  }
0x1de: {  	[spmem:s2] =	stream.indirect.scatter.add.f32 [tilespmem:s19], [sflag:$0x4], $0x80, s25, s18, $0xb8;
	[tilespmem:$0x1E500] =	vst v63  }
0x1df: {  	v63 =	vld [tilespmem:s31+$0x1500];
	_ =	sdelay $0x4  }
0x1e0: {  	[tilespmem:$0x2800] =	vst v63  }
0x1e1: {  	v0 =	vld [tilespmem:s31+$0x1510];
	_ =	sdelay $0x4  }
0x1e2: {  	[tilespmem:$0x2810] =	vst v0  }
0x1e3: {  	v0 =	vld [tilespmem:s31+$0x1520];
	_ =	sdelay $0x4  }
0x1e4: {  	[tilespmem:$0x2820] =	vst v0  }
0x1e5: {  	v0 =	vld [tilespmem:s31+$0x1530];
	_ =	sdelay $0x4  }
0x1e6: {  	[tilespmem:$0x2830] =	vst v0  }
0x1e7: {  	v0 =	vld [tilespmem:s31+$0x1540];
	_ =	sdelay $0x4  }
0x1e8: {  	[tilespmem:$0x2840] =	vst v0  }
0x1e9: {  	v0 =	vld [tilespmem:s31+$0x1550];
	_ =	sdelay $0x4  }
0x1ea: {  	[tilespmem:$0x2850] =	vst v0  }
0x1eb: {  	v0 =	vld [tilespmem:s31+$0x1560];
	_ =	sdelay $0x4  }
0x1ec: {  	[tilespmem:$0x2860] =	vst v0  }
0x1ed: {  	v0 =	vld [tilespmem:s31+$0x1570];
	_ =	sdelay $0x4  }
0x1ee: {  	[tilespmem:$0x2870] =	vst v0  }
0x1ef: {  	_ =	swait.ge [sflag:s26], $0x4000  }
0x1f0: {  	[sflag:s26] =	ssyncset.done $0x0  }
0x1f1: {  	s30 =	simm.s32 $0x800;
	s29 =	simm.s32 $0x100;
	[sflag:s26] =	ssyncadd.s32 $0xFFFFC000  }
.LBB2_6:
0x1f2: {  	[spmem:s2] =	stream.indirect.scatter.add.f32 [tilespmem:s19], [sflag:$0x3], $0x80, s22, s18, $0xb8;
	[tilespmem:$0x1E500] =	vst v63  }
0x1f3: {  	s31 =	sshra.s32 s30, $0x2;
	p0 =	sne.s32 s30, $0x4800;
	s30 =	sadd.s32 $0x400, s30;
	v0 =	vld [tilespmem:s29+$0x1480]  }
0x1f4: {  	_ =	sdelay $0x3  }
0x1f5: {  	[tilespmem:$0x2880] =	vst v0  }
0x1f6: {  	v0 =	vld [tilespmem:s29+$0x1490];
	_ =	sdelay $0x4  }
0x1f7: {  	[tilespmem:$0x2890] =	vst v0  }
0x1f8: {  	v0 =	vld [tilespmem:s29+$0x14A0];
	_ =	sdelay $0x4  }
0x1f9: {  	[tilespmem:$0x28A0] =	vst v0  }
0x1fa: {  	v0 =	vld [tilespmem:s29+$0x14B0];
	_ =	sdelay $0x4  }
0x1fb: {  	[tilespmem:$0x28B0] =	vst v0  }
0x1fc: {  	v0 =	vld [tilespmem:s29+$0x14C0];
	_ =	sdelay $0x4  }
0x1fd: {  	[tilespmem:$0x28C0] =	vst v0  }
0x1fe: {  	v0 =	vld [tilespmem:s29+$0x14D0];
	_ =	sdelay $0x4  }
0x1ff: {  	[tilespmem:$0x28D0] =	vst v0  }
0x200: {  	v0 =	vld [tilespmem:s29+$0x14E0];
	_ =	sdelay $0x4  }
0x201: {  	[tilespmem:$0x28E0] =	vst v0  }
0x202: {  	v0 =	vld [tilespmem:s29+$0x14F0];
	_ =	sdelay $0x4  }
0x203: {  	[tilespmem:$0x28F0] =	vst v0  }
0x204: {  	_ =	swait.ge [sflag:s24], $0x4000  }
0x205: {  	[sflag:s24] =	ssyncset.done $0x0  }
0x206: {  	[sflag:s24] =	ssyncadd.s32 $0xFFFFC000  }
0x207: {  	[spmem:s2] =	stream.indirect.scatter.add.f32 [tilespmem:s19], [sflag:$0x4], $0x80, s25, s18, $0xb8;
	[tilespmem:$0x1E500] =	vst v63  }
0x208: {  	v0 =	vld [tilespmem:s29+$0x1500];
	_ =	sdelay $0x4  }
0x209: {  	[tilespmem:$0x2800] =	vst v0  }
0x20a: {  	v0 =	vld [tilespmem:s29+$0x1510];
	_ =	sdelay $0x4  }
0x20b: {  	[tilespmem:$0x2810] =	vst v0  }
0x20c: {  	v0 =	vld [tilespmem:s29+$0x1520];
	_ =	sdelay $0x4  }
0x20d: {  	[tilespmem:$0x2820] =	vst v0  }
0x20e: {  	v0 =	vld [tilespmem:s29+$0x1530];
	_ =	sdelay $0x4  }
0x20f: {  	[tilespmem:$0x2830] =	vst v0  }
0x210: {  	v0 =	vld [tilespmem:s29+$0x1540];
	_ =	sdelay $0x4  }
0x211: {  	[tilespmem:$0x2840] =	vst v0  }
0x212: {  	v0 =	vld [tilespmem:s29+$0x1550];
	_ =	sdelay $0x4  }
0x213: {  	[tilespmem:$0x2850] =	vst v0  }
0x214: {  	v0 =	vld [tilespmem:s29+$0x1560];
	_ =	sdelay $0x4  }
0x215: {  	[tilespmem:$0x2860] =	vst v0  }
0x216: {  	v0 =	vld [tilespmem:s29+$0x1570];
	s29 =	smov.u32 s31;
	_ =	sdelay $0x3  }
.Ltmp2:
0x217: {  	(pc) =	sbr.rel @p0 .LBB2_6-.Ltmp2, $4  }
0x218: {  	[tilespmem:$0x2870] =	vst v0  }
0x219: {  	_ =	swait.ge [sflag:s26], $0x4000  }
0x21a: {  	[sflag:s26] =	ssyncset.done $0x0  }
0x21b: {  	[sflag:s26] =	ssyncadd.s32 $0xFFFFC000  }
0x21c: {  	[spmem:s2] =	stream.indirect.scatter.add.f32 [tilespmem:s19], [sflag:$0x3], $0x80, s22, s18, $0xb8;
	[tilespmem:$0x1E500] =	vst v63  }
0x21d: {  	v0 =	vld [tilespmem:s29+$0x1480];
	_ =	sdelay $0x4  }
0x21e: {  	[tilespmem:$0x2880] =	vst v0  }
0x21f: {  	v0 =	vld [tilespmem:s29+$0x1490];
	_ =	sdelay $0x4  }
0x220: {  	[tilespmem:$0x2890] =	vst v0  }
0x221: {  	v0 =	vld [tilespmem:s29+$0x14A0];
	_ =	sdelay $0x4  }
0x222: {  	[tilespmem:$0x28A0] =	vst v0  }
0x223: {  	v0 =	vld [tilespmem:s29+$0x14B0];
	_ =	sdelay $0x4  }
0x224: {  	[tilespmem:$0x28B0] =	vst v0  }
0x225: {  	v0 =	vld [tilespmem:s29+$0x14C0];
	_ =	sdelay $0x4  }
0x226: {  	[tilespmem:$0x28C0] =	vst v0  }
0x227: {  	v0 =	vld [tilespmem:s29+$0x14D0];
	_ =	sdelay $0x4  }
0x228: {  	[tilespmem:$0x28D0] =	vst v0  }
0x229: {  	v0 =	vld [tilespmem:s29+$0x14E0];
	_ =	sdelay $0x4  }
0x22a: {  	[tilespmem:$0x28E0] =	vst v0  }
0x22b: {  	v0 =	vld [tilespmem:s29+$0x14F0];
	_ =	sdelay $0x4  }
0x22c: {  	[tilespmem:$0x28F0] =	vst v0  }
0x22d: {  	_ =	swait.ge [sflag:s24], $0x4000  }
0x22e: {  	[sflag:s24] =	ssyncset.done $0x0  }
0x22f: {  	[sflag:s24] =	ssyncadd.s32 $0xFFFFC000  }
0x230: {  	[spmem:s2] =	stream.indirect.scatter.add.f32 [tilespmem:s19], [sflag:$0x4], $0x80, s25, s18, $0xb8;
	[tilespmem:$0x1E500] =	vst v63  }
0x231: {  	v50 =	vld [tilespmem:s29+$0x1500];
	_ =	sdelay $0x4  }
0x232: {  	[tilespmem:$0x2800] =	vst v50  }
0x233: {  	v0 =	vld [tilespmem:s29+$0x1510];
	_ =	sdelay $0x4  }
0x234: {  	[tilespmem:$0x2810] =	vst v0  }
0x235: {  	v0 =	vld [tilespmem:s29+$0x1520];
	_ =	sdelay $0x4  }
0x236: {  	[tilespmem:$0x2820] =	vst v0  }
0x237: {  	v0 =	vld [tilespmem:s29+$0x1530];
	_ =	sdelay $0x4  }
0x238: {  	[tilespmem:$0x2830] =	vst v0  }
0x239: {  	v0 =	vld [tilespmem:s29+$0x1540];
	_ =	sdelay $0x4  }
0x23a: {  	[tilespmem:$0x2840] =	vst v0  }
0x23b: {  	v0 =	vld [tilespmem:s29+$0x1550];
	_ =	sdelay $0x4  }
0x23c: {  	[tilespmem:$0x2850] =	vst v0  }
0x23d: {  	v0 =	vld [tilespmem:s29+$0x1560];
	_ =	sdelay $0x4  }
0x23e: {  	[tilespmem:$0x2860] =	vst v0  }
0x23f: {  	v0 =	vld [tilespmem:s29+$0x1570];
	_ =	sdelay $0x4  }
0x240: {  	[tilespmem:$0x2870] =	vst v0  }
0x241: {  	_ =	swait.ge [sflag:s26], $0x4000  }
0x242: {  	[sflag:s26] =	ssyncset.done $0x0  }
0x243: {  	[sflag:s26] =	ssyncadd.s32 $0xFFFFC000  }
0x244: {  	[spmem:s2] =	stream.indirect.scatter.add.f32 [tilespmem:s19], [sflag:$0x3], $0x80, s22, s18, $0xb8;
	[tilespmem:$0x1E500] =	vst v63  }
0x245: {  	v51 =	vld [tilespmem:$0x2780]  }
0x246: {  	v1 =	vld [tilespmem:$0x2790]  }
0x247: {  	v2 =	vld [tilespmem:$0x27A0]  }
0x248: {  	v3 =	vld [tilespmem:$0x27B0]  }
0x249: {  	v4 =	vld [tilespmem:$0x27C0]  }
0x24a: {  	v52 =	vld [tilespmem:$0x27D0];
	[tilespmem:$0x2880] =	vst v51  }
0x24b: {  	v53 =	vld [tilespmem:$0x27E0];
	[tilespmem:$0x2890] =	vst v1  }
0x24c: {  	v54 =	vld [tilespmem:$0x27F0];
	[tilespmem:$0x28A0] =	vst v2  }
0x24d: {  	[tilespmem:$0x28B0] =	vst v3  }
0x24e: {  	[tilespmem:$0x28C0] =	vst v4  }
0x24f: {  	[tilespmem:$0x28D0] =	vst v52  }
0x250: {  	[tilespmem:$0x28E0] =	vst v53  }
0x251: {  	[tilespmem:$0x28F0] =	vst v54  }
0x252: {  	_ =	swait.ge [sflag:s24], $0x4000  }
0x253: {  	[sflag:s24] =	ssyncset.done $0x0  }
0x254: {  	[sflag:s24] =	ssyncadd.s32 $0xFFFFC000  }
0x255: {  	[spmem:s2] =	stream.indirect.scatter.add.f32 [tilespmem:s19], [sflag:$0x4], $0x80, s25, s18, $0xb8;
	[tilespmem:$0x1E500] =	vst v63  }
0x256: {  	_ =	swait.ge [sflag:s26], $0x4000  }
0x257: {  	[sflag:s26] =	ssyncset.done $0x0  }
0x258: {  	s0 =	simm.s32 $0x0;
	[sflag:s26] =	ssyncadd.s32 $0xFFFFC000  }
0x259: {  	[tilespmem:s17], [sflag:$0x5] =	stream.linear.gather [hbm4b:s11+s0], $0x1400, $0x38;
	[tilespmem:$0x1E500] =	vst v63  }
0x25a: {  	_ =	swait.ge [sflag:s16], $0x1400  }
0x25b: {  	[sflag:s16] =	ssyncset.done $0x0  }
0x25c: {  	[sflag:s16] =	ssyncadd.s32 $0xFFFFEC00  }
0x25d: {  	v55 =	vld [tilespmem:$0x1400]  }
0x25e: {  	v56 =	vld [tilespmem:$0x1410]  }
0x25f: {  	v57 =	vld [tilespmem:$0x1420]  }
0x260: {  	v58 =	vld [tilespmem:$0x1430]  }
0x261: {  	v59 =	vld [tilespmem:$0x1440]  }
0x262: {  	v60 =	vld [tilespmem:$0x1450];
	[tilespmem:$0x2800] =	vst v55  }
0x263: {  	v61 =	vld [tilespmem:$0x1460];
	[tilespmem:$0x2810] =	vst v56  }
0x264: {  	v62 =	vld [tilespmem:$0x1470];
	[tilespmem:$0x2820] =	vst v57  }
0x265: {  	[tilespmem:$0x2830] =	vst v58  }
0x266: {  	[tilespmem:$0x2840] =	vst v59  }
0x267: {  	[tilespmem:$0x2850] =	vst v60  }
0x268: {  	[tilespmem:$0x2860] =	vst v61  }
0x269: {  	s31 =	simm.s32 $0x0;
	[tilespmem:$0x2870] =	vst v62  }
0x26a: {  	[spmem:s2] =	stream.indirect.scatter.add.f32 [tilespmem:s19], [sflag:$0x3], $0x80, s22, s18, $0xb8;
	[tilespmem:$0x1E500] =	vst v63  }
0x26b: {  	v0 =	vld [tilespmem:s31+$0x1480];
	_ =	sdelay $0x4  }
0x26c: {  	[tilespmem:$0x2880] =	vst v0  }
0x26d: {  	v0 =	vld [tilespmem:s31+$0x1490];
	_ =	sdelay $0x4  }
0x26e: {  	[tilespmem:$0x2890] =	vst v0  }
0x26f: {  	v0 =	vld [tilespmem:s31+$0x14A0];
	_ =	sdelay $0x4  }
0x270: {  	[tilespmem:$0x28A0] =	vst v0  }
0x271: {  	v0 =	vld [tilespmem:s31+$0x14B0];
	_ =	sdelay $0x4  }
0x272: {  	[tilespmem:$0x28B0] =	vst v0  }
0x273: {  	v0 =	vld [tilespmem:s31+$0x14C0];
	_ =	sdelay $0x4  }
0x274: {  	[tilespmem:$0x28C0] =	vst v0  }
0x275: {  	v0 =	vld [tilespmem:s31+$0x14D0];
	_ =	sdelay $0x4  }
0x276: {  	[tilespmem:$0x28D0] =	vst v0  }
0x277: {  	v0 =	vld [tilespmem:s31+$0x14E0];
	_ =	sdelay $0x4  }
0x278: {  	[tilespmem:$0x28E0] =	vst v0  }
0x279: {  	v0 =	vld [tilespmem:s31+$0x14F0];
	_ =	sdelay $0x4  }
0x27a: {  	[tilespmem:$0x28F0] =	vst v0  }
0x27b: {  	_ =	swait.ge [sflag:s24], $0x4000  }
0x27c: {  	[sflag:s24] =	ssyncset.done $0x0  }
0x27d: {  	[sflag:s24] =	ssyncadd.s32 $0xFFFFC000  }
0x27e: {  	[spmem:s2] =	stream.indirect.scatter.add.f32 [tilespmem:s19], [sflag:$0x4], $0x80, s25, s18, $0xb8;
	[tilespmem:$0x1E500] =	vst v63  }
0x27f: {  	v63 =	vld [tilespmem:s31+$0x1500];
	_ =	sdelay $0x4  }
0x280: {  	[tilespmem:$0x2800] =	vst v63  }
0x281: {  	v0 =	vld [tilespmem:s31+$0x1510];
	_ =	sdelay $0x4  }
0x282: {  	[tilespmem:$0x2810] =	vst v0  }
0x283: {  	v0 =	vld [tilespmem:s31+$0x1520];
	_ =	sdelay $0x4  }
0x284: {  	[tilespmem:$0x2820] =	vst v0  }
0x285: {  	v0 =	vld [tilespmem:s31+$0x1530];
	_ =	sdelay $0x4  }
0x286: {  	[tilespmem:$0x2830] =	vst v0  }
0x287: {  	v0 =	vld [tilespmem:s31+$0x1540];
	_ =	sdelay $0x4  }
0x288: {  	[tilespmem:$0x2840] =	vst v0  }
0x289: {  	v0 =	vld [tilespmem:s31+$0x1550];
	_ =	sdelay $0x4  }
0x28a: {  	[tilespmem:$0x2850] =	vst v0  }
0x28b: {  	v0 =	vld [tilespmem:s31+$0x1560];
	_ =	sdelay $0x4  }
0x28c: {  	[tilespmem:$0x2860] =	vst v0  }
0x28d: {  	v0 =	vld [tilespmem:s31+$0x1570];
	_ =	sdelay $0x4  }
0x28e: {  	[tilespmem:$0x2870] =	vst v0  }
0x28f: {  	_ =	swait.ge [sflag:s26], $0x4000  }
0x290: {  	[sflag:s26] =	ssyncset.done $0x0  }
0x291: {  	s30 =	simm.s32 $0x800;
	s29 =	simm.s32 $0x100;
	[sflag:s26] =	ssyncadd.s32 $0xFFFFC000  }
.LBB2_8:
0x292: {  	[spmem:s2] =	stream.indirect.scatter.add.f32 [tilespmem:s19], [sflag:$0x3], $0x80, s22, s18, $0xb8;
	[tilespmem:$0x1E500] =	vst v63  }
0x293: {  	s31 =	sshra.s32 s30, $0x2;
	p0 =	sne.s32 s30, $0x4800;
	s30 =	sadd.s32 $0x400, s30;
	v0 =	vld [tilespmem:s29+$0x1480]  }
0x294: {  	_ =	sdelay $0x3  }
0x295: {  	[tilespmem:$0x2880] =	vst v0  }
0x296: {  	v0 =	vld [tilespmem:s29+$0x1490];
	_ =	sdelay $0x4  }
0x297: {  	[tilespmem:$0x2890] =	vst v0  }
0x298: {  	v0 =	vld [tilespmem:s29+$0x14A0];
	_ =	sdelay $0x4  }
0x299: {  	[tilespmem:$0x28A0] =	vst v0  }
0x29a: {  	v0 =	vld [tilespmem:s29+$0x14B0];
	_ =	sdelay $0x4  }
0x29b: {  	[tilespmem:$0x28B0] =	vst v0  }
0x29c: {  	v0 =	vld [tilespmem:s29+$0x14C0];
	_ =	sdelay $0x4  }
0x29d: {  	[tilespmem:$0x28C0] =	vst v0  }
0x29e: {  	v0 =	vld [tilespmem:s29+$0x14D0];
	_ =	sdelay $0x4  }
0x29f: {  	[tilespmem:$0x28D0] =	vst v0  }
0x2a0: {  	v0 =	vld [tilespmem:s29+$0x14E0];
	_ =	sdelay $0x4  }
0x2a1: {  	[tilespmem:$0x28E0] =	vst v0  }
0x2a2: {  	v0 =	vld [tilespmem:s29+$0x14F0];
	_ =	sdelay $0x4  }
0x2a3: {  	[tilespmem:$0x28F0] =	vst v0  }
0x2a4: {  	_ =	swait.ge [sflag:s24], $0x4000  }
0x2a5: {  	[sflag:s24] =	ssyncset.done $0x0  }
0x2a6: {  	[sflag:s24] =	ssyncadd.s32 $0xFFFFC000  }
0x2a7: {  	[spmem:s2] =	stream.indirect.scatter.add.f32 [tilespmem:s19], [sflag:$0x4], $0x80, s25, s18, $0xb8;
	[tilespmem:$0x1E500] =	vst v63  }
0x2a8: {  	v0 =	vld [tilespmem:s29+$0x1500];
	_ =	sdelay $0x4  }
0x2a9: {  	[tilespmem:$0x2800] =	vst v0  }
0x2aa: {  	v0 =	vld [tilespmem:s29+$0x1510];
	_ =	sdelay $0x4  }
0x2ab: {  	[tilespmem:$0x2810] =	vst v0  }
0x2ac: {  	v0 =	vld [tilespmem:s29+$0x1520];
	_ =	sdelay $0x4  }
0x2ad: {  	[tilespmem:$0x2820] =	vst v0  }
0x2ae: {  	v0 =	vld [tilespmem:s29+$0x1530];
	_ =	sdelay $0x4  }
0x2af: {  	[tilespmem:$0x2830] =	vst v0  }
0x2b0: {  	v0 =	vld [tilespmem:s29+$0x1540];
	_ =	sdelay $0x4  }
0x2b1: {  	[tilespmem:$0x2840] =	vst v0  }
0x2b2: {  	v0 =	vld [tilespmem:s29+$0x1550];
	_ =	sdelay $0x4  }
0x2b3: {  	[tilespmem:$0x2850] =	vst v0  }
0x2b4: {  	v0 =	vld [tilespmem:s29+$0x1560];
	_ =	sdelay $0x4  }
0x2b5: {  	[tilespmem:$0x2860] =	vst v0  }
0x2b6: {  	v0 =	vld [tilespmem:s29+$0x1570];
	s29 =	smov.u32 s31;
	_ =	sdelay $0x3  }
.Ltmp3:
0x2b7: {  	(pc) =	sbr.rel @p0 .LBB2_8-.Ltmp3, $4  }
0x2b8: {  	[tilespmem:$0x2870] =	vst v0  }
0x2b9: {  	_ =	swait.ge [sflag:s26], $0x4000  }
0x2ba: {  	[sflag:s26] =	ssyncset.done $0x0  }
0x2bb: {  	[sflag:s26] =	ssyncadd.s32 $0xFFFFC000  }
0x2bc: {  	[spmem:s2] =	stream.indirect.scatter.add.f32 [tilespmem:s19], [sflag:$0x3], $0x80, s22, s18, $0xb8;
	[tilespmem:$0x1E500] =	vst v63  }
0x2bd: {  	v0 =	vld [tilespmem:s29+$0x1480];
	_ =	sdelay $0x4  }
0x2be: {  	[tilespmem:$0x2880] =	vst v0  }
0x2bf: {  	v0 =	vld [tilespmem:s29+$0x1490];
	_ =	sdelay $0x4  }
0x2c0: {  	[tilespmem:$0x2890] =	vst v0  }
0x2c1: {  	v0 =	vld [tilespmem:s29+$0x14A0];
	_ =	sdelay $0x4  }
0x2c2: {  	[tilespmem:$0x28A0] =	vst v0  }
0x2c3: {  	v0 =	vld [tilespmem:s29+$0x14B0];
	_ =	sdelay $0x4  }
0x2c4: {  	[tilespmem:$0x28B0] =	vst v0  }
0x2c5: {  	v0 =	vld [tilespmem:s29+$0x14C0];
	_ =	sdelay $0x4  }
0x2c6: {  	[tilespmem:$0x28C0] =	vst v0  }
0x2c7: {  	v0 =	vld [tilespmem:s29+$0x14D0];
	_ =	sdelay $0x4  }
0x2c8: {  	[tilespmem:$0x28D0] =	vst v0  }
0x2c9: {  	v0 =	vld [tilespmem:s29+$0x14E0];
	_ =	sdelay $0x4  }
0x2ca: {  	[tilespmem:$0x28E0] =	vst v0  }
0x2cb: {  	v0 =	vld [tilespmem:s29+$0x14F0];
	_ =	sdelay $0x4  }
0x2cc: {  	[tilespmem:$0x28F0] =	vst v0  }
0x2cd: {  	_ =	swait.ge [sflag:s24], $0x4000  }
0x2ce: {  	[sflag:s24] =	ssyncset.done $0x0  }
0x2cf: {  	[sflag:s24] =	ssyncadd.s32 $0xFFFFC000  }
0x2d0: {  	[spmem:s2] =	stream.indirect.scatter.add.f32 [tilespmem:s19], [sflag:$0x4], $0x80, s25, s18, $0xb8;
	[tilespmem:$0x1E500] =	vst v63  }
0x2d1: {  	v59 =	vld [tilespmem:s29+$0x1500];
	_ =	sdelay $0x4  }
0x2d2: {  	[tilespmem:$0x2800] =	vst v59  }
0x2d3: {  	v0 =	vld [tilespmem:s29+$0x1510];
	_ =	sdelay $0x4  }
0x2d4: {  	[tilespmem:$0x2810] =	vst v0  }
0x2d5: {  	v0 =	vld [tilespmem:s29+$0x1520];
	_ =	sdelay $0x4  }
0x2d6: {  	[tilespmem:$0x2820] =	vst v0  }
0x2d7: {  	v0 =	vld [tilespmem:s29+$0x1530];
	_ =	sdelay $0x4  }
0x2d8: {  	[tilespmem:$0x2830] =	vst v0  }
0x2d9: {  	v0 =	vld [tilespmem:s29+$0x1540];
	_ =	sdelay $0x4  }
0x2da: {  	[tilespmem:$0x2840] =	vst v0  }
0x2db: {  	v0 =	vld [tilespmem:s29+$0x1550];
	_ =	sdelay $0x4  }
0x2dc: {  	[tilespmem:$0x2850] =	vst v0  }
0x2dd: {  	v0 =	vld [tilespmem:s29+$0x1560];
	_ =	sdelay $0x4  }
0x2de: {  	[tilespmem:$0x2860] =	vst v0  }
0x2df: {  	v0 =	vld [tilespmem:s29+$0x1570];
	_ =	sdelay $0x4  }
0x2e0: {  	[tilespmem:$0x2870] =	vst v0  }
0x2e1: {  	_ =	swait.ge [sflag:s26], $0x4000  }
0x2e2: {  	[sflag:s26] =	ssyncset.done $0x0  }
0x2e3: {  	[sflag:s26] =	ssyncadd.s32 $0xFFFFC000  }
0x2e4: {  	[spmem:s2] =	stream.indirect.scatter.add.f32 [tilespmem:s19], [sflag:$0x3], $0x80, s22, s18, $0xb8;
	[tilespmem:$0x1E500] =	vst v63  }
0x2e5: {  	v60 =	vld [tilespmem:$0x2780]  }
0x2e6: {  	v1 =	vld [tilespmem:$0x2790]  }
0x2e7: {  	v2 =	vld [tilespmem:$0x27A0]  }
0x2e8: {  	v3 =	vld [tilespmem:$0x27B0]  }
0x2e9: {  	v4 =	vld [tilespmem:$0x27C0]  }
0x2ea: {  	v61 =	vld [tilespmem:$0x27D0];
	[tilespmem:$0x2880] =	vst v60  }
0x2eb: {  	v62 =	vld [tilespmem:$0x27E0];
	[tilespmem:$0x2890] =	vst v1  }
0x2ec: {  	v63 =	vld [tilespmem:$0x27F0];
	[tilespmem:$0x28A0] =	vst v2  }
0x2ed: {  	[tilespmem:$0x28B0] =	vst v3  }
0x2ee: {  	[tilespmem:$0x28C0] =	vst v4  }
0x2ef: {  	[tilespmem:$0x28D0] =	vst v61  }
0x2f0: {  	[tilespmem:$0x28E0] =	vst v62  }
0x2f1: {  	[tilespmem:$0x28F0] =	vst v63  }
0x2f2: {  	_ =	swait.ge [sflag:s24], $0x4000  }
0x2f3: {  	[sflag:s24] =	ssyncset.done $0x0  }
0x2f4: {  	[sflag:s24] =	ssyncadd.s32 $0xFFFFC000  }
0x2f5: {  	[spmem:s2] =	stream.indirect.scatter.add.f32 [tilespmem:s19], [sflag:$0x4], $0x80, s25, s18, $0xb8;
	[tilespmem:$0x1E500] =	vst v63  }
0x2f6: {  	_ =	swait.ge [sflag:s26], $0x4000  }
0x2f7: {  	s28 =	sadd.s32 $0x1, s28;
	[sflag:s26] =	ssyncset.done $0x0  }
0x2f8: {  	p0 =	sne.s32 s28, s14;
	[sflag:s26] =	ssyncadd.s32 $0xFFFFC000  }
.Ltmp4:
0x2f9: {  	[bflag:$0x0] =	sbarrier.arrive $0xFFFF;
	(pc) =	sbr.rel @p0 .LBB2_1-.Ltmp4, $4  }
0x2fa: {  	[hbm:s13], [sflag:s7] =	dma.local [spmem:s15], $0x2780  }
0x2fb: {  	_ =	swait.ge [sflag:s16], $0x2780  }
0x2fc: {  	[sflag:s16] =	ssyncset.done $0x0  }
0x2fd: {  	[sflag:s16] =	ssyncadd.s32 $0xFFFFD880  }
0x2fe: {  	_ =	sfence.sel $0x180000  }
0x2ff: {  	[bflag:$0x0] =	sbarrier.arrive $0xFFFF  }
0x300: {  	_ =	strace $0x90000047  }
0x301: {  	[bflag:$0x2] =	sbarrier.arrive $0xFFFF  }
0x302: {  	p0 =	sne.s32 s3, $0x0;
	s0 =	rddreg [dreg:$0x4]  }
0x303: {  	s0 =	sadd.s32 @!p0 $0x100000, s0  }
0x304: {  	[sflag:s0] =	ssyncadd.tile.s32 @!p0 $0x1;
	_ =	shalt  }
.Lfunc_end2:
_tile_overlayer_lowered:
.L_overlay_start_2:
0x305: {  	(tag) =	ssettag $0x2  }
0x306: {  	s0 =	rddreg [dreg:$0x0];
	s2 =	stileid.u32  }
0x307: {  	s1 =	rddreg [dreg:$0x1];
	p0 =	sne.s32 s2, $0x0  }
0x308: {  	s3 =	rddreg [dreg:$0x2];
	[bflag:$0x3] =	sbarrier.arrive $0xFFFF;
	s2 =	simm.s32 @!p0 $0x1C05  }
0x309: {  	[timem:s3], [sflag:s2] =	dma.local @!p0 [hbm:s0], s1  }
0x30a: {  	s0 =	simm.s32 @!p0 $0x5  }
0x30b: {  	_ =	swait.ge @!p0 [sflag:s0], s1  }
0x30c: {  	s1 =	ssub.s32 @!p0 $0x0, s1;
	[sflag:s0] =	ssyncset.done @!p0 $0x0  }
0x30d: {  	[sflag:s0] =	ssyncadd.s32 @!p0 s1  }
0x30e: {  	[bflag:$0x3] =	sbarrier.arrive $0xFFFF  }
0x30f: {  	_ =	shalt  }

</sc_bundles>
